<compile_context>
chip_gen: v7x
topology: tpu7x:2x2x1
jax: 0.10.2.dev20260603
libtpu: 0.0.44.dev20260713+nightly
codegen_flags: <defaults>
</compile_context>

<pallas_src>
import functools

import jax
import jax.numpy as jnp
from jax import lax
from jax.experimental import pallas as pl
from jax.experimental.pallas import tpu as pltpu
from jax.experimental.pallas import tpu_sc as plsc

_L = 16


@functools.lru_cache(maxsize=None)
def _make_sc_kernel(B, Nv, K, SB):
    info = plsc.get_sparse_core_info()
    NC, NS = info.num_cores, info.num_subcores
    NW = NC * NS
    QP = NW // B
    full_sbs = Nv // SB
    sb_extra = full_sbs % QP
    sb_base = full_sbs // QP
    tail = Nv - full_sbs * SB
    tail_n0 = full_sbs * SB
    tb = tail // _L
    rem = tail - tb * _L

    mesh = plsc.VectorSubcoreMesh(core_axis_name="c", subcore_axis_name="s")

    @functools.partial(
        pl.kernel,
        out_type=jax.ShapeDtypeStruct((NW, _L), jnp.float32),
        mesh=mesh,
        compiler_params=pltpu.CompilerParams(
            needs_layout_passes=False, use_tc_tiling_on_sc=False),
        scratch_types=[
            pltpu.VMEM((Nv,), jnp.float32),
            pltpu.VMEM((Nv,), jnp.float32),
            pltpu.VMEM((SB, K), jnp.int32),
            pltpu.VMEM((SB, K), jnp.float32),
            pltpu.VMEM((_L,), jnp.int32),
            pltpu.VMEM((_L,), jnp.float32),
        ],
    )
    def sc(pred_hbm, a_hbm, ind_hbm, bidx_hbm, out_hbm,
           x_v, y_v, ind_v, a_v, bidx_v, acc_v):
        wid = lax.axis_index("s") * NC + lax.axis_index("c")
        b = wid // QP
        q = wid - b * QP
        iota = lax.iota(jnp.int32, _L)

        pltpu.sync_copy(pred_hbm.at[b, 0], x_v)
        pltpu.sync_copy(pred_hbm.at[b, 1], y_v)
        pltpu.sync_copy(bidx_hbm, bidx_v)
        bvec = bidx_v[...]

        def do_block(rows, n0, lmask):
            zero = jnp.zeros((_L,), jnp.float32)
            sx = [zero, zero]
            sy = [zero, zero]
            for k in range(K):
                colk = jnp.full((_L,), k, jnp.int32)
                if lmask is None:
                    icol = plsc.load_gather(ind_v, [rows, colk])
                    acol = plsc.load_gather(a_v, [rows, colk])
                else:
                    icol = plsc.load_gather(ind_v, [rows, colk], mask=lmask)
                    icol = jnp.where(lmask, icol, 0)
                    acol = plsc.load_gather(a_v, [rows, colk], mask=lmask)
                    acol = jnp.where(lmask, acol, jnp.float32(0.0))
                xv = plsc.load_gather(x_v, [icol])
                yv = plsc.load_gather(y_v, [icol])
                sx[k & 1] = sx[k & 1] + acol * xv
                sy[k & 1] = sy[k & 1] + acol * yv
            nid = n0 + rows
            m = (nid != 0) & (nid != bvec)
            if lmask is not None:
                m = m & lmask
            mag = jnp.abs(sx[0] + sx[1]) + jnp.abs(sy[0] + sy[1])
            return jnp.where(m, mag, jnp.float32(0.0))

        def run_blocks(n0, nblocks, acc):
            def jbody(j, a):
                rows = j * _L + iota
                return a + do_block(rows, n0, None)
            return lax.fori_loop(0, nblocks, jbody, acc)

        acc = jnp.zeros((_L,), jnp.float32)

        def sb_body(i, a):
            n0 = (q + i * QP) * SB
            pltpu.sync_copy(ind_hbm.at[pl.ds(n0, SB)], ind_v)
            pltpu.sync_copy(a_hbm.at[b, pl.ds(n0, SB)], a_v)
            return run_blocks(n0, SB // _L, a)

        nsb = jnp.where(q < sb_extra, sb_base + 1, sb_base)
        acc = lax.fori_loop(0, nsb, sb_body, acc)

        if tail:
            tail_q = QP - 1 if sb_extra else 0

            @pl.when(q == tail_q)
            def _():
                t = jnp.zeros((_L,), jnp.float32)
                pltpu.sync_copy(ind_hbm.at[pl.ds(tail_n0, tail)],
                                ind_v.at[pl.ds(0, tail)])
                pltpu.sync_copy(a_hbm.at[b, pl.ds(tail_n0, tail)],
                                a_v.at[pl.ds(0, tail)])
                if tb:
                    t = run_blocks(tail_n0, tb, t)
                if rem:
                    rows = tb * _L + iota
                    t = t + do_block(rows, tail_n0, rows < tail)
                acc_v[...] = t

            @pl.when(q != tail_q)
            def _():
                acc_v[...] = jnp.zeros((_L,), jnp.float32)

            acc_v[...] = acc_v[...] + acc
        else:
            acc_v[...] = acc
        pltpu.sync_copy(acc_v, out_hbm.at[wid])

    return sc


def kernel(pred, A, org_ind, bound_num):
    B, _, Nv = pred.shape
    K = A.shape[2]
    bidx = jnp.floor(bound_num / 2).astype(jnp.int32)
    bidx_arr = jnp.full((_L,), bidx, jnp.int32)
    ind = jnp.asarray(org_ind, jnp.int32)
    partials = _make_sc_kernel(B, Nv, K, 256)(pred, A, ind, bidx_arr)
    return jnp.sum(partials) / jnp.float32(2 * B * (Nv - 1))

# --- scband reference (transcript-rebuilt; emitter-appended) ---
"""Pipeline reference for scband-loss-func-4956392260079 (READ-ONLY COPY).

The authoritative reference and input builder live on the scoring server;
editing this copy changes nothing except your own understanding.
"""

import jax, jax.numpy as jnp
import numpy as np
import math


def setup_inputs(seed: int = 0) -> dict:
    key = jax.random.key(seed)
    k1, k2, k3 = jax.random.split(key, 3)
    pred = jax.random.normal(k1, (8, 2, 50000), dtype=jnp.float32)
    A = jax.random.normal(k2, (8, 50000, 32), dtype=jnp.float32)
    org_ind = jax.random.randint(k3, (50000, 32), 0, 50000, dtype=jnp.int64 if jax.config.jax_enable_x64 else jnp.int32)
    bound_num = 10
    return {"pred": pred, "A": A, "org_ind": org_ind, "bound_num": bound_num}


def reference(pred, A, org_ind, bound_num):
    batch_size, _, Nv = pred.shape
    # in-place zeroing of boundary row (functional in jax)
    bound_idx = jnp.floor(bound_num / 2).astype(jnp.int32)
    A = A.at[:, bound_idx, :].set(0.0)
    x = pred[:, 0, :]
    y = pred[:, 1, :]
    ind = org_ind.reshape(-1)
    K = A.shape[2]
    new_x = jnp.take(x, ind, axis=1).reshape((batch_size, Nv, K))
    new_y = jnp.take(y, ind, axis=1).reshape((batch_size, Nv, K))
    bx_hat = jnp.sum((A * new_x)[:, 1:, :], axis=2)
    by_hat = jnp.sum((A * new_y)[:, 1:, :], axis=2)
    b_hat = jnp.stack((bx_hat, by_hat))
    return jnp.mean(jnp.abs(b_hat))

if __name__ == "__main__":
    import jax
    _d = setup_inputs()
    print(jax.jit(kernel)(*tuple(_d.values())))

</pallas_src>

<mosaic_0001>
#map = affine_map<(d0, d1) -> (0, 0, 0)>
#map1 = affine_map<(d0, d1) -> (0, 0)>
#map2 = affine_map<(d0, d1) -> (0)>
module attributes {stable_mosaic.version = 14 : i64} {
  func.func @sc(%arg0: i32, %arg1: i32, %arg2: memref<8x2x50000xf32, #tpu.memory_space<hbm>>, %arg3: memref<8x50000x32xf32, #tpu.memory_space<hbm>>, %arg4: memref<50000x32xi32, #tpu.memory_space<hbm>>, %arg5: memref<16xi32, #tpu.memory_space<hbm>>, %arg6: memref<32x16xf32, #tpu.memory_space<hbm>>, %arg7: memref<50000xf32, #tpu.memory_space<vmem>>, %arg8: memref<50000xf32, #tpu.memory_space<vmem>>, %arg9: memref<256x32xi32, #tpu.memory_space<vmem>>, %arg10: memref<256x32xf32, #tpu.memory_space<vmem>>, %arg11: memref<16xi32, #tpu.memory_space<vmem>>, %arg12: memref<16xf32, #tpu.memory_space<vmem>>) attributes {dimension_semantics = [#tpu.dimension_semantics<core_parallel>, #tpu.dimension_semantics<subcore_parallel>], iteration_bounds = array<i64: 2, 16>, scalar_prefetch = 0 : i64, scratch_operands = 6 : i64, tpu.core_type = #tpu.core_type<sc_vector_subcore>, window_params = [{transform_indices = #map}, {transform_indices = #map}, {transform_indices = #map1}, {transform_indices = #map2}, {transform_indices = #map1}]} {
    %mul3A = arith.constant 2 : i32
    %mul3A_0 = arith.muli %arg1, %mul3A : i32
    %add3A = arith.addi %mul3A_0, %arg0 : i32
    %jit3A = arith.constant 4 : i32
    %div3A = arith.divsi %add3A, %jit3A : i32
    %sign3A = arith.constant 0 : i32
    %sign3A_1 = arith.cmpi sgt, %add3A, %sign3A : i32
    %sign3A_2 = arith.extui %sign3A_1 : i1 to i32
    %sign3A_3 = arith.constant 0 : i32
    %sign3A_4 = arith.cmpi slt, %add3A, %sign3A_3 : i32
    %sign3A_5 = arith.extui %sign3A_4 : i1 to i32
    %sign3A_6 = arith.subi %sign3A_2, %sign3A_5 : i32
    %sign3A_7 = arith.constant 0 : i32
    %sign3A_8 = arith.cmpi sgt, %jit3A, %sign3A_7 : i32
    %sign3A_9 = arith.extui %sign3A_8 : i1 to i32
    %sign3A_10 = arith.constant 0 : i32
    %sign3A_11 = arith.cmpi slt, %jit3A, %sign3A_10 : i32
    %sign3A_12 = arith.extui %sign3A_11 : i1 to i32
    %sign3A_13 = arith.subi %sign3A_9, %sign3A_12 : i32
    %ne3A = arith.cmpi ne, %sign3A_6, %sign3A_13 : i32
    %rem3A = arith.remsi %add3A, %jit3A : i32
    %ne3A_14 = arith.constant 0 : i32
    %ne3A_15 = arith.cmpi ne, %rem3A, %ne3A_14 : i32
    %and3A = arith.andi %ne3A, %ne3A_15 : i1
    %sub3A = arith.constant 1 : i32
    %sub3A_16 = arith.subi %div3A, %sub3A : i32
    %select_n3A = arith.select %and3A, %sub3A_16, %div3A : i32
    %mul3A_17 = arith.constant 4 : i32
    %mul3A_18 = arith.muli %select_n3A, %mul3A_17 : i32
    %sub3A_19 = arith.subi %add3A, %mul3A_18 : i32
    %iota3A = tpu.iota {dimensions = array<i32: 0>} : vector<16xi32>
    %run_scoped3A = arith.constant 0 : i32
    "tpu.region"() ({
      %run_scoped3A_48 = tpu.sem_alloc : memref<!tpu.dma_semaphore, #tpu.memory_space<semaphore_mem>>
      %dma_start3A = arith.constant 0 : i32
      %dma_start3A_49 = tpu.memref_slice %arg2[%select_n3A, %run_scoped3A, %dma_start3A] : memref<8x2x50000xf32, #tpu.memory_space<hbm>> -> memref<1x1x50000xf32, #tpu.memory_space<hbm>>
      %dma_start3A_50 = tpu.memref_squeeze %dma_start3A_49 : memref<1x1x50000xf32, #tpu.memory_space<hbm>> -> memref<50000xf32, #tpu.memory_space<hbm>>
      %dma_start3A_51 = arith.constant 0 : i32
      %dma_start3A_52 = tpu.memref_slice %arg2[%select_n3A, %run_scoped3A, %dma_start3A_51] : memref<8x2x50000xf32, #tpu.memory_space<hbm>> -> memref<1x1x50000xf32, #tpu.memory_space<hbm>>
      %dma_start3A_53 = tpu.memref_squeeze %dma_start3A_52 : memref<1x1x50000xf32, #tpu.memory_space<hbm>> -> memref<50000xf32, #tpu.memory_space<hbm>>
      tpu.enqueue_dma source(%dma_start3A_53 : memref<50000xf32, #tpu.memory_space<hbm>>) target(%arg7 : memref<50000xf32, #tpu.memory_space<vmem>>) target_semaphore(%run_scoped3A_48 : memref<!tpu.dma_semaphore, #tpu.memory_space<semaphore_mem>>)
      %dma_wait3A = arith.constant 0 : i32
      %dma_wait3A_54 = tpu.memref_slice %arg2[%select_n3A, %run_scoped3A, %dma_wait3A] : memref<8x2x50000xf32, #tpu.memory_space<hbm>> -> memref<1x1x50000xf32, #tpu.memory_space<hbm>>
      %dma_wait3A_55 = tpu.memref_squeeze %dma_wait3A_54 : memref<1x1x50000xf32, #tpu.memory_space<hbm>> -> memref<50000xf32, #tpu.memory_space<hbm>>
      %dma_wait3A_56 = arith.constant 0 : i32
      %dma_wait3A_57 = tpu.memref_slice %arg2[%select_n3A, %run_scoped3A, %dma_wait3A_56] : memref<8x2x50000xf32, #tpu.memory_space<hbm>> -> memref<1x1x50000xf32, #tpu.memory_space<hbm>>
      %dma_wait3A_58 = tpu.memref_squeeze %dma_wait3A_57 : memref<1x1x50000xf32, #tpu.memory_space<hbm>> -> memref<50000xf32, #tpu.memory_space<hbm>>
      tpu.wait_dma2 semaphore(%run_scoped3A_48 : memref<!tpu.dma_semaphore, #tpu.memory_space<semaphore_mem>>) src(%dma_wait3A_58 : memref<50000xf32, #tpu.memory_space<hbm>>) dst(%arg7 : memref<50000xf32, #tpu.memory_space<vmem>>)
      tpu.yield
    }) : () -> ()
    %run_scoped3A_20 = arith.constant 1 : i32
    "tpu.region"() ({
      %run_scoped3A_48 = tpu.sem_alloc : memref<!tpu.dma_semaphore, #tpu.memory_space<semaphore_mem>>
      %dma_start3A = arith.constant 0 : i32
      %dma_start3A_49 = tpu.memref_slice %arg2[%select_n3A, %run_scoped3A_20, %dma_start3A] : memref<8x2x50000xf32, #tpu.memory_space<hbm>> -> memref<1x1x50000xf32, #tpu.memory_space<hbm>>
      %dma_start3A_50 = tpu.memref_squeeze %dma_start3A_49 : memref<1x1x50000xf32, #tpu.memory_space<hbm>> -> memref<50000xf32, #tpu.memory_space<hbm>>
      %dma_start3A_51 = arith.constant 0 : i32
      %dma_start3A_52 = tpu.memref_slice %arg2[%select_n3A, %run_scoped3A_20, %dma_start3A_51] : memref<8x2x50000xf32, #tpu.memory_space<hbm>> -> memref<1x1x50000xf32, #tpu.memory_space<hbm>>
      %dma_start3A_53 = tpu.memref_squeeze %dma_start3A_52 : memref<1x1x50000xf32, #tpu.memory_space<hbm>> -> memref<50000xf32, #tpu.memory_space<hbm>>
      tpu.enqueue_dma source(%dma_start3A_53 : memref<50000xf32, #tpu.memory_space<hbm>>) target(%arg8 : memref<50000xf32, #tpu.memory_space<vmem>>) target_semaphore(%run_scoped3A_48 : memref<!tpu.dma_semaphore, #tpu.memory_space<semaphore_mem>>)
      %dma_wait3A = arith.constant 0 : i32
      %dma_wait3A_54 = tpu.memref_slice %arg2[%select_n3A, %run_scoped3A_20, %dma_wait3A] : memref<8x2x50000xf32, #tpu.memory_space<hbm>> -> memref<1x1x50000xf32, #tpu.memory_space<hbm>>
      %dma_wait3A_55 = tpu.memref_squeeze %dma_wait3A_54 : memref<1x1x50000xf32, #tpu.memory_space<hbm>> -> memref<50000xf32, #tpu.memory_space<hbm>>
      %dma_wait3A_56 = arith.constant 0 : i32
      %dma_wait3A_57 = tpu.memref_slice %arg2[%select_n3A, %run_scoped3A_20, %dma_wait3A_56] : memref<8x2x50000xf32, #tpu.memory_space<hbm>> -> memref<1x1x50000xf32, #tpu.memory_space<hbm>>
      %dma_wait3A_58 = tpu.memref_squeeze %dma_wait3A_57 : memref<1x1x50000xf32, #tpu.memory_space<hbm>> -> memref<50000xf32, #tpu.memory_space<hbm>>
      tpu.wait_dma2 semaphore(%run_scoped3A_48 : memref<!tpu.dma_semaphore, #tpu.memory_space<semaphore_mem>>) src(%dma_wait3A_58 : memref<50000xf32, #tpu.memory_space<hbm>>) dst(%arg8 : memref<50000xf32, #tpu.memory_space<vmem>>)
      tpu.yield
    }) : () -> ()
    "tpu.region"() ({
      %run_scoped3A_48 = tpu.sem_alloc : memref<!tpu.dma_semaphore, #tpu.memory_space<semaphore_mem>>
      tpu.enqueue_dma source(%arg5 : memref<16xi32, #tpu.memory_space<hbm>>) target(%arg11 : memref<16xi32, #tpu.memory_space<vmem>>) target_semaphore(%run_scoped3A_48 : memref<!tpu.dma_semaphore, #tpu.memory_space<semaphore_mem>>)
      tpu.wait_dma2 semaphore(%run_scoped3A_48 : memref<!tpu.dma_semaphore, #tpu.memory_space<semaphore_mem>>) src(%arg5 : memref<16xi32, #tpu.memory_space<hbm>>) dst(%arg11 : memref<16xi32, #tpu.memory_space<vmem>>)
      tpu.yield
    }) : () -> ()
    %get3A = arith.constant 0 : index
    %get3A_21 = tpu.vector_load %arg11[%get3A] {strides = array<i32>} : memref<16xi32, #tpu.memory_space<vmem>>, vector<16xi32>,
    %broadcast_in_dim3A = arith.constant 0.000000e+00 : f32
    %broadcast_in_dim3A_22 = vector.broadcast %broadcast_in_dim3A : f32 to vector<16xf32>
    %lt3A = arith.constant 3 : i32
    %lt3A_23 = arith.cmpi slt, %sub3A_19, %lt3A : i32
    %jit3A_24 = arith.constant 49 : i32
    %jit3A_25 = arith.constant 48 : i32
    %select_n3A_26 = arith.select %lt3A_23, %jit3A_24, %jit3A_25 : i32
    %while3A = arith.constant 0 : i32
    %while3A_27 = arith.subi %select_n3A_26, %while3A : i32
    %while3A_28 = arith.addi %while3A, %while3A_27 : i32
    %while3A_29 = arith.constant 1 : i32
    %while3A_30 = arith.divsi %while3A_27, %while3A_29 : i32
    %while3A_31 = arith.muli %while3A_30, %while3A_29 : i32
    %while3A_32 = arith.addi %while3A, %while3A_31 : i32
    %while3A_33 = arith.constant 1 : i32
    %while3A_34 = scf.for %while3A_48 = %while3A to %while3A_32 step %while3A_33 iter_args(%while3A_49 = %broadcast_in_dim3A_22) -> (vector<16xf32>)  : i32 {
      %mul3A_50 = arith.constant 4 : i32
      %mul3A_51 = arith.muli %while3A_48, %mul3A_50 : i32
      %add3A_52 = arith.addi %sub3A_19, %mul3A_51 : i32
      %mul3A_53 = arith.constant 256 : i32
      %mul3A_54 = arith.muli %add3A_52, %mul3A_53 : i32
      "tpu.region"() ({
        %run_scoped3A_60 = tpu.sem_alloc : memref<!tpu.dma_semaphore, #tpu.memory_space<semaphore_mem>>
        %dma_start3A = arith.constant 0 : i32
        %dma_start3A_61 = tpu.memref_slice %arg4[%mul3A_54, %dma_start3A] : memref<50000x32xi32, #tpu.memory_space<hbm>> -> memref<256x32xi32, #tpu.memory_space<hbm>>
        %dma_start3A_62 = arith.constant 0 : i32
        %dma_start3A_63 = tpu.memref_slice %arg4[%mul3A_54, %dma_start3A_62] : memref<50000x32xi32, #tpu.memory_space<hbm>> -> memref<256x32xi32, #tpu.memory_space<hbm>>
        tpu.enqueue_dma source(%dma_start3A_63 : memref<256x32xi32, #tpu.memory_space<hbm>>) target(%arg9 : memref<256x32xi32, #tpu.memory_space<vmem>>) target_semaphore(%run_scoped3A_60 : memref<!tpu.dma_semaphore, #tpu.memory_space<semaphore_mem>>)
        %dma_wait3A = arith.constant 0 : i32
        %dma_wait3A_64 = tpu.memref_slice %arg4[%mul3A_54, %dma_wait3A] : memref<50000x32xi32, #tpu.memory_space<hbm>> -> memref<256x32xi32, #tpu.memory_space<hbm>>
        %dma_wait3A_65 = arith.constant 0 : i32
        %dma_wait3A_66 = tpu.memref_slice %arg4[%mul3A_54, %dma_wait3A_65] : memref<50000x32xi32, #tpu.memory_space<hbm>> -> memref<256x32xi32, #tpu.memory_space<hbm>>
        tpu.wait_dma2 semaphore(%run_scoped3A_60 : memref<!tpu.dma_semaphore, #tpu.memory_space<semaphore_mem>>) src(%dma_wait3A_66 : memref<256x32xi32, #tpu.memory_space<hbm>>) dst(%arg9 : memref<256x32xi32, #tpu.memory_space<vmem>>)
        tpu.yield
      }) : () -> ()
      "tpu.region"() ({
        %run_scoped3A_60 = tpu.sem_alloc : memref<!tpu.dma_semaphore, #tpu.memory_space<semaphore_mem>>
        %dma_start3A = arith.constant 0 : i32
        %dma_start3A_61 = tpu.memref_slice %arg3[%select_n3A, %mul3A_54, %dma_start3A] : memref<8x50000x32xf32, #tpu.memory_space<hbm>> -> memref<1x256x32xf32, #tpu.memory_space<hbm>>
        %dma_start3A_62 = tpu.memref_squeeze %dma_start3A_61 : memref<1x256x32xf32, #tpu.memory_space<hbm>> -> memref<256x32xf32, #tpu.memory_space<hbm>>
        %dma_start3A_63 = arith.constant 0 : i32
        %dma_start3A_64 = tpu.memref_slice %arg3[%select_n3A, %mul3A_54, %dma_start3A_63] : memref<8x50000x32xf32, #tpu.memory_space<hbm>> -> memref<1x256x32xf32, #tpu.memory_space<hbm>>
        %dma_start3A_65 = tpu.memref_squeeze %dma_start3A_64 : memref<1x256x32xf32, #tpu.memory_space<hbm>> -> memref<256x32xf32, #tpu.memory_space<hbm>>
        tpu.enqueue_dma source(%dma_start3A_65 : memref<256x32xf32, #tpu.memory_space<hbm>>) target(%arg10 : memref<256x32xf32, #tpu.memory_space<vmem>>) target_semaphore(%run_scoped3A_60 : memref<!tpu.dma_semaphore, #tpu.memory_space<semaphore_mem>>)
        %dma_wait3A = arith.constant 0 : i32
        %dma_wait3A_66 = tpu.memref_slice %arg3[%select_n3A, %mul3A_54, %dma_wait3A] : memref<8x50000x32xf32, #tpu.memory_space<hbm>> -> memref<1x256x32xf32, #tpu.memory_space<hbm>>
        %dma_wait3A_67 = tpu.memref_squeeze %dma_wait3A_66 : memref<1x256x32xf32, #tpu.memory_space<hbm>> -> memref<256x32xf32, #tpu.memory_space<hbm>>
        %dma_wait3A_68 = arith.constant 0 : i32
        %dma_wait3A_69 = tpu.memref_slice %arg3[%select_n3A, %mul3A_54, %dma_wait3A_68] : memref<8x50000x32xf32, #tpu.memory_space<hbm>> -> memref<1x256x32xf32, #tpu.memory_space<hbm>>
        %dma_wait3A_70 = tpu.memref_squeeze %dma_wait3A_69 : memref<1x256x32xf32, #tpu.memory_space<hbm>> -> memref<256x32xf32, #tpu.memory_space<hbm>>
        tpu.wait_dma2 semaphore(%run_scoped3A_60 : memref<!tpu.dma_semaphore, #tpu.memory_space<semaphore_mem>>) src(%dma_wait3A_70 : memref<256x32xf32, #tpu.memory_space<hbm>>) dst(%arg10 : memref<256x32xf32, #tpu.memory_space<vmem>>)
        tpu.yield
      }) : () -> ()
      %scan3A = arith.constant 0 : i32
      %scan3A_55 = arith.constant 16 : i32
      %scan3A_56 = arith.addi %scan3A, %scan3A_55 : i32
      %scan3A_57 = arith.constant 1 : i32
      %scan3A_58 = scf.for %scan3A_60 = %scan3A to %scan3A_56 step %scan3A_57 iter_args(%scan3A_61 = %while3A_49) -> (vector<16xf32>)  : i32 {
        %mul3A_62 = arith.constant 16 : i32
        %mul3A_63 = arith.muli %scan3A_60, %mul3A_62 : i32
        %add3A_64 = vector.broadcast %mul3A_63 : i32 to vector<16xi32>
        %add3A_65 = arith.addi %add3A_64, %iota3A : vector<16xi32>
        %broadcast_in_dim3A_66 = arith.constant 0.000000e+00 : f32
        %broadcast_in_dim3A_67 = vector.broadcast %broadcast_in_dim3A_66 : f32 to vector<16xf32>
        %broadcast_in_dim3A_68 = arith.constant 0 : i32
        %broadcast_in_dim3A_69 = vector.broadcast %broadcast_in_dim3A_68 : i32 to vector<16xi32>
        %gather3A = tpu.vector_load_idx %arg9[%add3A_65, %broadcast_in_dim3A_69] : memref<256x32xi32, #tpu.memory_space<vmem>>[vector<16xi32>, vector<16xi32>], vector<16xi32>,
        %gather3A_70 = tpu.vector_load_idx %arg10[%add3A_65, %broadcast_in_dim3A_69] : memref<256x32xf32, #tpu.memory_space<vmem>>[vector<16xi32>, vector<16xi32>], vector<16xf32>,
        %gather3A_71 = tpu.vector_load_idx %arg7[%gather3A] : memref<50000xf32, #tpu.memory_space<vmem>>[vector<16xi32>], vector<16xf32>,
        %gather3A_72 = tpu.vector_load_idx %arg8[%gather3A] : memref<50000xf32, #tpu.memory_space<vmem>>[vector<16xi32>], vector<16xf32>,
        %mul3A_73 = arith.mulf %gather3A_70, %gather3A_71 : vector<16xf32>
        %add3A_74 = arith.addf %broadcast_in_dim3A_67, %mul3A_73 : vector<16xf32>
        %mul3A_75 = arith.mulf %gather3A_70, %gather3A_72 : vector<16xf32>
        %add3A_76 = arith.addf %broadcast_in_dim3A_67, %mul3A_75 : vector<16xf32>
        %broadcast_in_dim3A_77 = arith.constant 1 : i32
        %broadcast_in_dim3A_78 = vector.broadcast %broadcast_in_dim3A_77 : i32 to vector<16xi32>
        %gather3A_79 = tpu.vector_load_idx %arg9[%add3A_65, %broadcast_in_dim3A_78] : memref<256x32xi32, #tpu.memory_space<vmem>>[vector<16xi32>, vector<16xi32>], vector<16xi32>,
        %gather3A_80 = tpu.vector_load_idx %arg10[%add3A_65, %broadcast_in_dim3A_78] : memref<256x32xf32, #tpu.memory_space<vmem>>[vector<16xi32>, vector<16xi32>], vector<16xf32>,
        %gather3A_81 = tpu.vector_load_idx %arg7[%gather3A_79] : memref<50000xf32, #tpu.memory_space<vmem>>[vector<16xi32>], vector<16xf32>,
        %gather3A_82 = tpu.vector_load_idx %arg8[%gather3A_79] : memref<50000xf32, #tpu.memory_space<vmem>>[vector<16xi32>], vector<16xf32>,
        %mul3A_83 = arith.mulf %gather3A_80, %gather3A_81 : vector<16xf32>
        %add3A_84 = arith.addf %broadcast_in_dim3A_67, %mul3A_83 : vector<16xf32>
        %mul3A_85 = arith.mulf %gather3A_80, %gather3A_82 : vector<16xf32>
        %add3A_86 = arith.addf %broadcast_in_dim3A_67, %mul3A_85 : vector<16xf32>
        %broadcast_in_dim3A_87 = arith.constant 2 : i32
        %broadcast_in_dim3A_88 = vector.broadcast %broadcast_in_dim3A_87 : i32 to vector<16xi32>
        %gather3A_89 = tpu.vector_load_idx %arg9[%add3A_65, %broadcast_in_dim3A_88] : memref<256x32xi32, #tpu.memory_space<vmem>>[vector<16xi32>, vector<16xi32>], vector<16xi32>,
        %gather3A_90 = tpu.vector_load_idx %arg10[%add3A_65, %broadcast_in_dim3A_88] : memref<256x32xf32, #tpu.memory_space<vmem>>[vector<16xi32>, vector<16xi32>], vector<16xf32>,
        %gather3A_91 = tpu.vector_load_idx %arg7[%gather3A_89] : memref<50000xf32, #tpu.memory_space<vmem>>[vector<16xi32>], vector<16xf32>,
        %gather3A_92 = tpu.vector_load_idx %arg8[%gather3A_89] : memref<50000xf32, #tpu.memory_space<vmem>>[vector<16xi32>], vector<16xf32>,
        %mul3A_93 = arith.mulf %gather3A_90, %gather3A_91 : vector<16xf32>
        %add3A_94 = arith.addf %add3A_74, %mul3A_93 : vector<16xf32>
        %mul3A_95 = arith.mulf %gather3A_90, %gather3A_92 : vector<16xf32>
        %add3A_96 = arith.addf %add3A_76, %mul3A_95 : vector<16xf32>
        %broadcast_in_dim3A_97 = arith.constant 3 : i32
        %broadcast_in_dim3A_98 = vector.broadcast %broadcast_in_dim3A_97 : i32 to vector<16xi32>
        %gather3A_99 = tpu.vector_load_idx %arg9[%add3A_65, %broadcast_in_dim3A_98] : memref<256x32xi32, #tpu.memory_space<vmem>>[vector<16xi32>, vector<16xi32>], vector<16xi32>,
        %gather3A_100 = tpu.vector_load_idx %arg10[%add3A_65, %broadcast_in_dim3A_98] : memref<256x32xf32, #tpu.memory_space<vmem>>[vector<16xi32>, vector<16xi32>], vector<16xf32>,
        %gather3A_101 = tpu.vector_load_idx %arg7[%gather3A_99] : memref<50000xf32, #tpu.memory_space<vmem>>[vector<16xi32>], vector<16xf32>,
        %gather3A_102 = tpu.vector_load_idx %arg8[%gather3A_99] : memref<50000xf32, #tpu.memory_space<vmem>>[vector<16xi32>], vector<16xf32>,
        %mul3A_103 = arith.mulf %gather3A_100, %gather3A_101 : vector<16xf32>
        %add3A_104 = arith.addf %add3A_84, %mul3A_103 : vector<16xf32>
        %mul3A_105 = arith.mulf %gather3A_100, %gather3A_102 : vector<16xf32>
        %add3A_106 = arith.addf %add3A_86, %mul3A_105 : vector<16xf32>
        %broadcast_in_dim3A_107 = arith.constant 4 : i32
        %broadcast_in_dim3A_108 = vector.broadcast %broadcast_in_dim3A_107 : i32 to vector<16xi32>
        %gather3A_109 = tpu.vector_load_idx %arg9[%add3A_65, %broadcast_in_dim3A_108] : memref<256x32xi32, #tpu.memory_space<vmem>>[vector<16xi32>, vector<16xi32>], vector<16xi32>,
        %gather3A_110 = tpu.vector_load_idx %arg10[%add3A_65, %broadcast_in_dim3A_108] : memref<256x32xf32, #tpu.memory_space<vmem>>[vector<16xi32>, vector<16xi32>], vector<16xf32>,
        %gather3A_111 = tpu.vector_load_idx %arg7[%gather3A_109] : memref<50000xf32, #tpu.memory_space<vmem>>[vector<16xi32>], vector<16xf32>,
        %gather3A_112 = tpu.vector_load_idx %arg8[%gather3A_109] : memref<50000xf32, #tpu.memory_space<vmem>>[vector<16xi32>], vector<16xf32>,
        %mul3A_113 = arith.mulf %gather3A_110, %gather3A_111 : vector<16xf32>
        %add3A_114 = arith.addf %add3A_94, %mul3A_113 : vector<16xf32>
        %mul3A_115 = arith.mulf %gather3A_110, %gather3A_112 : vector<16xf32>
        %add3A_116 = arith.addf %add3A_96, %mul3A_115 : vector<16xf32>
        %broadcast_in_dim3A_117 = arith.constant 5 : i32
        %broadcast_in_dim3A_118 = vector.broadcast %broadcast_in_dim3A_117 : i32 to vector<16xi32>
        %gather3A_119 = tpu.vector_load_idx %arg9[%add3A_65, %broadcast_in_dim3A_118] : memref<256x32xi32, #tpu.memory_space<vmem>>[vector<16xi32>, vector<16xi32>], vector<16xi32>,
        %gather3A_120 = tpu.vector_load_idx %arg10[%add3A_65, %broadcast_in_dim3A_118] : memref<256x32xf32, #tpu.memory_space<vmem>>[vector<16xi32>, vector<16xi32>], vector<16xf32>,
        %gather3A_121 = tpu.vector_load_idx %arg7[%gather3A_119] : memref<50000xf32, #tpu.memory_space<vmem>>[vector<16xi32>], vector<16xf32>,
        %gather3A_122 = tpu.vector_load_idx %arg8[%gather3A_119] : memref<50000xf32, #tpu.memory_space<vmem>>[vector<16xi32>], vector<16xf32>,
        %mul3A_123 = arith.mulf %gather3A_120, %gather3A_121 : vector<16xf32>
        %add3A_124 = arith.addf %add3A_104, %mul3A_123 : vector<16xf32>
        %mul3A_125 = arith.mulf %gather3A_120, %gather3A_122 : vector<16xf32>
        %add3A_126 = arith.addf %add3A_106, %mul3A_125 : vector<16xf32>
        %broadcast_in_dim3A_127 = arith.constant 6 : i32
        %broadcast_in_dim3A_128 = vector.broadcast %broadcast_in_dim3A_127 : i32 to vector<16xi32>
        %gather3A_129 = tpu.vector_load_idx %arg9[%add3A_65, %broadcast_in_dim3A_128] : memref<256x32xi32, #tpu.memory_space<vmem>>[vector<16xi32>, vector<16xi32>], vector<16xi32>,
        %gather3A_130 = tpu.vector_load_idx %arg10[%add3A_65, %broadcast_in_dim3A_128] : memref<256x32xf32, #tpu.memory_space<vmem>>[vector<16xi32>, vector<16xi32>], vector<16xf32>,
        %gather3A_131 = tpu.vector_load_idx %arg7[%gather3A_129] : memref<50000xf32, #tpu.memory_space<vmem>>[vector<16xi32>], vector<16xf32>,
        %gather3A_132 = tpu.vector_load_idx %arg8[%gather3A_129] : memref<50000xf32, #tpu.memory_space<vmem>>[vector<16xi32>], vector<16xf32>,
        %mul3A_133 = arith.mulf %gather3A_130, %gather3A_131 : vector<16xf32>
        %add3A_134 = arith.addf %add3A_114, %mul3A_133 : vector<16xf32>
        %mul3A_135 = arith.mulf %gather3A_130, %gather3A_132 : vector<16xf32>
        %add3A_136 = arith.addf %add3A_116, %mul3A_135 : vector<16xf32>
        %broadcast_in_dim3A_137 = arith.constant 7 : i32
        %broadcast_in_dim3A_138 = vector.broadcast %broadcast_in_dim3A_137 : i32 to vector<16xi32>
        %gather3A_139 = tpu.vector_load_idx %arg9[%add3A_65, %broadcast_in_dim3A_138] : memref<256x32xi32, #tpu.memory_space<vmem>>[vector<16xi32>, vector<16xi32>], vector<16xi32>,
        %gather3A_140 = tpu.vector_load_idx %arg10[%add3A_65, %broadcast_in_dim3A_138] : memref<256x32xf32, #tpu.memory_space<vmem>>[vector<16xi32>, vector<16xi32>], vector<16xf32>,
        %gather3A_141 = tpu.vector_load_idx %arg7[%gather3A_139] : memref<50000xf32, #tpu.memory_space<vmem>>[vector<16xi32>], vector<16xf32>,
        %gather3A_142 = tpu.vector_load_idx %arg8[%gather3A_139] : memref<50000xf32, #tpu.memory_space<vmem>>[vector<16xi32>], vector<16xf32>,
        %mul3A_143 = arith.mulf %gather3A_140, %gather3A_141 : vector<16xf32>
        %add3A_144 = arith.addf %add3A_124, %mul3A_143 : vector<16xf32>
        %mul3A_145 = arith.mulf %gather3A_140, %gather3A_142 : vector<16xf32>
        %add3A_146 = arith.addf %add3A_126, %mul3A_145 : vector<16xf32>
        %broadcast_in_dim3A_147 = arith.constant 8 : i32
        %broadcast_in_dim3A_148 = vector.broadcast %broadcast_in_dim3A_147 : i32 to vector<16xi32>
        %gather3A_149 = tpu.vector_load_idx %arg9[%add3A_65, %broadcast_in_dim3A_148] : memref<256x32xi32, #tpu.memory_space<vmem>>[vector<16xi32>, vector<16xi32>], vector<16xi32>,
        %gather3A_150 = tpu.vector_load_idx %arg10[%add3A_65, %broadcast_in_dim3A_148] : memref<256x32xf32, #tpu.memory_space<vmem>>[vector<16xi32>, vector<16xi32>], vector<16xf32>,
        %gather3A_151 = tpu.vector_load_idx %arg7[%gather3A_149] : memref<50000xf32, #tpu.memory_space<vmem>>[vector<16xi32>], vector<16xf32>,
        %gather3A_152 = tpu.vector_load_idx %arg8[%gather3A_149] : memref<50000xf32, #tpu.memory_space<vmem>>[vector<16xi32>], vector<16xf32>,
        %mul3A_153 = arith.mulf %gather3A_150, %gather3A_151 : vector<16xf32>
        %add3A_154 = arith.addf %add3A_134, %mul3A_153 : vector<16xf32>
        %mul3A_155 = arith.mulf %gather3A_150, %gather3A_152 : vector<16xf32>
        %add3A_156 = arith.addf %add3A_136, %mul3A_155 : vector<16xf32>
        %broadcast_in_dim3A_157 = arith.constant 9 : i32
        %broadcast_in_dim3A_158 = vector.broadcast %broadcast_in_dim3A_157 : i32 to vector<16xi32>
        %gather3A_159 = tpu.vector_load_idx %arg9[%add3A_65, %broadcast_in_dim3A_158] : memref<256x32xi32, #tpu.memory_space<vmem>>[vector<16xi32>, vector<16xi32>], vector<16xi32>,
        %gather3A_160 = tpu.vector_load_idx %arg10[%add3A_65, %broadcast_in_dim3A_158] : memref<256x32xf32, #tpu.memory_space<vmem>>[vector<16xi32>, vector<16xi32>], vector<16xf32>,
        %gather3A_161 = tpu.vector_load_idx %arg7[%gather3A_159] : memref<50000xf32, #tpu.memory_space<vmem>>[vector<16xi32>], vector<16xf32>,
        %gather3A_162 = tpu.vector_load_idx %arg8[%gather3A_159] : memref<50000xf32, #tpu.memory_space<vmem>>[vector<16xi32>], vector<16xf32>,
        %mul3A_163 = arith.mulf %gather3A_160, %gather3A_161 : vector<16xf32>
        %add3A_164 = arith.addf %add3A_144, %mul3A_163 : vector<16xf32>
        %mul3A_165 = arith.mulf %gather3A_160, %gather3A_162 : vector<16xf32>
        %add3A_166 = arith.addf %add3A_146, %mul3A_165 : vector<16xf32>
        %broadcast_in_dim3A_167 = arith.constant 10 : i32
        %broadcast_in_dim3A_168 = vector.broadcast %broadcast_in_dim3A_167 : i32 to vector<16xi32>
        %gather3A_169 = tpu.vector_load_idx %arg9[%add3A_65, %broadcast_in_dim3A_168] : memref<256x32xi32, #tpu.memory_space<vmem>>[vector<16xi32>, vector<16xi32>], vector<16xi32>,
        %gather3A_170 = tpu.vector_load_idx %arg10[%add3A_65, %broadcast_in_dim3A_168] : memref<256x32xf32, #tpu.memory_space<vmem>>[vector<16xi32>, vector<16xi32>], vector<16xf32>,
        %gather3A_171 = tpu.vector_load_idx %arg7[%gather3A_169] : memref<50000xf32, #tpu.memory_space<vmem>>[vector<16xi32>], vector<16xf32>,
        %gather3A_172 = tpu.vector_load_idx %arg8[%gather3A_169] : memref<50000xf32, #tpu.memory_space<vmem>>[vector<16xi32>], vector<16xf32>,
        %mul3A_173 = arith.mulf %gather3A_170, %gather3A_171 : vector<16xf32>
        %add3A_174 = arith.addf %add3A_154, %mul3A_173 : vector<16xf32>
        %mul3A_175 = arith.mulf %gather3A_170, %gather3A_172 : vector<16xf32>
        %add3A_176 = arith.addf %add3A_156, %mul3A_175 : vector<16xf32>
        %broadcast_in_dim3A_177 = arith.constant 11 : i32
        %broadcast_in_dim3A_178 = vector.broadcast %broadcast_in_dim3A_177 : i32 to vector<16xi32>
        %gather3A_179 = tpu.vector_load_idx %arg9[%add3A_65, %broadcast_in_dim3A_178] : memref<256x32xi32, #tpu.memory_space<vmem>>[vector<16xi32>, vector<16xi32>], vector<16xi32>,
        %gather3A_180 = tpu.vector_load_idx %arg10[%add3A_65, %broadcast_in_dim3A_178] : memref<256x32xf32, #tpu.memory_space<vmem>>[vector<16xi32>, vector<16xi32>], vector<16xf32>,
        %gather3A_181 = tpu.vector_load_idx %arg7[%gather3A_179] : memref<50000xf32, #tpu.memory_space<vmem>>[vector<16xi32>], vector<16xf32>,
        %gather3A_182 = tpu.vector_load_idx %arg8[%gather3A_179] : memref<50000xf32, #tpu.memory_space<vmem>>[vector<16xi32>], vector<16xf32>,
        %mul3A_183 = arith.mulf %gather3A_180, %gather3A_181 : vector<16xf32>
        %add3A_184 = arith.addf %add3A_164, %mul3A_183 : vector<16xf32>
        %mul3A_185 = arith.mulf %gather3A_180, %gather3A_182 : vector<16xf32>
        %add3A_186 = arith.addf %add3A_166, %mul3A_185 : vector<16xf32>
        %broadcast_in_dim3A_187 = arith.constant 12 : i32
        %broadcast_in_dim3A_188 = vector.broadcast %broadcast_in_dim3A_187 : i32 to vector<16xi32>
        %gather3A_189 = tpu.vector_load_idx %arg9[%add3A_65, %broadcast_in_dim3A_188] : memref<256x32xi32, #tpu.memory_space<vmem>>[vector<16xi32>, vector<16xi32>], vector<16xi32>,
        %gather3A_190 = tpu.vector_load_idx %arg10[%add3A_65, %broadcast_in_dim3A_188] : memref<256x32xf32, #tpu.memory_space<vmem>>[vector<16xi32>, vector<16xi32>], vector<16xf32>,
        %gather3A_191 = tpu.vector_load_idx %arg7[%gather3A_189] : memref<50000xf32, #tpu.memory_space<vmem>>[vector<16xi32>], vector<16xf32>,
        %gather3A_192 = tpu.vector_load_idx %arg8[%gather3A_189] : memref<50000xf32, #tpu.memory_space<vmem>>[vector<16xi32>], vector<16xf32>,
        %mul3A_193 = arith.mulf %gather3A_190, %gather3A_191 : vector<16xf32>
        %add3A_194 = arith.addf %add3A_174, %mul3A_193 : vector<16xf32>
        %mul3A_195 = arith.mulf %gather3A_190, %gather3A_192 : vector<16xf32>
        %add3A_196 = arith.addf %add3A_176, %mul3A_195 : vector<16xf32>
        %broadcast_in_dim3A_197 = arith.constant 13 : i32
        %broadcast_in_dim3A_198 = vector.broadcast %broadcast_in_dim3A_197 : i32 to vector<16xi32>
        %gather3A_199 = tpu.vector_load_idx %arg9[%add3A_65, %broadcast_in_dim3A_198] : memref<256x32xi32, #tpu.memory_space<vmem>>[vector<16xi32>, vector<16xi32>], vector<16xi32>,
        %gather3A_200 = tpu.vector_load_idx %arg10[%add3A_65, %broadcast_in_dim3A_198] : memref<256x32xf32, #tpu.memory_space<vmem>>[vector<16xi32>, vector<16xi32>], vector<16xf32>,
        %gather3A_201 = tpu.vector_load_idx %arg7[%gather3A_199] : memref<50000xf32, #tpu.memory_space<vmem>>[vector<16xi32>], vector<16xf32>,
        %gather3A_202 = tpu.vector_load_idx %arg8[%gather3A_199] : memref<50000xf32, #tpu.memory_space<vmem>>[vector<16xi32>], vector<16xf32>,
        %mul3A_203 = arith.mulf %gather3A_200, %gather3A_201 : vector<16xf32>
        %add3A_204 = arith.addf %add3A_184, %mul3A_203 : vector<16xf32>
        %mul3A_205 = arith.mulf %gather3A_200, %gather3A_202 : vector<16xf32>
        %add3A_206 = arith.addf %add3A_186, %mul3A_205 : vector<16xf32>
        %broadcast_in_dim3A_207 = arith.constant 14 : i32
        %broadcast_in_dim3A_208 = vector.broadcast %broadcast_in_dim3A_207 : i32 to vector<16xi32>
        %gather3A_209 = tpu.vector_load_idx %arg9[%add3A_65, %broadcast_in_dim3A_208] : memref<256x32xi32, #tpu.memory_space<vmem>>[vector<16xi32>, vector<16xi32>], vector<16xi32>,
        %gather3A_210 = tpu.vector_load_idx %arg10[%add3A_65, %broadcast_in_dim3A_208] : memref<256x32xf32, #tpu.memory_space<vmem>>[vector<16xi32>, vector<16xi32>], vector<16xf32>,
        %gather3A_211 = tpu.vector_load_idx %arg7[%gather3A_209] : memref<50000xf32, #tpu.memory_space<vmem>>[vector<16xi32>], vector<16xf32>,
        %gather3A_212 = tpu.vector_load_idx %arg8[%gather3A_209] : memref<50000xf32, #tpu.memory_space<vmem>>[vector<16xi32>], vector<16xf32>,
        %mul3A_213 = arith.mulf %gather3A_210, %gather3A_211 : vector<16xf32>
        %add3A_214 = arith.addf %add3A_194, %mul3A_213 : vector<16xf32>
        %mul3A_215 = arith.mulf %gather3A_210, %gather3A_212 : vector<16xf32>
        %add3A_216 = arith.addf %add3A_196, %mul3A_215 : vector<16xf32>
        %broadcast_in_dim3A_217 = arith.constant 15 : i32
        %broadcast_in_dim3A_218 = vector.broadcast %broadcast_in_dim3A_217 : i32 to vector<16xi32>
        %gather3A_219 = tpu.vector_load_idx %arg9[%add3A_65, %broadcast_in_dim3A_218] : memref<256x32xi32, #tpu.memory_space<vmem>>[vector<16xi32>, vector<16xi32>], vector<16xi32>,
        %gather3A_220 = tpu.vector_load_idx %arg10[%add3A_65, %broadcast_in_dim3A_218] : memref<256x32xf32, #tpu.memory_space<vmem>>[vector<16xi32>, vector<16xi32>], vector<16xf32>,
        %gather3A_221 = tpu.vector_load_idx %arg7[%gather3A_219] : memref<50000xf32, #tpu.memory_space<vmem>>[vector<16xi32>], vector<16xf32>,
        %gather3A_222 = tpu.vector_load_idx %arg8[%gather3A_219] : memref<50000xf32, #tpu.memory_space<vmem>>[vector<16xi32>], vector<16xf32>,
        %mul3A_223 = arith.mulf %gather3A_220, %gather3A_221 : vector<16xf32>
        %add3A_224 = arith.addf %add3A_204, %mul3A_223 : vector<16xf32>
        %mul3A_225 = arith.mulf %gather3A_220, %gather3A_222 : vector<16xf32>
        %add3A_226 = arith.addf %add3A_206, %mul3A_225 : vector<16xf32>
        %broadcast_in_dim3A_227 = arith.constant 16 : i32
        %broadcast_in_dim3A_228 = vector.broadcast %broadcast_in_dim3A_227 : i32 to vector<16xi32>
        %gather3A_229 = tpu.vector_load_idx %arg9[%add3A_65, %broadcast_in_dim3A_228] : memref<256x32xi32, #tpu.memory_space<vmem>>[vector<16xi32>, vector<16xi32>], vector<16xi32>,
        %gather3A_230 = tpu.vector_load_idx %arg10[%add3A_65, %broadcast_in_dim3A_228] : memref<256x32xf32, #tpu.memory_space<vmem>>[vector<16xi32>, vector<16xi32>], vector<16xf32>,
        %gather3A_231 = tpu.vector_load_idx %arg7[%gather3A_229] : memref<50000xf32, #tpu.memory_space<vmem>>[vector<16xi32>], vector<16xf32>,
        %gather3A_232 = tpu.vector_load_idx %arg8[%gather3A_229] : memref<50000xf32, #tpu.memory_space<vmem>>[vector<16xi32>], vector<16xf32>,
        %mul3A_233 = arith.mulf %gather3A_230, %gather3A_231 : vector<16xf32>
        %add3A_234 = arith.addf %add3A_214, %mul3A_233 : vector<16xf32>
        %mul3A_235 = arith.mulf %gather3A_230, %gather3A_232 : vector<16xf32>
        %add3A_236 = arith.addf %add3A_216, %mul3A_235 : vector<16xf32>
        %broadcast_in_dim3A_237 = arith.constant 17 : i32
        %broadcast_in_dim3A_238 = vector.broadcast %broadcast_in_dim3A_237 : i32 to vector<16xi32>
        %gather3A_239 = tpu.vector_load_idx %arg9[%add3A_65, %broadcast_in_dim3A_238] : memref<256x32xi32, #tpu.memory_space<vmem>>[vector<16xi32>, vector<16xi32>], vector<16xi32>,
        %gather3A_240 = tpu.vector_load_idx %arg10[%add3A_65, %broadcast_in_dim3A_238] : memref<256x32xf32, #tpu.memory_space<vmem>>[vector<16xi32>, vector<16xi32>], vector<16xf32>,
        %gather3A_241 = tpu.vector_load_idx %arg7[%gather3A_239] : memref<50000xf32, #tpu.memory_space<vmem>>[vector<16xi32>], vector<16xf32>,
        %gather3A_242 = tpu.vector_load_idx %arg8[%gather3A_239] : memref<50000xf32, #tpu.memory_space<vmem>>[vector<16xi32>], vector<16xf32>,
        %mul3A_243 = arith.mulf %gather3A_240, %gather3A_241 : vector<16xf32>
        %add3A_244 = arith.addf %add3A_224, %mul3A_243 : vector<16xf32>
        %mul3A_245 = arith.mulf %gather3A_240, %gather3A_242 : vector<16xf32>
        %add3A_246 = arith.addf %add3A_226, %mul3A_245 : vector<16xf32>
        %broadcast_in_dim3A_247 = arith.constant 18 : i32
        %broadcast_in_dim3A_248 = vector.broadcast %broadcast_in_dim3A_247 : i32 to vector<16xi32>
        %gather3A_249 = tpu.vector_load_idx %arg9[%add3A_65, %broadcast_in_dim3A_248] : memref<256x32xi32, #tpu.memory_space<vmem>>[vector<16xi32>, vector<16xi32>], vector<16xi32>,
        %gather3A_250 = tpu.vector_load_idx %arg10[%add3A_65, %broadcast_in_dim3A_248] : memref<256x32xf32, #tpu.memory_space<vmem>>[vector<16xi32>, vector<16xi32>], vector<16xf32>,
        %gather3A_251 = tpu.vector_load_idx %arg7[%gather3A_249] : memref<50000xf32, #tpu.memory_space<vmem>>[vector<16xi32>], vector<16xf32>,
        %gather3A_252 = tpu.vector_load_idx %arg8[%gather3A_249] : memref<50000xf32, #tpu.memory_space<vmem>>[vector<16xi32>], vector<16xf32>,
        %mul3A_253 = arith.mulf %gather3A_250, %gather3A_251 : vector<16xf32>
        %add3A_254 = arith.addf %add3A_234, %mul3A_253 : vector<16xf32>
        %mul3A_255 = arith.mulf %gather3A_250, %gather3A_252 : vector<16xf32>
        %add3A_256 = arith.addf %add3A_236, %mul3A_255 : vector<16xf32>
        %broadcast_in_dim3A_257 = arith.constant 19 : i32
        %broadcast_in_dim3A_258 = vector.broadcast %broadcast_in_dim3A_257 : i32 to vector<16xi32>
        %gather3A_259 = tpu.vector_load_idx %arg9[%add3A_65, %broadcast_in_dim3A_258] : memref<256x32xi32, #tpu.memory_space<vmem>>[vector<16xi32>, vector<16xi32>], vector<16xi32>,
        %gather3A_260 = tpu.vector_load_idx %arg10[%add3A_65, %broadcast_in_dim3A_258] : memref<256x32xf32, #tpu.memory_space<vmem>>[vector<16xi32>, vector<16xi32>], vector<16xf32>,
        %gather3A_261 = tpu.vector_load_idx %arg7[%gather3A_259] : memref<50000xf32, #tpu.memory_space<vmem>>[vector<16xi32>], vector<16xf32>,
        %gather3A_262 = tpu.vector_load_idx %arg8[%gather3A_259] : memref<50000xf32, #tpu.memory_space<vmem>>[vector<16xi32>], vector<16xf32>,
        %mul3A_263 = arith.mulf %gather3A_260, %gather3A_261 : vector<16xf32>
        %add3A_264 = arith.addf %add3A_244, %mul3A_263 : vector<16xf32>
        %mul3A_265 = arith.mulf %gather3A_260, %gather3A_262 : vector<16xf32>
        %add3A_266 = arith.addf %add3A_246, %mul3A_265 : vector<16xf32>
        %broadcast_in_dim3A_267 = arith.constant 20 : i32
        %broadcast_in_dim3A_268 = vector.broadcast %broadcast_in_dim3A_267 : i32 to vector<16xi32>
        %gather3A_269 = tpu.vector_load_idx %arg9[%add3A_65, %broadcast_in_dim3A_268] : memref<256x32xi32, #tpu.memory_space<vmem>>[vector<16xi32>, vector<16xi32>], vector<16xi32>,
        %gather3A_270 = tpu.vector_load_idx %arg10[%add3A_65, %broadcast_in_dim3A_268] : memref<256x32xf32, #tpu.memory_space<vmem>>[vector<16xi32>, vector<16xi32>], vector<16xf32>,
        %gather3A_271 = tpu.vector_load_idx %arg7[%gather3A_269] : memref<50000xf32, #tpu.memory_space<vmem>>[vector<16xi32>], vector<16xf32>,
        %gather3A_272 = tpu.vector_load_idx %arg8[%gather3A_269] : memref<50000xf32, #tpu.memory_space<vmem>>[vector<16xi32>], vector<16xf32>,
        %mul3A_273 = arith.mulf %gather3A_270, %gather3A_271 : vector<16xf32>
        %add3A_274 = arith.addf %add3A_254, %mul3A_273 : vector<16xf32>
        %mul3A_275 = arith.mulf %gather3A_270, %gather3A_272 : vector<16xf32>
        %add3A_276 = arith.addf %add3A_256, %mul3A_275 : vector<16xf32>
        %broadcast_in_dim3A_277 = arith.constant 21 : i32
        %broadcast_in_dim3A_278 = vector.broadcast %broadcast_in_dim3A_277 : i32 to vector<16xi32>
        %gather3A_279 = tpu.vector_load_idx %arg9[%add3A_65, %broadcast_in_dim3A_278] : memref<256x32xi32, #tpu.memory_space<vmem>>[vector<16xi32>, vector<16xi32>], vector<16xi32>,
        %gather3A_280 = tpu.vector_load_idx %arg10[%add3A_65, %broadcast_in_dim3A_278] : memref<256x32xf32, #tpu.memory_space<vmem>>[vector<16xi32>, vector<16xi32>], vector<16xf32>,
        %gather3A_281 = tpu.vector_load_idx %arg7[%gather3A_279] : memref<50000xf32, #tpu.memory_space<vmem>>[vector<16xi32>], vector<16xf32>,
        %gather3A_282 = tpu.vector_load_idx %arg8[%gather3A_279] : memref<50000xf32, #tpu.memory_space<vmem>>[vector<16xi32>], vector<16xf32>,
        %mul3A_283 = arith.mulf %gather3A_280, %gather3A_281 : vector<16xf32>
        %add3A_284 = arith.addf %add3A_264, %mul3A_283 : vector<16xf32>
        %mul3A_285 = arith.mulf %gather3A_280, %gather3A_282 : vector<16xf32>
        %add3A_286 = arith.addf %add3A_266, %mul3A_285 : vector<16xf32>
        %broadcast_in_dim3A_287 = arith.constant 22 : i32
        %broadcast_in_dim3A_288 = vector.broadcast %broadcast_in_dim3A_287 : i32 to vector<16xi32>
        %gather3A_289 = tpu.vector_load_idx %arg9[%add3A_65, %broadcast_in_dim3A_288] : memref<256x32xi32, #tpu.memory_space<vmem>>[vector<16xi32>, vector<16xi32>], vector<16xi32>,
        %gather3A_290 = tpu.vector_load_idx %arg10[%add3A_65, %broadcast_in_dim3A_288] : memref<256x32xf32, #tpu.memory_space<vmem>>[vector<16xi32>, vector<16xi32>], vector<16xf32>,
        %gather3A_291 = tpu.vector_load_idx %arg7[%gather3A_289] : memref<50000xf32, #tpu.memory_space<vmem>>[vector<16xi32>], vector<16xf32>,
        %gather3A_292 = tpu.vector_load_idx %arg8[%gather3A_289] : memref<50000xf32, #tpu.memory_space<vmem>>[vector<16xi32>], vector<16xf32>,
        %mul3A_293 = arith.mulf %gather3A_290, %gather3A_291 : vector<16xf32>
        %add3A_294 = arith.addf %add3A_274, %mul3A_293 : vector<16xf32>
        %mul3A_295 = arith.mulf %gather3A_290, %gather3A_292 : vector<16xf32>
        %add3A_296 = arith.addf %add3A_276, %mul3A_295 : vector<16xf32>
        %broadcast_in_dim3A_297 = arith.constant 23 : i32
        %broadcast_in_dim3A_298 = vector.broadcast %broadcast_in_dim3A_297 : i32 to vector<16xi32>
        %gather3A_299 = tpu.vector_load_idx %arg9[%add3A_65, %broadcast_in_dim3A_298] : memref<256x32xi32, #tpu.memory_space<vmem>>[vector<16xi32>, vector<16xi32>], vector<16xi32>,
        %gather3A_300 = tpu.vector_load_idx %arg10[%add3A_65, %broadcast_in_dim3A_298] : memref<256x32xf32, #tpu.memory_space<vmem>>[vector<16xi32>, vector<16xi32>], vector<16xf32>,
        %gather3A_301 = tpu.vector_load_idx %arg7[%gather3A_299] : memref<50000xf32, #tpu.memory_space<vmem>>[vector<16xi32>], vector<16xf32>,
        %gather3A_302 = tpu.vector_load_idx %arg8[%gather3A_299] : memref<50000xf32, #tpu.memory_space<vmem>>[vector<16xi32>], vector<16xf32>,
        %mul3A_303 = arith.mulf %gather3A_300, %gather3A_301 : vector<16xf32>
        %add3A_304 = arith.addf %add3A_284, %mul3A_303 : vector<16xf32>
        %mul3A_305 = arith.mulf %gather3A_300, %gather3A_302 : vector<16xf32>
        %add3A_306 = arith.addf %add3A_286, %mul3A_305 : vector<16xf32>
        %broadcast_in_dim3A_307 = arith.constant 24 : i32
        %broadcast_in_dim3A_308 = vector.broadcast %broadcast_in_dim3A_307 : i32 to vector<16xi32>
        %gather3A_309 = tpu.vector_load_idx %arg9[%add3A_65, %broadcast_in_dim3A_308] : memref<256x32xi32, #tpu.memory_space<vmem>>[vector<16xi32>, vector<16xi32>], vector<16xi32>,
        %gather3A_310 = tpu.vector_load_idx %arg10[%add3A_65, %broadcast_in_dim3A_308] : memref<256x32xf32, #tpu.memory_space<vmem>>[vector<16xi32>, vector<16xi32>], vector<16xf32>,
        %gather3A_311 = tpu.vector_load_idx %arg7[%gather3A_309] : memref<50000xf32, #tpu.memory_space<vmem>>[vector<16xi32>], vector<16xf32>,
        %gather3A_312 = tpu.vector_load_idx %arg8[%gather3A_309] : memref<50000xf32, #tpu.memory_space<vmem>>[vector<16xi32>], vector<16xf32>,
        %mul3A_313 = arith.mulf %gather3A_310, %gather3A_311 : vector<16xf32>
        %add3A_314 = arith.addf %add3A_294, %mul3A_313 : vector<16xf32>
        %mul3A_315 = arith.mulf %gather3A_310, %gather3A_312 : vector<16xf32>
        %add3A_316 = arith.addf %add3A_296, %mul3A_315 : vector<16xf32>
        %broadcast_in_dim3A_317 = arith.constant 25 : i32
        %broadcast_in_dim3A_318 = vector.broadcast %broadcast_in_dim3A_317 : i32 to vector<16xi32>
        %gather3A_319 = tpu.vector_load_idx %arg9[%add3A_65, %broadcast_in_dim3A_318] : memref<256x32xi32, #tpu.memory_space<vmem>>[vector<16xi32>, vector<16xi32>], vector<16xi32>,
        %gather3A_320 = tpu.vector_load_idx %arg10[%add3A_65, %broadcast_in_dim3A_318] : memref<256x32xf32, #tpu.memory_space<vmem>>[vector<16xi32>, vector<16xi32>], vector<16xf32>,
        %gather3A_321 = tpu.vector_load_idx %arg7[%gather3A_319] : memref<50000xf32, #tpu.memory_space<vmem>>[vector<16xi32>], vector<16xf32>,
        %gather3A_322 = tpu.vector_load_idx %arg8[%gather3A_319] : memref<50000xf32, #tpu.memory_space<vmem>>[vector<16xi32>], vector<16xf32>,
        %mul3A_323 = arith.mulf %gather3A_320, %gather3A_321 : vector<16xf32>
        %add3A_324 = arith.addf %add3A_304, %mul3A_323 : vector<16xf32>
        %mul3A_325 = arith.mulf %gather3A_320, %gather3A_322 : vector<16xf32>
        %add3A_326 = arith.addf %add3A_306, %mul3A_325 : vector<16xf32>
        %broadcast_in_dim3A_327 = arith.constant 26 : i32
        %broadcast_in_dim3A_328 = vector.broadcast %broadcast_in_dim3A_327 : i32 to vector<16xi32>
        %gather3A_329 = tpu.vector_load_idx %arg9[%add3A_65, %broadcast_in_dim3A_328] : memref<256x32xi32, #tpu.memory_space<vmem>>[vector<16xi32>, vector<16xi32>], vector<16xi32>,
        %gather3A_330 = tpu.vector_load_idx %arg10[%add3A_65, %broadcast_in_dim3A_328] : memref<256x32xf32, #tpu.memory_space<vmem>>[vector<16xi32>, vector<16xi32>], vector<16xf32>,
        %gather3A_331 = tpu.vector_load_idx %arg7[%gather3A_329] : memref<50000xf32, #tpu.memory_space<vmem>>[vector<16xi32>], vector<16xf32>,
        %gather3A_332 = tpu.vector_load_idx %arg8[%gather3A_329] : memref<50000xf32, #tpu.memory_space<vmem>>[vector<16xi32>], vector<16xf32>,
        %mul3A_333 = arith.mulf %gather3A_330, %gather3A_331 : vector<16xf32>
        %add3A_334 = arith.addf %add3A_314, %mul3A_333 : vector<16xf32>
        %mul3A_335 = arith.mulf %gather3A_330, %gather3A_332 : vector<16xf32>
        %add3A_336 = arith.addf %add3A_316, %mul3A_335 : vector<16xf32>
        %broadcast_in_dim3A_337 = arith.constant 27 : i32
        %broadcast_in_dim3A_338 = vector.broadcast %broadcast_in_dim3A_337 : i32 to vector<16xi32>
        %gather3A_339 = tpu.vector_load_idx %arg9[%add3A_65, %broadcast_in_dim3A_338] : memref<256x32xi32, #tpu.memory_space<vmem>>[vector<16xi32>, vector<16xi32>], vector<16xi32>,
        %gather3A_340 = tpu.vector_load_idx %arg10[%add3A_65, %broadcast_in_dim3A_338] : memref<256x32xf32, #tpu.memory_space<vmem>>[vector<16xi32>, vector<16xi32>], vector<16xf32>,
        %gather3A_341 = tpu.vector_load_idx %arg7[%gather3A_339] : memref<50000xf32, #tpu.memory_space<vmem>>[vector<16xi32>], vector<16xf32>,
        %gather3A_342 = tpu.vector_load_idx %arg8[%gather3A_339] : memref<50000xf32, #tpu.memory_space<vmem>>[vector<16xi32>], vector<16xf32>,
        %mul3A_343 = arith.mulf %gather3A_340, %gather3A_341 : vector<16xf32>
        %add3A_344 = arith.addf %add3A_324, %mul3A_343 : vector<16xf32>
        %mul3A_345 = arith.mulf %gather3A_340, %gather3A_342 : vector<16xf32>
        %add3A_346 = arith.addf %add3A_326, %mul3A_345 : vector<16xf32>
        %broadcast_in_dim3A_347 = arith.constant 28 : i32
        %broadcast_in_dim3A_348 = vector.broadcast %broadcast_in_dim3A_347 : i32 to vector<16xi32>
        %gather3A_349 = tpu.vector_load_idx %arg9[%add3A_65, %broadcast_in_dim3A_348] : memref<256x32xi32, #tpu.memory_space<vmem>>[vector<16xi32>, vector<16xi32>], vector<16xi32>,
        %gather3A_350 = tpu.vector_load_idx %arg10[%add3A_65, %broadcast_in_dim3A_348] : memref<256x32xf32, #tpu.memory_space<vmem>>[vector<16xi32>, vector<16xi32>], vector<16xf32>,
        %gather3A_351 = tpu.vector_load_idx %arg7[%gather3A_349] : memref<50000xf32, #tpu.memory_space<vmem>>[vector<16xi32>], vector<16xf32>,
        %gather3A_352 = tpu.vector_load_idx %arg8[%gather3A_349] : memref<50000xf32, #tpu.memory_space<vmem>>[vector<16xi32>], vector<16xf32>,
        %mul3A_353 = arith.mulf %gather3A_350, %gather3A_351 : vector<16xf32>
        %add3A_354 = arith.addf %add3A_334, %mul3A_353 : vector<16xf32>
        %mul3A_355 = arith.mulf %gather3A_350, %gather3A_352 : vector<16xf32>
        %add3A_356 = arith.addf %add3A_336, %mul3A_355 : vector<16xf32>
        %broadcast_in_dim3A_357 = arith.constant 29 : i32
        %broadcast_in_dim3A_358 = vector.broadcast %broadcast_in_dim3A_357 : i32 to vector<16xi32>
        %gather3A_359 = tpu.vector_load_idx %arg9[%add3A_65, %broadcast_in_dim3A_358] : memref<256x32xi32, #tpu.memory_space<vmem>>[vector<16xi32>, vector<16xi32>], vector<16xi32>,
        %gather3A_360 = tpu.vector_load_idx %arg10[%add3A_65, %broadcast_in_dim3A_358] : memref<256x32xf32, #tpu.memory_space<vmem>>[vector<16xi32>, vector<16xi32>], vector<16xf32>,
        %gather3A_361 = tpu.vector_load_idx %arg7[%gather3A_359] : memref<50000xf32, #tpu.memory_space<vmem>>[vector<16xi32>], vector<16xf32>,
        %gather3A_362 = tpu.vector_load_idx %arg8[%gather3A_359] : memref<50000xf32, #tpu.memory_space<vmem>>[vector<16xi32>], vector<16xf32>,
        %mul3A_363 = arith.mulf %gather3A_360, %gather3A_361 : vector<16xf32>
        %add3A_364 = arith.addf %add3A_344, %mul3A_363 : vector<16xf32>
        %mul3A_365 = arith.mulf %gather3A_360, %gather3A_362 : vector<16xf32>
        %add3A_366 = arith.addf %add3A_346, %mul3A_365 : vector<16xf32>
        %broadcast_in_dim3A_367 = arith.constant 30 : i32
        %broadcast_in_dim3A_368 = vector.broadcast %broadcast_in_dim3A_367 : i32 to vector<16xi32>
        %gather3A_369 = tpu.vector_load_idx %arg9[%add3A_65, %broadcast_in_dim3A_368] : memref<256x32xi32, #tpu.memory_space<vmem>>[vector<16xi32>, vector<16xi32>], vector<16xi32>,
        %gather3A_370 = tpu.vector_load_idx %arg10[%add3A_65, %broadcast_in_dim3A_368] : memref<256x32xf32, #tpu.memory_space<vmem>>[vector<16xi32>, vector<16xi32>], vector<16xf32>,
        %gather3A_371 = tpu.vector_load_idx %arg7[%gather3A_369] : memref<50000xf32, #tpu.memory_space<vmem>>[vector<16xi32>], vector<16xf32>,
        %gather3A_372 = tpu.vector_load_idx %arg8[%gather3A_369] : memref<50000xf32, #tpu.memory_space<vmem>>[vector<16xi32>], vector<16xf32>,
        %mul3A_373 = arith.mulf %gather3A_370, %gather3A_371 : vector<16xf32>
        %add3A_374 = arith.addf %add3A_354, %mul3A_373 : vector<16xf32>
        %mul3A_375 = arith.mulf %gather3A_370, %gather3A_372 : vector<16xf32>
        %add3A_376 = arith.addf %add3A_356, %mul3A_375 : vector<16xf32>
        %broadcast_in_dim3A_377 = arith.constant 31 : i32
        %broadcast_in_dim3A_378 = vector.broadcast %broadcast_in_dim3A_377 : i32 to vector<16xi32>
        %gather3A_379 = tpu.vector_load_idx %arg9[%add3A_65, %broadcast_in_dim3A_378] : memref<256x32xi32, #tpu.memory_space<vmem>>[vector<16xi32>, vector<16xi32>], vector<16xi32>,
        %gather3A_380 = tpu.vector_load_idx %arg10[%add3A_65, %broadcast_in_dim3A_378] : memref<256x32xf32, #tpu.memory_space<vmem>>[vector<16xi32>, vector<16xi32>], vector<16xf32>,
        %gather3A_381 = tpu.vector_load_idx %arg7[%gather3A_379] : memref<50000xf32, #tpu.memory_space<vmem>>[vector<16xi32>], vector<16xf32>,
        %gather3A_382 = tpu.vector_load_idx %arg8[%gather3A_379] : memref<50000xf32, #tpu.memory_space<vmem>>[vector<16xi32>], vector<16xf32>,
        %mul3A_383 = arith.mulf %gather3A_380, %gather3A_381 : vector<16xf32>
        %add3A_384 = arith.addf %add3A_364, %mul3A_383 : vector<16xf32>
        %mul3A_385 = arith.mulf %gather3A_380, %gather3A_382 : vector<16xf32>
        %add3A_386 = arith.addf %add3A_366, %mul3A_385 : vector<16xf32>
        %add3A_387 = vector.broadcast %mul3A_54 : i32 to vector<16xi32>
        %add3A_388 = arith.addi %add3A_387, %add3A_65 : vector<16xi32>
        %ne3A_389 = arith.constant 0 : i32
        %ne3A_390 = vector.broadcast %ne3A_389 : i32 to vector<16xi32>
        %ne3A_391 = arith.cmpi ne, %add3A_388, %ne3A_390 : vector<16xi32>
        %ne3A_392 = arith.cmpi ne, %add3A_388, %get3A_21 : vector<16xi32>
        %and3A_393 = arith.andi %ne3A_391, %ne3A_392 : vector<16xi1>
        %add3A_394 = arith.addf %add3A_374, %add3A_384 : vector<16xf32>
        %abs3A = math.absf %add3A_394 : vector<16xf32>
        %add3A_395 = arith.addf %add3A_376, %add3A_386 : vector<16xf32>
        %abs3A_396 = math.absf %add3A_395 : vector<16xf32>
        %add3A_397 = arith.addf %abs3A, %abs3A_396 : vector<16xf32>
        %jit3A_398 = arith.constant 0.000000e+00 : f32
        %broadcast_in_dim3A_399 = vector.broadcast %jit3A_398 : f32 to vector<16xf32>
        %select_n3A_400 = arith.select %and3A_393, %add3A_397, %broadcast_in_dim3A_399 : vector<16xi1>, vector<16xf32>
        %add3A_401 = arith.addf %scan3A_61, %select_n3A_400 : vector<16xf32>
        scf.yield %add3A_401 : vector<16xf32>
      }
      %scan3A_59 = arith.constant 16 : i32
      scf.yield %scan3A_58 : vector<16xf32>
    }
    %while3A_35 = arith.constant 1 : i32
    %while3A_36 = scf.for %while3A_48 = %while3A_32 to %while3A_28 step %while3A_35 iter_args(%while3A_49 = %while3A_34) -> (vector<16xf32>)  : i32 {
      %mul3A_50 = arith.constant 4 : i32
      %mul3A_51 = arith.muli %while3A_48, %mul3A_50 : i32
      %add3A_52 = arith.addi %sub3A_19, %mul3A_51 : i32
      %mul3A_53 = arith.constant 256 : i32
      %mul3A_54 = arith.muli %add3A_52, %mul3A_53 : i32
      "tpu.region"() ({
        %run_scoped3A_60 = tpu.sem_alloc : memref<!tpu.dma_semaphore, #tpu.memory_space<semaphore_mem>>
        %dma_start3A = arith.constant 0 : i32
        %dma_start3A_61 = tpu.memref_slice %arg4[%mul3A_54, %dma_start3A] : memref<50000x32xi32, #tpu.memory_space<hbm>> -> memref<256x32xi32, #tpu.memory_space<hbm>>
        %dma_start3A_62 = arith.constant 0 : i32
        %dma_start3A_63 = tpu.memref_slice %arg4[%mul3A_54, %dma_start3A_62] : memref<50000x32xi32, #tpu.memory_space<hbm>> -> memref<256x32xi32, #tpu.memory_space<hbm>>
        tpu.enqueue_dma source(%dma_start3A_63 : memref<256x32xi32, #tpu.memory_space<hbm>>) target(%arg9 : memref<256x32xi32, #tpu.memory_space<vmem>>) target_semaphore(%run_scoped3A_60 : memref<!tpu.dma_semaphore, #tpu.memory_space<semaphore_mem>>)
        %dma_wait3A = arith.constant 0 : i32
        %dma_wait3A_64 = tpu.memref_slice %arg4[%mul3A_54, %dma_wait3A] : memref<50000x32xi32, #tpu.memory_space<hbm>> -> memref<256x32xi32, #tpu.memory_space<hbm>>
        %dma_wait3A_65 = arith.constant 0 : i32
        %dma_wait3A_66 = tpu.memref_slice %arg4[%mul3A_54, %dma_wait3A_65] : memref<50000x32xi32, #tpu.memory_space<hbm>> -> memref<256x32xi32, #tpu.memory_space<hbm>>
        tpu.wait_dma2 semaphore(%run_scoped3A_60 : memref<!tpu.dma_semaphore, #tpu.memory_space<semaphore_mem>>) src(%dma_wait3A_66 : memref<256x32xi32, #tpu.memory_space<hbm>>) dst(%arg9 : memref<256x32xi32, #tpu.memory_space<vmem>>)
        tpu.yield
      }) : () -> ()
      "tpu.region"() ({
        %run_scoped3A_60 = tpu.sem_alloc : memref<!tpu.dma_semaphore, #tpu.memory_space<semaphore_mem>>
        %dma_start3A = arith.constant 0 : i32
        %dma_start3A_61 = tpu.memref_slice %arg3[%select_n3A, %mul3A_54, %dma_start3A] : memref<8x50000x32xf32, #tpu.memory_space<hbm>> -> memref<1x256x32xf32, #tpu.memory_space<hbm>>
        %dma_start3A_62 = tpu.memref_squeeze %dma_start3A_61 : memref<1x256x32xf32, #tpu.memory_space<hbm>> -> memref<256x32xf32, #tpu.memory_space<hbm>>
        %dma_start3A_63 = arith.constant 0 : i32
        %dma_start3A_64 = tpu.memref_slice %arg3[%select_n3A, %mul3A_54, %dma_start3A_63] : memref<8x50000x32xf32, #tpu.memory_space<hbm>> -> memref<1x256x32xf32, #tpu.memory_space<hbm>>
        %dma_start3A_65 = tpu.memref_squeeze %dma_start3A_64 : memref<1x256x32xf32, #tpu.memory_space<hbm>> -> memref<256x32xf32, #tpu.memory_space<hbm>>
        tpu.enqueue_dma source(%dma_start3A_65 : memref<256x32xf32, #tpu.memory_space<hbm>>) target(%arg10 : memref<256x32xf32, #tpu.memory_space<vmem>>) target_semaphore(%run_scoped3A_60 : memref<!tpu.dma_semaphore, #tpu.memory_space<semaphore_mem>>)
        %dma_wait3A = arith.constant 0 : i32
        %dma_wait3A_66 = tpu.memref_slice %arg3[%select_n3A, %mul3A_54, %dma_wait3A] : memref<8x50000x32xf32, #tpu.memory_space<hbm>> -> memref<1x256x32xf32, #tpu.memory_space<hbm>>
        %dma_wait3A_67 = tpu.memref_squeeze %dma_wait3A_66 : memref<1x256x32xf32, #tpu.memory_space<hbm>> -> memref<256x32xf32, #tpu.memory_space<hbm>>
        %dma_wait3A_68 = arith.constant 0 : i32
        %dma_wait3A_69 = tpu.memref_slice %arg3[%select_n3A, %mul3A_54, %dma_wait3A_68] : memref<8x50000x32xf32, #tpu.memory_space<hbm>> -> memref<1x256x32xf32, #tpu.memory_space<hbm>>
        %dma_wait3A_70 = tpu.memref_squeeze %dma_wait3A_69 : memref<1x256x32xf32, #tpu.memory_space<hbm>> -> memref<256x32xf32, #tpu.memory_space<hbm>>
        tpu.wait_dma2 semaphore(%run_scoped3A_60 : memref<!tpu.dma_semaphore, #tpu.memory_space<semaphore_mem>>) src(%dma_wait3A_70 : memref<256x32xf32, #tpu.memory_space<hbm>>) dst(%arg10 : memref<256x32xf32, #tpu.memory_space<vmem>>)
        tpu.yield
      }) : () -> ()
      %scan3A = arith.constant 0 : i32
      %scan3A_55 = arith.constant 16 : i32
      %scan3A_56 = arith.addi %scan3A, %scan3A_55 : i32
      %scan3A_57 = arith.constant 1 : i32
      %scan3A_58 = scf.for %scan3A_60 = %scan3A to %scan3A_56 step %scan3A_57 iter_args(%scan3A_61 = %while3A_49) -> (vector<16xf32>)  : i32 {
        %mul3A_62 = arith.constant 16 : i32
        %mul3A_63 = arith.muli %scan3A_60, %mul3A_62 : i32
        %add3A_64 = vector.broadcast %mul3A_63 : i32 to vector<16xi32>
        %add3A_65 = arith.addi %add3A_64, %iota3A : vector<16xi32>
        %broadcast_in_dim3A_66 = arith.constant 0.000000e+00 : f32
        %broadcast_in_dim3A_67 = vector.broadcast %broadcast_in_dim3A_66 : f32 to vector<16xf32>
        %broadcast_in_dim3A_68 = arith.constant 0 : i32
        %broadcast_in_dim3A_69 = vector.broadcast %broadcast_in_dim3A_68 : i32 to vector<16xi32>
        %gather3A = tpu.vector_load_idx %arg9[%add3A_65, %broadcast_in_dim3A_69] : memref<256x32xi32, #tpu.memory_space<vmem>>[vector<16xi32>, vector<16xi32>], vector<16xi32>,
        %gather3A_70 = tpu.vector_load_idx %arg10[%add3A_65, %broadcast_in_dim3A_69] : memref<256x32xf32, #tpu.memory_space<vmem>>[vector<16xi32>, vector<16xi32>], vector<16xf32>,
        %gather3A_71 = tpu.vector_load_idx %arg7[%gather3A] : memref<50000xf32, #tpu.memory_space<vmem>>[vector<16xi32>], vector<16xf32>,
        %gather3A_72 = tpu.vector_load_idx %arg8[%gather3A] : memref<50000xf32, #tpu.memory_space<vmem>>[vector<16xi32>], vector<16xf32>,
        %mul3A_73 = arith.mulf %gather3A_70, %gather3A_71 : vector<16xf32>
        %add3A_74 = arith.addf %broadcast_in_dim3A_67, %mul3A_73 : vector<16xf32>
        %mul3A_75 = arith.mulf %gather3A_70, %gather3A_72 : vector<16xf32>
        %add3A_76 = arith.addf %broadcast_in_dim3A_67, %mul3A_75 : vector<16xf32>
        %broadcast_in_dim3A_77 = arith.constant 1 : i32
        %broadcast_in_dim3A_78 = vector.broadcast %broadcast_in_dim3A_77 : i32 to vector<16xi32>
        %gather3A_79 = tpu.vector_load_idx %arg9[%add3A_65, %broadcast_in_dim3A_78] : memref<256x32xi32, #tpu.memory_space<vmem>>[vector<16xi32>, vector<16xi32>], vector<16xi32>,
        %gather3A_80 = tpu.vector_load_idx %arg10[%add3A_65, %broadcast_in_dim3A_78] : memref<256x32xf32, #tpu.memory_space<vmem>>[vector<16xi32>, vector<16xi32>], vector<16xf32>,
        %gather3A_81 = tpu.vector_load_idx %arg7[%gather3A_79] : memref<50000xf32, #tpu.memory_space<vmem>>[vector<16xi32>], vector<16xf32>,
        %gather3A_82 = tpu.vector_load_idx %arg8[%gather3A_79] : memref<50000xf32, #tpu.memory_space<vmem>>[vector<16xi32>], vector<16xf32>,
        %mul3A_83 = arith.mulf %gather3A_80, %gather3A_81 : vector<16xf32>
        %add3A_84 = arith.addf %broadcast_in_dim3A_67, %mul3A_83 : vector<16xf32>
        %mul3A_85 = arith.mulf %gather3A_80, %gather3A_82 : vector<16xf32>
        %add3A_86 = arith.addf %broadcast_in_dim3A_67, %mul3A_85 : vector<16xf32>
        %broadcast_in_dim3A_87 = arith.constant 2 : i32
        %broadcast_in_dim3A_88 = vector.broadcast %broadcast_in_dim3A_87 : i32 to vector<16xi32>
        %gather3A_89 = tpu.vector_load_idx %arg9[%add3A_65, %broadcast_in_dim3A_88] : memref<256x32xi32, #tpu.memory_space<vmem>>[vector<16xi32>, vector<16xi32>], vector<16xi32>,
        %gather3A_90 = tpu.vector_load_idx %arg10[%add3A_65, %broadcast_in_dim3A_88] : memref<256x32xf32, #tpu.memory_space<vmem>>[vector<16xi32>, vector<16xi32>], vector<16xf32>,
        %gather3A_91 = tpu.vector_load_idx %arg7[%gather3A_89] : memref<50000xf32, #tpu.memory_space<vmem>>[vector<16xi32>], vector<16xf32>,
        %gather3A_92 = tpu.vector_load_idx %arg8[%gather3A_89] : memref<50000xf32, #tpu.memory_space<vmem>>[vector<16xi32>], vector<16xf32>,
        %mul3A_93 = arith.mulf %gather3A_90, %gather3A_91 : vector<16xf32>
        %add3A_94 = arith.addf %add3A_74, %mul3A_93 : vector<16xf32>
        %mul3A_95 = arith.mulf %gather3A_90, %gather3A_92 : vector<16xf32>
        %add3A_96 = arith.addf %add3A_76, %mul3A_95 : vector<16xf32>
        %broadcast_in_dim3A_97 = arith.constant 3 : i32
        %broadcast_in_dim3A_98 = vector.broadcast %broadcast_in_dim3A_97 : i32 to vector<16xi32>
        %gather3A_99 = tpu.vector_load_idx %arg9[%add3A_65, %broadcast_in_dim3A_98] : memref<256x32xi32, #tpu.memory_space<vmem>>[vector<16xi32>, vector<16xi32>], vector<16xi32>,
        %gather3A_100 = tpu.vector_load_idx %arg10[%add3A_65, %broadcast_in_dim3A_98] : memref<256x32xf32, #tpu.memory_space<vmem>>[vector<16xi32>, vector<16xi32>], vector<16xf32>,
        %gather3A_101 = tpu.vector_load_idx %arg7[%gather3A_99] : memref<50000xf32, #tpu.memory_space<vmem>>[vector<16xi32>], vector<16xf32>,
        %gather3A_102 = tpu.vector_load_idx %arg8[%gather3A_99] : memref<50000xf32, #tpu.memory_space<vmem>>[vector<16xi32>], vector<16xf32>,
        %mul3A_103 = arith.mulf %gather3A_100, %gather3A_101 : vector<16xf32>
        %add3A_104 = arith.addf %add3A_84, %mul3A_103 : vector<16xf32>
        %mul3A_105 = arith.mulf %gather3A_100, %gather3A_102 : vector<16xf32>
        %add3A_106 = arith.addf %add3A_86, %mul3A_105 : vector<16xf32>
        %broadcast_in_dim3A_107 = arith.constant 4 : i32
        %broadcast_in_dim3A_108 = vector.broadcast %broadcast_in_dim3A_107 : i32 to vector<16xi32>
        %gather3A_109 = tpu.vector_load_idx %arg9[%add3A_65, %broadcast_in_dim3A_108] : memref<256x32xi32, #tpu.memory_space<vmem>>[vector<16xi32>, vector<16xi32>], vector<16xi32>,
        %gather3A_110 = tpu.vector_load_idx %arg10[%add3A_65, %broadcast_in_dim3A_108] : memref<256x32xf32, #tpu.memory_space<vmem>>[vector<16xi32>, vector<16xi32>], vector<16xf32>,
        %gather3A_111 = tpu.vector_load_idx %arg7[%gather3A_109] : memref<50000xf32, #tpu.memory_space<vmem>>[vector<16xi32>], vector<16xf32>,
        %gather3A_112 = tpu.vector_load_idx %arg8[%gather3A_109] : memref<50000xf32, #tpu.memory_space<vmem>>[vector<16xi32>], vector<16xf32>,
        %mul3A_113 = arith.mulf %gather3A_110, %gather3A_111 : vector<16xf32>
        %add3A_114 = arith.addf %add3A_94, %mul3A_113 : vector<16xf32>
        %mul3A_115 = arith.mulf %gather3A_110, %gather3A_112 : vector<16xf32>
        %add3A_116 = arith.addf %add3A_96, %mul3A_115 : vector<16xf32>
        %broadcast_in_dim3A_117 = arith.constant 5 : i32
        %broadcast_in_dim3A_118 = vector.broadcast %broadcast_in_dim3A_117 : i32 to vector<16xi32>
        %gather3A_119 = tpu.vector_load_idx %arg9[%add3A_65, %broadcast_in_dim3A_118] : memref<256x32xi32, #tpu.memory_space<vmem>>[vector<16xi32>, vector<16xi32>], vector<16xi32>,
        %gather3A_120 = tpu.vector_load_idx %arg10[%add3A_65, %broadcast_in_dim3A_118] : memref<256x32xf32, #tpu.memory_space<vmem>>[vector<16xi32>, vector<16xi32>], vector<16xf32>,
        %gather3A_121 = tpu.vector_load_idx %arg7[%gather3A_119] : memref<50000xf32, #tpu.memory_space<vmem>>[vector<16xi32>], vector<16xf32>,
        %gather3A_122 = tpu.vector_load_idx %arg8[%gather3A_119] : memref<50000xf32, #tpu.memory_space<vmem>>[vector<16xi32>], vector<16xf32>,
        %mul3A_123 = arith.mulf %gather3A_120, %gather3A_121 : vector<16xf32>
        %add3A_124 = arith.addf %add3A_104, %mul3A_123 : vector<16xf32>
        %mul3A_125 = arith.mulf %gather3A_120, %gather3A_122 : vector<16xf32>
        %add3A_126 = arith.addf %add3A_106, %mul3A_125 : vector<16xf32>
        %broadcast_in_dim3A_127 = arith.constant 6 : i32
        %broadcast_in_dim3A_128 = vector.broadcast %broadcast_in_dim3A_127 : i32 to vector<16xi32>
        %gather3A_129 = tpu.vector_load_idx %arg9[%add3A_65, %broadcast_in_dim3A_128] : memref<256x32xi32, #tpu.memory_space<vmem>>[vector<16xi32>, vector<16xi32>], vector<16xi32>,
        %gather3A_130 = tpu.vector_load_idx %arg10[%add3A_65, %broadcast_in_dim3A_128] : memref<256x32xf32, #tpu.memory_space<vmem>>[vector<16xi32>, vector<16xi32>], vector<16xf32>,
        %gather3A_131 = tpu.vector_load_idx %arg7[%gather3A_129] : memref<50000xf32, #tpu.memory_space<vmem>>[vector<16xi32>], vector<16xf32>,
        %gather3A_132 = tpu.vector_load_idx %arg8[%gather3A_129] : memref<50000xf32, #tpu.memory_space<vmem>>[vector<16xi32>], vector<16xf32>,
        %mul3A_133 = arith.mulf %gather3A_130, %gather3A_131 : vector<16xf32>
        %add3A_134 = arith.addf %add3A_114, %mul3A_133 : vector<16xf32>
        %mul3A_135 = arith.mulf %gather3A_130, %gather3A_132 : vector<16xf32>
        %add3A_136 = arith.addf %add3A_116, %mul3A_135 : vector<16xf32>
        %broadcast_in_dim3A_137 = arith.constant 7 : i32
        %broadcast_in_dim3A_138 = vector.broadcast %broadcast_in_dim3A_137 : i32 to vector<16xi32>
        %gather3A_139 = tpu.vector_load_idx %arg9[%add3A_65, %broadcast_in_dim3A_138] : memref<256x32xi32, #tpu.memory_space<vmem>>[vector<16xi32>, vector<16xi32>], vector<16xi32>,
        %gather3A_140 = tpu.vector_load_idx %arg10[%add3A_65, %broadcast_in_dim3A_138] : memref<256x32xf32, #tpu.memory_space<vmem>>[vector<16xi32>, vector<16xi32>], vector<16xf32>,
        %gather3A_141 = tpu.vector_load_idx %arg7[%gather3A_139] : memref<50000xf32, #tpu.memory_space<vmem>>[vector<16xi32>], vector<16xf32>,
        %gather3A_142 = tpu.vector_load_idx %arg8[%gather3A_139] : memref<50000xf32, #tpu.memory_space<vmem>>[vector<16xi32>], vector<16xf32>,
        %mul3A_143 = arith.mulf %gather3A_140, %gather3A_141 : vector<16xf32>
        %add3A_144 = arith.addf %add3A_124, %mul3A_143 : vector<16xf32>
        %mul3A_145 = arith.mulf %gather3A_140, %gather3A_142 : vector<16xf32>
        %add3A_146 = arith.addf %add3A_126, %mul3A_145 : vector<16xf32>
        %broadcast_in_dim3A_147 = arith.constant 8 : i32
        %broadcast_in_dim3A_148 = vector.broadcast %broadcast_in_dim3A_147 : i32 to vector<16xi32>
        %gather3A_149 = tpu.vector_load_idx %arg9[%add3A_65, %broadcast_in_dim3A_148] : memref<256x32xi32, #tpu.memory_space<vmem>>[vector<16xi32>, vector<16xi32>], vector<16xi32>,
        %gather3A_150 = tpu.vector_load_idx %arg10[%add3A_65, %broadcast_in_dim3A_148] : memref<256x32xf32, #tpu.memory_space<vmem>>[vector<16xi32>, vector<16xi32>], vector<16xf32>,
        %gather3A_151 = tpu.vector_load_idx %arg7[%gather3A_149] : memref<50000xf32, #tpu.memory_space<vmem>>[vector<16xi32>], vector<16xf32>,
        %gather3A_152 = tpu.vector_load_idx %arg8[%gather3A_149] : memref<50000xf32, #tpu.memory_space<vmem>>[vector<16xi32>], vector<16xf32>,
        %mul3A_153 = arith.mulf %gather3A_150, %gather3A_151 : vector<16xf32>
        %add3A_154 = arith.addf %add3A_134, %mul3A_153 : vector<16xf32>
        %mul3A_155 = arith.mulf %gather3A_150, %gather3A_152 : vector<16xf32>
        %add3A_156 = arith.addf %add3A_136, %mul3A_155 : vector<16xf32>
        %broadcast_in_dim3A_157 = arith.constant 9 : i32
        %broadcast_in_dim3A_158 = vector.broadcast %broadcast_in_dim3A_157 : i32 to vector<16xi32>
        %gather3A_159 = tpu.vector_load_idx %arg9[%add3A_65, %broadcast_in_dim3A_158] : memref<256x32xi32, #tpu.memory_space<vmem>>[vector<16xi32>, vector<16xi32>], vector<16xi32>,
        %gather3A_160 = tpu.vector_load_idx %arg10[%add3A_65, %broadcast_in_dim3A_158] : memref<256x32xf32, #tpu.memory_space<vmem>>[vector<16xi32>, vector<16xi32>], vector<16xf32>,
        %gather3A_161 = tpu.vector_load_idx %arg7[%gather3A_159] : memref<50000xf32, #tpu.memory_space<vmem>>[vector<16xi32>], vector<16xf32>,
        %gather3A_162 = tpu.vector_load_idx %arg8[%gather3A_159] : memref<50000xf32, #tpu.memory_space<vmem>>[vector<16xi32>], vector<16xf32>,
        %mul3A_163 = arith.mulf %gather3A_160, %gather3A_161 : vector<16xf32>
        %add3A_164 = arith.addf %add3A_144, %mul3A_163 : vector<16xf32>
        %mul3A_165 = arith.mulf %gather3A_160, %gather3A_162 : vector<16xf32>
        %add3A_166 = arith.addf %add3A_146, %mul3A_165 : vector<16xf32>
        %broadcast_in_dim3A_167 = arith.constant 10 : i32
        %broadcast_in_dim3A_168 = vector.broadcast %broadcast_in_dim3A_167 : i32 to vector<16xi32>
        %gather3A_169 = tpu.vector_load_idx %arg9[%add3A_65, %broadcast_in_dim3A_168] : memref<256x32xi32, #tpu.memory_space<vmem>>[vector<16xi32>, vector<16xi32>], vector<16xi32>,
        %gather3A_170 = tpu.vector_load_idx %arg10[%add3A_65, %broadcast_in_dim3A_168] : memref<256x32xf32, #tpu.memory_space<vmem>>[vector<16xi32>, vector<16xi32>], vector<16xf32>,
        %gather3A_171 = tpu.vector_load_idx %arg7[%gather3A_169] : memref<50000xf32, #tpu.memory_space<vmem>>[vector<16xi32>], vector<16xf32>,
        %gather3A_172 = tpu.vector_load_idx %arg8[%gather3A_169] : memref<50000xf32, #tpu.memory_space<vmem>>[vector<16xi32>], vector<16xf32>,
        %mul3A_173 = arith.mulf %gather3A_170, %gather3A_171 : vector<16xf32>
        %add3A_174 = arith.addf %add3A_154, %mul3A_173 : vector<16xf32>
        %mul3A_175 = arith.mulf %gather3A_170, %gather3A_172 : vector<16xf32>
        %add3A_176 = arith.addf %add3A_156, %mul3A_175 : vector<16xf32>
        %broadcast_in_dim3A_177 = arith.constant 11 : i32
        %broadcast_in_dim3A_178 = vector.broadcast %broadcast_in_dim3A_177 : i32 to vector<16xi32>
        %gather3A_179 = tpu.vector_load_idx %arg9[%add3A_65, %broadcast_in_dim3A_178] : memref<256x32xi32, #tpu.memory_space<vmem>>[vector<16xi32>, vector<16xi32>], vector<16xi32>,
        %gather3A_180 = tpu.vector_load_idx %arg10[%add3A_65, %broadcast_in_dim3A_178] : memref<256x32xf32, #tpu.memory_space<vmem>>[vector<16xi32>, vector<16xi32>], vector<16xf32>,
        %gather3A_181 = tpu.vector_load_idx %arg7[%gather3A_179] : memref<50000xf32, #tpu.memory_space<vmem>>[vector<16xi32>], vector<16xf32>,
        %gather3A_182 = tpu.vector_load_idx %arg8[%gather3A_179] : memref<50000xf32, #tpu.memory_space<vmem>>[vector<16xi32>], vector<16xf32>,
        %mul3A_183 = arith.mulf %gather3A_180, %gather3A_181 : vector<16xf32>
        %add3A_184 = arith.addf %add3A_164, %mul3A_183 : vector<16xf32>
        %mul3A_185 = arith.mulf %gather3A_180, %gather3A_182 : vector<16xf32>
        %add3A_186 = arith.addf %add3A_166, %mul3A_185 : vector<16xf32>
        %broadcast_in_dim3A_187 = arith.constant 12 : i32
        %broadcast_in_dim3A_188 = vector.broadcast %broadcast_in_dim3A_187 : i32 to vector<16xi32>
        %gather3A_189 = tpu.vector_load_idx %arg9[%add3A_65, %broadcast_in_dim3A_188] : memref<256x32xi32, #tpu.memory_space<vmem>>[vector<16xi32>, vector<16xi32>], vector<16xi32>,
        %gather3A_190 = tpu.vector_load_idx %arg10[%add3A_65, %broadcast_in_dim3A_188] : memref<256x32xf32, #tpu.memory_space<vmem>>[vector<16xi32>, vector<16xi32>], vector<16xf32>,
        %gather3A_191 = tpu.vector_load_idx %arg7[%gather3A_189] : memref<50000xf32, #tpu.memory_space<vmem>>[vector<16xi32>], vector<16xf32>,
        %gather3A_192 = tpu.vector_load_idx %arg8[%gather3A_189] : memref<50000xf32, #tpu.memory_space<vmem>>[vector<16xi32>], vector<16xf32>,
        %mul3A_193 = arith.mulf %gather3A_190, %gather3A_191 : vector<16xf32>
        %add3A_194 = arith.addf %add3A_174, %mul3A_193 : vector<16xf32>
        %mul3A_195 = arith.mulf %gather3A_190, %gather3A_192 : vector<16xf32>
        %add3A_196 = arith.addf %add3A_176, %mul3A_195 : vector<16xf32>
        %broadcast_in_dim3A_197 = arith.constant 13 : i32
        %broadcast_in_dim3A_198 = vector.broadcast %broadcast_in_dim3A_197 : i32 to vector<16xi32>
        %gather3A_199 = tpu.vector_load_idx %arg9[%add3A_65, %broadcast_in_dim3A_198] : memref<256x32xi32, #tpu.memory_space<vmem>>[vector<16xi32>, vector<16xi32>], vector<16xi32>,
        %gather3A_200 = tpu.vector_load_idx %arg10[%add3A_65, %broadcast_in_dim3A_198] : memref<256x32xf32, #tpu.memory_space<vmem>>[vector<16xi32>, vector<16xi32>], vector<16xf32>,
        %gather3A_201 = tpu.vector_load_idx %arg7[%gather3A_199] : memref<50000xf32, #tpu.memory_space<vmem>>[vector<16xi32>], vector<16xf32>,
        %gather3A_202 = tpu.vector_load_idx %arg8[%gather3A_199] : memref<50000xf32, #tpu.memory_space<vmem>>[vector<16xi32>], vector<16xf32>,
        %mul3A_203 = arith.mulf %gather3A_200, %gather3A_201 : vector<16xf32>
        %add3A_204 = arith.addf %add3A_184, %mul3A_203 : vector<16xf32>
        %mul3A_205 = arith.mulf %gather3A_200, %gather3A_202 : vector<16xf32>
        %add3A_206 = arith.addf %add3A_186, %mul3A_205 : vector<16xf32>
        %broadcast_in_dim3A_207 = arith.constant 14 : i32
        %broadcast_in_dim3A_208 = vector.broadcast %broadcast_in_dim3A_207 : i32 to vector<16xi32>
        %gather3A_209 = tpu.vector_load_idx %arg9[%add3A_65, %broadcast_in_dim3A_208] : memref<256x32xi32, #tpu.memory_space<vmem>>[vector<16xi32>, vector<16xi32>], vector<16xi32>,
        %gather3A_210 = tpu.vector_load_idx %arg10[%add3A_65, %broadcast_in_dim3A_208] : memref<256x32xf32, #tpu.memory_space<vmem>>[vector<16xi32>, vector<16xi32>], vector<16xf32>,
        %gather3A_211 = tpu.vector_load_idx %arg7[%gather3A_209] : memref<50000xf32, #tpu.memory_space<vmem>>[vector<16xi32>], vector<16xf32>,
        %gather3A_212 = tpu.vector_load_idx %arg8[%gather3A_209] : memref<50000xf32, #tpu.memory_space<vmem>>[vector<16xi32>], vector<16xf32>,
        %mul3A_213 = arith.mulf %gather3A_210, %gather3A_211 : vector<16xf32>
        %add3A_214 = arith.addf %add3A_194, %mul3A_213 : vector<16xf32>
        %mul3A_215 = arith.mulf %gather3A_210, %gather3A_212 : vector<16xf32>
        %add3A_216 = arith.addf %add3A_196, %mul3A_215 : vector<16xf32>
        %broadcast_in_dim3A_217 = arith.constant 15 : i32
        %broadcast_in_dim3A_218 = vector.broadcast %broadcast_in_dim3A_217 : i32 to vector<16xi32>
        %gather3A_219 = tpu.vector_load_idx %arg9[%add3A_65, %broadcast_in_dim3A_218] : memref<256x32xi32, #tpu.memory_space<vmem>>[vector<16xi32>, vector<16xi32>], vector<16xi32>,
        %gather3A_220 = tpu.vector_load_idx %arg10[%add3A_65, %broadcast_in_dim3A_218] : memref<256x32xf32, #tpu.memory_space<vmem>>[vector<16xi32>, vector<16xi32>], vector<16xf32>,
        %gather3A_221 = tpu.vector_load_idx %arg7[%gather3A_219] : memref<50000xf32, #tpu.memory_space<vmem>>[vector<16xi32>], vector<16xf32>,
        %gather3A_222 = tpu.vector_load_idx %arg8[%gather3A_219] : memref<50000xf32, #tpu.memory_space<vmem>>[vector<16xi32>], vector<16xf32>,
        %mul3A_223 = arith.mulf %gather3A_220, %gather3A_221 : vector<16xf32>
        %add3A_224 = arith.addf %add3A_204, %mul3A_223 : vector<16xf32>
        %mul3A_225 = arith.mulf %gather3A_220, %gather3A_222 : vector<16xf32>
        %add3A_226 = arith.addf %add3A_206, %mul3A_225 : vector<16xf32>
        %broadcast_in_dim3A_227 = arith.constant 16 : i32
        %broadcast_in_dim3A_228 = vector.broadcast %broadcast_in_dim3A_227 : i32 to vector<16xi32>
        %gather3A_229 = tpu.vector_load_idx %arg9[%add3A_65, %broadcast_in_dim3A_228] : memref<256x32xi32, #tpu.memory_space<vmem>>[vector<16xi32>, vector<16xi32>], vector<16xi32>,
        %gather3A_230 = tpu.vector_load_idx %arg10[%add3A_65, %broadcast_in_dim3A_228] : memref<256x32xf32, #tpu.memory_space<vmem>>[vector<16xi32>, vector<16xi32>], vector<16xf32>,
        %gather3A_231 = tpu.vector_load_idx %arg7[%gather3A_229] : memref<50000xf32, #tpu.memory_space<vmem>>[vector<16xi32>], vector<16xf32>,
        %gather3A_232 = tpu.vector_load_idx %arg8[%gather3A_229] : memref<50000xf32, #tpu.memory_space<vmem>>[vector<16xi32>], vector<16xf32>,
        %mul3A_233 = arith.mulf %gather3A_230, %gather3A_231 : vector<16xf32>
        %add3A_234 = arith.addf %add3A_214, %mul3A_233 : vector<16xf32>
        %mul3A_235 = arith.mulf %gather3A_230, %gather3A_232 : vector<16xf32>
        %add3A_236 = arith.addf %add3A_216, %mul3A_235 : vector<16xf32>
        %broadcast_in_dim3A_237 = arith.constant 17 : i32
        %broadcast_in_dim3A_238 = vector.broadcast %broadcast_in_dim3A_237 : i32 to vector<16xi32>
        %gather3A_239 = tpu.vector_load_idx %arg9[%add3A_65, %broadcast_in_dim3A_238] : memref<256x32xi32, #tpu.memory_space<vmem>>[vector<16xi32>, vector<16xi32>], vector<16xi32>,
        %gather3A_240 = tpu.vector_load_idx %arg10[%add3A_65, %broadcast_in_dim3A_238] : memref<256x32xf32, #tpu.memory_space<vmem>>[vector<16xi32>, vector<16xi32>], vector<16xf32>,
        %gather3A_241 = tpu.vector_load_idx %arg7[%gather3A_239] : memref<50000xf32, #tpu.memory_space<vmem>>[vector<16xi32>], vector<16xf32>,
        %gather3A_242 = tpu.vector_load_idx %arg8[%gather3A_239] : memref<50000xf32, #tpu.memory_space<vmem>>[vector<16xi32>], vector<16xf32>,
        %mul3A_243 = arith.mulf %gather3A_240, %gather3A_241 : vector<16xf32>
        %add3A_244 = arith.addf %add3A_224, %mul3A_243 : vector<16xf32>
        %mul3A_245 = arith.mulf %gather3A_240, %gather3A_242 : vector<16xf32>
        %add3A_246 = arith.addf %add3A_226, %mul3A_245 : vector<16xf32>
        %broadcast_in_dim3A_247 = arith.constant 18 : i32
        %broadcast_in_dim3A_248 = vector.broadcast %broadcast_in_dim3A_247 : i32 to vector<16xi32>
        %gather3A_249 = tpu.vector_load_idx %arg9[%add3A_65, %broadcast_in_dim3A_248] : memref<256x32xi32, #tpu.memory_space<vmem>>[vector<16xi32>, vector<16xi32>], vector<16xi32>,
        %gather3A_250 = tpu.vector_load_idx %arg10[%add3A_65, %broadcast_in_dim3A_248] : memref<256x32xf32, #tpu.memory_space<vmem>>[vector<16xi32>, vector<16xi32>], vector<16xf32>,
        %gather3A_251 = tpu.vector_load_idx %arg7[%gather3A_249] : memref<50000xf32, #tpu.memory_space<vmem>>[vector<16xi32>], vector<16xf32>,
        %gather3A_252 = tpu.vector_load_idx %arg8[%gather3A_249] : memref<50000xf32, #tpu.memory_space<vmem>>[vector<16xi32>], vector<16xf32>,
        %mul3A_253 = arith.mulf %gather3A_250, %gather3A_251 : vector<16xf32>
        %add3A_254 = arith.addf %add3A_234, %mul3A_253 : vector<16xf32>
        %mul3A_255 = arith.mulf %gather3A_250, %gather3A_252 : vector<16xf32>
        %add3A_256 = arith.addf %add3A_236, %mul3A_255 : vector<16xf32>
        %broadcast_in_dim3A_257 = arith.constant 19 : i32
        %broadcast_in_dim3A_258 = vector.broadcast %broadcast_in_dim3A_257 : i32 to vector<16xi32>
        %gather3A_259 = tpu.vector_load_idx %arg9[%add3A_65, %broadcast_in_dim3A_258] : memref<256x32xi32, #tpu.memory_space<vmem>>[vector<16xi32>, vector<16xi32>], vector<16xi32>,
        %gather3A_260 = tpu.vector_load_idx %arg10[%add3A_65, %broadcast_in_dim3A_258] : memref<256x32xf32, #tpu.memory_space<vmem>>[vector<16xi32>, vector<16xi32>], vector<16xf32>,
        %gather3A_261 = tpu.vector_load_idx %arg7[%gather3A_259] : memref<50000xf32, #tpu.memory_space<vmem>>[vector<16xi32>], vector<16xf32>,
        %gather3A_262 = tpu.vector_load_idx %arg8[%gather3A_259] : memref<50000xf32, #tpu.memory_space<vmem>>[vector<16xi32>], vector<16xf32>,
        %mul3A_263 = arith.mulf %gather3A_260, %gather3A_261 : vector<16xf32>
        %add3A_264 = arith.addf %add3A_244, %mul3A_263 : vector<16xf32>
        %mul3A_265 = arith.mulf %gather3A_260, %gather3A_262 : vector<16xf32>
        %add3A_266 = arith.addf %add3A_246, %mul3A_265 : vector<16xf32>
        %broadcast_in_dim3A_267 = arith.constant 20 : i32
        %broadcast_in_dim3A_268 = vector.broadcast %broadcast_in_dim3A_267 : i32 to vector<16xi32>
        %gather3A_269 = tpu.vector_load_idx %arg9[%add3A_65, %broadcast_in_dim3A_268] : memref<256x32xi32, #tpu.memory_space<vmem>>[vector<16xi32>, vector<16xi32>], vector<16xi32>,
        %gather3A_270 = tpu.vector_load_idx %arg10[%add3A_65, %broadcast_in_dim3A_268] : memref<256x32xf32, #tpu.memory_space<vmem>>[vector<16xi32>, vector<16xi32>], vector<16xf32>,
        %gather3A_271 = tpu.vector_load_idx %arg7[%gather3A_269] : memref<50000xf32, #tpu.memory_space<vmem>>[vector<16xi32>], vector<16xf32>,
        %gather3A_272 = tpu.vector_load_idx %arg8[%gather3A_269] : memref<50000xf32, #tpu.memory_space<vmem>>[vector<16xi32>], vector<16xf32>,
        %mul3A_273 = arith.mulf %gather3A_270, %gather3A_271 : vector<16xf32>
        %add3A_274 = arith.addf %add3A_254, %mul3A_273 : vector<16xf32>
        %mul3A_275 = arith.mulf %gather3A_270, %gather3A_272 : vector<16xf32>
        %add3A_276 = arith.addf %add3A_256, %mul3A_275 : vector<16xf32>
        %broadcast_in_dim3A_277 = arith.constant 21 : i32
        %broadcast_in_dim3A_278 = vector.broadcast %broadcast_in_dim3A_277 : i32 to vector<16xi32>
        %gather3A_279 = tpu.vector_load_idx %arg9[%add3A_65, %broadcast_in_dim3A_278] : memref<256x32xi32, #tpu.memory_space<vmem>>[vector<16xi32>, vector<16xi32>], vector<16xi32>,
        %gather3A_280 = tpu.vector_load_idx %arg10[%add3A_65, %broadcast_in_dim3A_278] : memref<256x32xf32, #tpu.memory_space<vmem>>[vector<16xi32>, vector<16xi32>], vector<16xf32>,
        %gather3A_281 = tpu.vector_load_idx %arg7[%gather3A_279] : memref<50000xf32, #tpu.memory_space<vmem>>[vector<16xi32>], vector<16xf32>,
        %gather3A_282 = tpu.vector_load_idx %arg8[%gather3A_279] : memref<50000xf32, #tpu.memory_space<vmem>>[vector<16xi32>], vector<16xf32>,
        %mul3A_283 = arith.mulf %gather3A_280, %gather3A_281 : vector<16xf32>
        %add3A_284 = arith.addf %add3A_264, %mul3A_283 : vector<16xf32>
        %mul3A_285 = arith.mulf %gather3A_280, %gather3A_282 : vector<16xf32>
        %add3A_286 = arith.addf %add3A_266, %mul3A_285 : vector<16xf32>
        %broadcast_in_dim3A_287 = arith.constant 22 : i32
        %broadcast_in_dim3A_288 = vector.broadcast %broadcast_in_dim3A_287 : i32 to vector<16xi32>
        %gather3A_289 = tpu.vector_load_idx %arg9[%add3A_65, %broadcast_in_dim3A_288] : memref<256x32xi32, #tpu.memory_space<vmem>>[vector<16xi32>, vector<16xi32>], vector<16xi32>,
        %gather3A_290 = tpu.vector_load_idx %arg10[%add3A_65, %broadcast_in_dim3A_288] : memref<256x32xf32, #tpu.memory_space<vmem>>[vector<16xi32>, vector<16xi32>], vector<16xf32>,
        %gather3A_291 = tpu.vector_load_idx %arg7[%gather3A_289] : memref<50000xf32, #tpu.memory_space<vmem>>[vector<16xi32>], vector<16xf32>,
        %gather3A_292 = tpu.vector_load_idx %arg8[%gather3A_289] : memref<50000xf32, #tpu.memory_space<vmem>>[vector<16xi32>], vector<16xf32>,
        %mul3A_293 = arith.mulf %gather3A_290, %gather3A_291 : vector<16xf32>
        %add3A_294 = arith.addf %add3A_274, %mul3A_293 : vector<16xf32>
        %mul3A_295 = arith.mulf %gather3A_290, %gather3A_292 : vector<16xf32>
        %add3A_296 = arith.addf %add3A_276, %mul3A_295 : vector<16xf32>
        %broadcast_in_dim3A_297 = arith.constant 23 : i32
        %broadcast_in_dim3A_298 = vector.broadcast %broadcast_in_dim3A_297 : i32 to vector<16xi32>
        %gather3A_299 = tpu.vector_load_idx %arg9[%add3A_65, %broadcast_in_dim3A_298] : memref<256x32xi32, #tpu.memory_space<vmem>>[vector<16xi32>, vector<16xi32>], vector<16xi32>,
        %gather3A_300 = tpu.vector_load_idx %arg10[%add3A_65, %broadcast_in_dim3A_298] : memref<256x32xf32, #tpu.memory_space<vmem>>[vector<16xi32>, vector<16xi32>], vector<16xf32>,
        %gather3A_301 = tpu.vector_load_idx %arg7[%gather3A_299] : memref<50000xf32, #tpu.memory_space<vmem>>[vector<16xi32>], vector<16xf32>,
        %gather3A_302 = tpu.vector_load_idx %arg8[%gather3A_299] : memref<50000xf32, #tpu.memory_space<vmem>>[vector<16xi32>], vector<16xf32>,
        %mul3A_303 = arith.mulf %gather3A_300, %gather3A_301 : vector<16xf32>
        %add3A_304 = arith.addf %add3A_284, %mul3A_303 : vector<16xf32>
        %mul3A_305 = arith.mulf %gather3A_300, %gather3A_302 : vector<16xf32>
        %add3A_306 = arith.addf %add3A_286, %mul3A_305 : vector<16xf32>
        %broadcast_in_dim3A_307 = arith.constant 24 : i32
        %broadcast_in_dim3A_308 = vector.broadcast %broadcast_in_dim3A_307 : i32 to vector<16xi32>
        %gather3A_309 = tpu.vector_load_idx %arg9[%add3A_65, %broadcast_in_dim3A_308] : memref<256x32xi32, #tpu.memory_space<vmem>>[vector<16xi32>, vector<16xi32>], vector<16xi32>,
        %gather3A_310 = tpu.vector_load_idx %arg10[%add3A_65, %broadcast_in_dim3A_308] : memref<256x32xf32, #tpu.memory_space<vmem>>[vector<16xi32>, vector<16xi32>], vector<16xf32>,
        %gather3A_311 = tpu.vector_load_idx %arg7[%gather3A_309] : memref<50000xf32, #tpu.memory_space<vmem>>[vector<16xi32>], vector<16xf32>,
        %gather3A_312 = tpu.vector_load_idx %arg8[%gather3A_309] : memref<50000xf32, #tpu.memory_space<vmem>>[vector<16xi32>], vector<16xf32>,
        %mul3A_313 = arith.mulf %gather3A_310, %gather3A_311 : vector<16xf32>
        %add3A_314 = arith.addf %add3A_294, %mul3A_313 : vector<16xf32>
        %mul3A_315 = arith.mulf %gather3A_310, %gather3A_312 : vector<16xf32>
        %add3A_316 = arith.addf %add3A_296, %mul3A_315 : vector<16xf32>
        %broadcast_in_dim3A_317 = arith.constant 25 : i32
        %broadcast_in_dim3A_318 = vector.broadcast %broadcast_in_dim3A_317 : i32 to vector<16xi32>
        %gather3A_319 = tpu.vector_load_idx %arg9[%add3A_65, %broadcast_in_dim3A_318] : memref<256x32xi32, #tpu.memory_space<vmem>>[vector<16xi32>, vector<16xi32>], vector<16xi32>,
        %gather3A_320 = tpu.vector_load_idx %arg10[%add3A_65, %broadcast_in_dim3A_318] : memref<256x32xf32, #tpu.memory_space<vmem>>[vector<16xi32>, vector<16xi32>], vector<16xf32>,
        %gather3A_321 = tpu.vector_load_idx %arg7[%gather3A_319] : memref<50000xf32, #tpu.memory_space<vmem>>[vector<16xi32>], vector<16xf32>,
        %gather3A_322 = tpu.vector_load_idx %arg8[%gather3A_319] : memref<50000xf32, #tpu.memory_space<vmem>>[vector<16xi32>], vector<16xf32>,
        %mul3A_323 = arith.mulf %gather3A_320, %gather3A_321 : vector<16xf32>
        %add3A_324 = arith.addf %add3A_304, %mul3A_323 : vector<16xf32>
        %mul3A_325 = arith.mulf %gather3A_320, %gather3A_322 : vector<16xf32>
        %add3A_326 = arith.addf %add3A_306, %mul3A_325 : vector<16xf32>
        %broadcast_in_dim3A_327 = arith.constant 26 : i32
        %broadcast_in_dim3A_328 = vector.broadcast %broadcast_in_dim3A_327 : i32 to vector<16xi32>
        %gather3A_329 = tpu.vector_load_idx %arg9[%add3A_65, %broadcast_in_dim3A_328] : memref<256x32xi32, #tpu.memory_space<vmem>>[vector<16xi32>, vector<16xi32>], vector<16xi32>,
        %gather3A_330 = tpu.vector_load_idx %arg10[%add3A_65, %broadcast_in_dim3A_328] : memref<256x32xf32, #tpu.memory_space<vmem>>[vector<16xi32>, vector<16xi32>], vector<16xf32>,
        %gather3A_331 = tpu.vector_load_idx %arg7[%gather3A_329] : memref<50000xf32, #tpu.memory_space<vmem>>[vector<16xi32>], vector<16xf32>,
        %gather3A_332 = tpu.vector_load_idx %arg8[%gather3A_329] : memref<50000xf32, #tpu.memory_space<vmem>>[vector<16xi32>], vector<16xf32>,
        %mul3A_333 = arith.mulf %gather3A_330, %gather3A_331 : vector<16xf32>
        %add3A_334 = arith.addf %add3A_314, %mul3A_333 : vector<16xf32>
        %mul3A_335 = arith.mulf %gather3A_330, %gather3A_332 : vector<16xf32>
        %add3A_336 = arith.addf %add3A_316, %mul3A_335 : vector<16xf32>
        %broadcast_in_dim3A_337 = arith.constant 27 : i32
        %broadcast_in_dim3A_338 = vector.broadcast %broadcast_in_dim3A_337 : i32 to vector<16xi32>
        %gather3A_339 = tpu.vector_load_idx %arg9[%add3A_65, %broadcast_in_dim3A_338] : memref<256x32xi32, #tpu.memory_space<vmem>>[vector<16xi32>, vector<16xi32>], vector<16xi32>,
        %gather3A_340 = tpu.vector_load_idx %arg10[%add3A_65, %broadcast_in_dim3A_338] : memref<256x32xf32, #tpu.memory_space<vmem>>[vector<16xi32>, vector<16xi32>], vector<16xf32>,
        %gather3A_341 = tpu.vector_load_idx %arg7[%gather3A_339] : memref<50000xf32, #tpu.memory_space<vmem>>[vector<16xi32>], vector<16xf32>,
        %gather3A_342 = tpu.vector_load_idx %arg8[%gather3A_339] : memref<50000xf32, #tpu.memory_space<vmem>>[vector<16xi32>], vector<16xf32>,
        %mul3A_343 = arith.mulf %gather3A_340, %gather3A_341 : vector<16xf32>
        %add3A_344 = arith.addf %add3A_324, %mul3A_343 : vector<16xf32>
        %mul3A_345 = arith.mulf %gather3A_340, %gather3A_342 : vector<16xf32>
        %add3A_346 = arith.addf %add3A_326, %mul3A_345 : vector<16xf32>
        %broadcast_in_dim3A_347 = arith.constant 28 : i32
        %broadcast_in_dim3A_348 = vector.broadcast %broadcast_in_dim3A_347 : i32 to vector<16xi32>
        %gather3A_349 = tpu.vector_load_idx %arg9[%add3A_65, %broadcast_in_dim3A_348] : memref<256x32xi32, #tpu.memory_space<vmem>>[vector<16xi32>, vector<16xi32>], vector<16xi32>,
        %gather3A_350 = tpu.vector_load_idx %arg10[%add3A_65, %broadcast_in_dim3A_348] : memref<256x32xf32, #tpu.memory_space<vmem>>[vector<16xi32>, vector<16xi32>], vector<16xf32>,
        %gather3A_351 = tpu.vector_load_idx %arg7[%gather3A_349] : memref<50000xf32, #tpu.memory_space<vmem>>[vector<16xi32>], vector<16xf32>,
        %gather3A_352 = tpu.vector_load_idx %arg8[%gather3A_349] : memref<50000xf32, #tpu.memory_space<vmem>>[vector<16xi32>], vector<16xf32>,
        %mul3A_353 = arith.mulf %gather3A_350, %gather3A_351 : vector<16xf32>
        %add3A_354 = arith.addf %add3A_334, %mul3A_353 : vector<16xf32>
        %mul3A_355 = arith.mulf %gather3A_350, %gather3A_352 : vector<16xf32>
        %add3A_356 = arith.addf %add3A_336, %mul3A_355 : vector<16xf32>
        %broadcast_in_dim3A_357 = arith.constant 29 : i32
        %broadcast_in_dim3A_358 = vector.broadcast %broadcast_in_dim3A_357 : i32 to vector<16xi32>
        %gather3A_359 = tpu.vector_load_idx %arg9[%add3A_65, %broadcast_in_dim3A_358] : memref<256x32xi32, #tpu.memory_space<vmem>>[vector<16xi32>, vector<16xi32>], vector<16xi32>,
        %gather3A_360 = tpu.vector_load_idx %arg10[%add3A_65, %broadcast_in_dim3A_358] : memref<256x32xf32, #tpu.memory_space<vmem>>[vector<16xi32>, vector<16xi32>], vector<16xf32>,
        %gather3A_361 = tpu.vector_load_idx %arg7[%gather3A_359] : memref<50000xf32, #tpu.memory_space<vmem>>[vector<16xi32>], vector<16xf32>,
        %gather3A_362 = tpu.vector_load_idx %arg8[%gather3A_359] : memref<50000xf32, #tpu.memory_space<vmem>>[vector<16xi32>], vector<16xf32>,
        %mul3A_363 = arith.mulf %gather3A_360, %gather3A_361 : vector<16xf32>
        %add3A_364 = arith.addf %add3A_344, %mul3A_363 : vector<16xf32>
        %mul3A_365 = arith.mulf %gather3A_360, %gather3A_362 : vector<16xf32>
        %add3A_366 = arith.addf %add3A_346, %mul3A_365 : vector<16xf32>
        %broadcast_in_dim3A_367 = arith.constant 30 : i32
        %broadcast_in_dim3A_368 = vector.broadcast %broadcast_in_dim3A_367 : i32 to vector<16xi32>
        %gather3A_369 = tpu.vector_load_idx %arg9[%add3A_65, %broadcast_in_dim3A_368] : memref<256x32xi32, #tpu.memory_space<vmem>>[vector<16xi32>, vector<16xi32>], vector<16xi32>,
        %gather3A_370 = tpu.vector_load_idx %arg10[%add3A_65, %broadcast_in_dim3A_368] : memref<256x32xf32, #tpu.memory_space<vmem>>[vector<16xi32>, vector<16xi32>], vector<16xf32>,
        %gather3A_371 = tpu.vector_load_idx %arg7[%gather3A_369] : memref<50000xf32, #tpu.memory_space<vmem>>[vector<16xi32>], vector<16xf32>,
        %gather3A_372 = tpu.vector_load_idx %arg8[%gather3A_369] : memref<50000xf32, #tpu.memory_space<vmem>>[vector<16xi32>], vector<16xf32>,
        %mul3A_373 = arith.mulf %gather3A_370, %gather3A_371 : vector<16xf32>
        %add3A_374 = arith.addf %add3A_354, %mul3A_373 : vector<16xf32>
        %mul3A_375 = arith.mulf %gather3A_370, %gather3A_372 : vector<16xf32>
        %add3A_376 = arith.addf %add3A_356, %mul3A_375 : vector<16xf32>
        %broadcast_in_dim3A_377 = arith.constant 31 : i32
        %broadcast_in_dim3A_378 = vector.broadcast %broadcast_in_dim3A_377 : i32 to vector<16xi32>
        %gather3A_379 = tpu.vector_load_idx %arg9[%add3A_65, %broadcast_in_dim3A_378] : memref<256x32xi32, #tpu.memory_space<vmem>>[vector<16xi32>, vector<16xi32>], vector<16xi32>,
        %gather3A_380 = tpu.vector_load_idx %arg10[%add3A_65, %broadcast_in_dim3A_378] : memref<256x32xf32, #tpu.memory_space<vmem>>[vector<16xi32>, vector<16xi32>], vector<16xf32>,
        %gather3A_381 = tpu.vector_load_idx %arg7[%gather3A_379] : memref<50000xf32, #tpu.memory_space<vmem>>[vector<16xi32>], vector<16xf32>,
        %gather3A_382 = tpu.vector_load_idx %arg8[%gather3A_379] : memref<50000xf32, #tpu.memory_space<vmem>>[vector<16xi32>], vector<16xf32>,
        %mul3A_383 = arith.mulf %gather3A_380, %gather3A_381 : vector<16xf32>
        %add3A_384 = arith.addf %add3A_364, %mul3A_383 : vector<16xf32>
        %mul3A_385 = arith.mulf %gather3A_380, %gather3A_382 : vector<16xf32>
        %add3A_386 = arith.addf %add3A_366, %mul3A_385 : vector<16xf32>
        %add3A_387 = vector.broadcast %mul3A_54 : i32 to vector<16xi32>
        %add3A_388 = arith.addi %add3A_387, %add3A_65 : vector<16xi32>
        %ne3A_389 = arith.constant 0 : i32
        %ne3A_390 = vector.broadcast %ne3A_389 : i32 to vector<16xi32>
        %ne3A_391 = arith.cmpi ne, %add3A_388, %ne3A_390 : vector<16xi32>
        %ne3A_392 = arith.cmpi ne, %add3A_388, %get3A_21 : vector<16xi32>
        %and3A_393 = arith.andi %ne3A_391, %ne3A_392 : vector<16xi1>
        %add3A_394 = arith.addf %add3A_374, %add3A_384 : vector<16xf32>
        %abs3A = math.absf %add3A_394 : vector<16xf32>
        %add3A_395 = arith.addf %add3A_376, %add3A_386 : vector<16xf32>
        %abs3A_396 = math.absf %add3A_395 : vector<16xf32>
        %add3A_397 = arith.addf %abs3A, %abs3A_396 : vector<16xf32>
        %jit3A_398 = arith.constant 0.000000e+00 : f32
        %broadcast_in_dim3A_399 = vector.broadcast %jit3A_398 : f32 to vector<16xf32>
        %select_n3A_400 = arith.select %and3A_393, %add3A_397, %broadcast_in_dim3A_399 : vector<16xi1>, vector<16xf32>
        %add3A_401 = arith.addf %scan3A_61, %select_n3A_400 : vector<16xf32>
        scf.yield %add3A_401 : vector<16xf32>
      }
      %scan3A_59 = arith.constant 16 : i32
      scf.yield %scan3A_58 : vector<16xf32>
    }
    %eq3A = arith.constant 3 : i32
    %eq3A_37 = arith.cmpi eq, %sub3A_19, %eq3A : i32
    %convert_element_type3A = arith.extui %eq3A_37 : i1 to i32
    %cond3A = arith.constant 0 : i32
    %cond3A_38 = arith.cmpi ne, %convert_element_type3A, %cond3A : i32
    scf.if %cond3A_38 {
      %broadcast_in_dim3A_48 = arith.constant 0.000000e+00 : f32
      %broadcast_in_dim3A_49 = vector.broadcast %broadcast_in_dim3A_48 : f32 to vector<16xf32>
      "tpu.region"() ({
        %run_scoped3A_57 = tpu.sem_alloc : memref<!tpu.dma_semaphore, #tpu.memory_space<semaphore_mem>>
        %dma_start3A = arith.constant 0 : i32
        %dma_start3A_58 = arith.constant 0 : i32
        %dma_start3A_59 = tpu.memref_slice %arg9[%dma_start3A, %dma_start3A_58] : memref<256x32xi32, #tpu.memory_space<vmem>> -> memref<80x32xi32, #tpu.memory_space<vmem>>
        %dma_start3A_60 = arith.constant 49920 : i32
        %dma_start3A_61 = arith.constant 0 : i32
        %dma_start3A_62 = tpu.memref_slice %arg4[%dma_start3A_60, %dma_start3A_61] : memref<50000x32xi32, #tpu.memory_space<hbm>> -> memref<80x32xi32, #tpu.memory_space<hbm>>
        %dma_start3A_63 = arith.constant 0 : i32
        %dma_start3A_64 = arith.constant 0 : i32
        %dma_start3A_65 = tpu.memref_slice %arg9[%dma_start3A_63, %dma_start3A_64] : memref<256x32xi32, #tpu.memory_space<vmem>> -> memref<80x32xi32, #tpu.memory_space<vmem>>
        %dma_start3A_66 = arith.constant 49920 : i32
        %dma_start3A_67 = arith.constant 0 : i32
        %dma_start3A_68 = tpu.memref_slice %arg4[%dma_start3A_66, %dma_start3A_67] : memref<50000x32xi32, #tpu.memory_space<hbm>> -> memref<80x32xi32, #tpu.memory_space<hbm>>
        tpu.enqueue_dma source(%dma_start3A_68 : memref<80x32xi32, #tpu.memory_space<hbm>>) target(%dma_start3A_65 : memref<80x32xi32, #tpu.memory_space<vmem>>) target_semaphore(%run_scoped3A_57 : memref<!tpu.dma_semaphore, #tpu.memory_space<semaphore_mem>>)
        %dma_wait3A = arith.constant 0 : i32
        %dma_wait3A_69 = arith.constant 0 : i32
        %dma_wait3A_70 = tpu.memref_slice %arg9[%dma_wait3A, %dma_wait3A_69] : memref<256x32xi32, #tpu.memory_space<vmem>> -> memref<80x32xi32, #tpu.memory_space<vmem>>
        %dma_wait3A_71 = arith.constant 49920 : i32
        %dma_wait3A_72 = arith.constant 0 : i32
        %dma_wait3A_73 = tpu.memref_slice %arg4[%dma_wait3A_71, %dma_wait3A_72] : memref<50000x32xi32, #tpu.memory_space<hbm>> -> memref<80x32xi32, #tpu.memory_space<hbm>>
        %dma_wait3A_74 = arith.constant 0 : i32
        %dma_wait3A_75 = arith.constant 0 : i32
        %dma_wait3A_76 = tpu.memref_slice %arg9[%dma_wait3A_74, %dma_wait3A_75] : memref<256x32xi32, #tpu.memory_space<vmem>> -> memref<80x32xi32, #tpu.memory_space<vmem>>
        %dma_wait3A_77 = arith.constant 49920 : i32
        %dma_wait3A_78 = arith.constant 0 : i32
        %dma_wait3A_79 = tpu.memref_slice %arg4[%dma_wait3A_77, %dma_wait3A_78] : memref<50000x32xi32, #tpu.memory_space<hbm>> -> memref<80x32xi32, #tpu.memory_space<hbm>>
        tpu.wait_dma2 semaphore(%run_scoped3A_57 : memref<!tpu.dma_semaphore, #tpu.memory_space<semaphore_mem>>) src(%dma_wait3A_79 : memref<80x32xi32, #tpu.memory_space<hbm>>) dst(%dma_wait3A_76 : memref<80x32xi32, #tpu.memory_space<vmem>>)
        tpu.yield
      }) : () -> ()
      "tpu.region"() ({
        %run_scoped3A_57 = tpu.sem_alloc : memref<!tpu.dma_semaphore, #tpu.memory_space<semaphore_mem>>
        %dma_start3A = arith.constant 0 : i32
        %dma_start3A_58 = arith.constant 0 : i32
        %dma_start3A_59 = tpu.memref_slice %arg10[%dma_start3A, %dma_start3A_58] : memref<256x32xf32, #tpu.memory_space<vmem>> -> memref<80x32xf32, #tpu.memory_space<vmem>>
        %dma_start3A_60 = arith.constant 49920 : i32
        %dma_start3A_61 = arith.constant 0 : i32
        %dma_start3A_62 = tpu.memref_slice %arg3[%select_n3A, %dma_start3A_60, %dma_start3A_61] : memref<8x50000x32xf32, #tpu.memory_space<hbm>> -> memref<1x80x32xf32, #tpu.memory_space<hbm>>
        %dma_start3A_63 = tpu.memref_squeeze %dma_start3A_62 : memref<1x80x32xf32, #tpu.memory_space<hbm>> -> memref<80x32xf32, #tpu.memory_space<hbm>>
        %dma_start3A_64 = arith.constant 0 : i32
        %dma_start3A_65 = arith.constant 0 : i32
        %dma_start3A_66 = tpu.memref_slice %arg10[%dma_start3A_64, %dma_start3A_65] : memref<256x32xf32, #tpu.memory_space<vmem>> -> memref<80x32xf32, #tpu.memory_space<vmem>>
        %dma_start3A_67 = arith.constant 49920 : i32
        %dma_start3A_68 = arith.constant 0 : i32
        %dma_start3A_69 = tpu.memref_slice %arg3[%select_n3A, %dma_start3A_67, %dma_start3A_68] : memref<8x50000x32xf32, #tpu.memory_space<hbm>> -> memref<1x80x32xf32, #tpu.memory_space<hbm>>
        %dma_start3A_70 = tpu.memref_squeeze %dma_start3A_69 : memref<1x80x32xf32, #tpu.memory_space<hbm>> -> memref<80x32xf32, #tpu.memory_space<hbm>>
        tpu.enqueue_dma source(%dma_start3A_70 : memref<80x32xf32, #tpu.memory_space<hbm>>) target(%dma_start3A_66 : memref<80x32xf32, #tpu.memory_space<vmem>>) target_semaphore(%run_scoped3A_57 : memref<!tpu.dma_semaphore, #tpu.memory_space<semaphore_mem>>)
        %dma_wait3A = arith.constant 0 : i32
        %dma_wait3A_71 = arith.constant 0 : i32
        %dma_wait3A_72 = tpu.memref_slice %arg10[%dma_wait3A, %dma_wait3A_71] : memref<256x32xf32, #tpu.memory_space<vmem>> -> memref<80x32xf32, #tpu.memory_space<vmem>>
        %dma_wait3A_73 = arith.constant 49920 : i32
        %dma_wait3A_74 = arith.constant 0 : i32
        %dma_wait3A_75 = tpu.memref_slice %arg3[%select_n3A, %dma_wait3A_73, %dma_wait3A_74] : memref<8x50000x32xf32, #tpu.memory_space<hbm>> -> memref<1x80x32xf32, #tpu.memory_space<hbm>>
        %dma_wait3A_76 = tpu.memref_squeeze %dma_wait3A_75 : memref<1x80x32xf32, #tpu.memory_space<hbm>> -> memref<80x32xf32, #tpu.memory_space<hbm>>
        %dma_wait3A_77 = arith.constant 0 : i32
        %dma_wait3A_78 = arith.constant 0 : i32
        %dma_wait3A_79 = tpu.memref_slice %arg10[%dma_wait3A_77, %dma_wait3A_78] : memref<256x32xf32, #tpu.memory_space<vmem>> -> memref<80x32xf32, #tpu.memory_space<vmem>>
        %dma_wait3A_80 = arith.constant 49920 : i32
        %dma_wait3A_81 = arith.constant 0 : i32
        %dma_wait3A_82 = tpu.memref_slice %arg3[%select_n3A, %dma_wait3A_80, %dma_wait3A_81] : memref<8x50000x32xf32, #tpu.memory_space<hbm>> -> memref<1x80x32xf32, #tpu.memory_space<hbm>>
        %dma_wait3A_83 = tpu.memref_squeeze %dma_wait3A_82 : memref<1x80x32xf32, #tpu.memory_space<hbm>> -> memref<80x32xf32, #tpu.memory_space<hbm>>
        tpu.wait_dma2 semaphore(%run_scoped3A_57 : memref<!tpu.dma_semaphore, #tpu.memory_space<semaphore_mem>>) src(%dma_wait3A_83 : memref<80x32xf32, #tpu.memory_space<hbm>>) dst(%dma_wait3A_79 : memref<80x32xf32, #tpu.memory_space<vmem>>)
        tpu.yield
      }) : () -> ()
      %scan3A = arith.constant 0 : i32
      %scan3A_50 = arith.constant 5 : i32
      %scan3A_51 = arith.addi %scan3A, %scan3A_50 : i32
      %scan3A_52 = arith.constant 1 : i32
      %scan3A_53 = scf.for %scan3A_57 = %scan3A to %scan3A_51 step %scan3A_52 iter_args(%scan3A_58 = %broadcast_in_dim3A_49) -> (vector<16xf32>)  : i32 {
        %mul3A_59 = arith.constant 16 : i32
        %mul3A_60 = arith.muli %scan3A_57, %mul3A_59 : i32
        %add3A_61 = vector.broadcast %mul3A_60 : i32 to vector<16xi32>
        %add3A_62 = arith.addi %add3A_61, %iota3A : vector<16xi32>
        %broadcast_in_dim3A_63 = arith.constant 0.000000e+00 : f32
        %broadcast_in_dim3A_64 = vector.broadcast %broadcast_in_dim3A_63 : f32 to vector<16xf32>
        %broadcast_in_dim3A_65 = arith.constant 0 : i32
        %broadcast_in_dim3A_66 = vector.broadcast %broadcast_in_dim3A_65 : i32 to vector<16xi32>
        %gather3A = tpu.vector_load_idx %arg9[%add3A_62, %broadcast_in_dim3A_66] : memref<256x32xi32, #tpu.memory_space<vmem>>[vector<16xi32>, vector<16xi32>], vector<16xi32>,
        %gather3A_67 = tpu.vector_load_idx %arg10[%add3A_62, %broadcast_in_dim3A_66] : memref<256x32xf32, #tpu.memory_space<vmem>>[vector<16xi32>, vector<16xi32>], vector<16xf32>,
        %gather3A_68 = tpu.vector_load_idx %arg7[%gather3A] : memref<50000xf32, #tpu.memory_space<vmem>>[vector<16xi32>], vector<16xf32>,
        %gather3A_69 = tpu.vector_load_idx %arg8[%gather3A] : memref<50000xf32, #tpu.memory_space<vmem>>[vector<16xi32>], vector<16xf32>,
        %mul3A_70 = arith.mulf %gather3A_67, %gather3A_68 : vector<16xf32>
        %add3A_71 = arith.addf %broadcast_in_dim3A_64, %mul3A_70 : vector<16xf32>
        %mul3A_72 = arith.mulf %gather3A_67, %gather3A_69 : vector<16xf32>
        %add3A_73 = arith.addf %broadcast_in_dim3A_64, %mul3A_72 : vector<16xf32>
        %broadcast_in_dim3A_74 = arith.constant 1 : i32
        %broadcast_in_dim3A_75 = vector.broadcast %broadcast_in_dim3A_74 : i32 to vector<16xi32>
        %gather3A_76 = tpu.vector_load_idx %arg9[%add3A_62, %broadcast_in_dim3A_75] : memref<256x32xi32, #tpu.memory_space<vmem>>[vector<16xi32>, vector<16xi32>], vector<16xi32>,
        %gather3A_77 = tpu.vector_load_idx %arg10[%add3A_62, %broadcast_in_dim3A_75] : memref<256x32xf32, #tpu.memory_space<vmem>>[vector<16xi32>, vector<16xi32>], vector<16xf32>,
        %gather3A_78 = tpu.vector_load_idx %arg7[%gather3A_76] : memref<50000xf32, #tpu.memory_space<vmem>>[vector<16xi32>], vector<16xf32>,
        %gather3A_79 = tpu.vector_load_idx %arg8[%gather3A_76] : memref<50000xf32, #tpu.memory_space<vmem>>[vector<16xi32>], vector<16xf32>,
        %mul3A_80 = arith.mulf %gather3A_77, %gather3A_78 : vector<16xf32>
        %add3A_81 = arith.addf %broadcast_in_dim3A_64, %mul3A_80 : vector<16xf32>
        %mul3A_82 = arith.mulf %gather3A_77, %gather3A_79 : vector<16xf32>
        %add3A_83 = arith.addf %broadcast_in_dim3A_64, %mul3A_82 : vector<16xf32>
        %broadcast_in_dim3A_84 = arith.constant 2 : i32
        %broadcast_in_dim3A_85 = vector.broadcast %broadcast_in_dim3A_84 : i32 to vector<16xi32>
        %gather3A_86 = tpu.vector_load_idx %arg9[%add3A_62, %broadcast_in_dim3A_85] : memref<256x32xi32, #tpu.memory_space<vmem>>[vector<16xi32>, vector<16xi32>], vector<16xi32>,
        %gather3A_87 = tpu.vector_load_idx %arg10[%add3A_62, %broadcast_in_dim3A_85] : memref<256x32xf32, #tpu.memory_space<vmem>>[vector<16xi32>, vector<16xi32>], vector<16xf32>,
        %gather3A_88 = tpu.vector_load_idx %arg7[%gather3A_86] : memref<50000xf32, #tpu.memory_space<vmem>>[vector<16xi32>], vector<16xf32>,
        %gather3A_89 = tpu.vector_load_idx %arg8[%gather3A_86] : memref<50000xf32, #tpu.memory_space<vmem>>[vector<16xi32>], vector<16xf32>,
        %mul3A_90 = arith.mulf %gather3A_87, %gather3A_88 : vector<16xf32>
        %add3A_91 = arith.addf %add3A_71, %mul3A_90 : vector<16xf32>
        %mul3A_92 = arith.mulf %gather3A_87, %gather3A_89 : vector<16xf32>
        %add3A_93 = arith.addf %add3A_73, %mul3A_92 : vector<16xf32>
        %broadcast_in_dim3A_94 = arith.constant 3 : i32
        %broadcast_in_dim3A_95 = vector.broadcast %broadcast_in_dim3A_94 : i32 to vector<16xi32>
        %gather3A_96 = tpu.vector_load_idx %arg9[%add3A_62, %broadcast_in_dim3A_95] : memref<256x32xi32, #tpu.memory_space<vmem>>[vector<16xi32>, vector<16xi32>], vector<16xi32>,
        %gather3A_97 = tpu.vector_load_idx %arg10[%add3A_62, %broadcast_in_dim3A_95] : memref<256x32xf32, #tpu.memory_space<vmem>>[vector<16xi32>, vector<16xi32>], vector<16xf32>,
        %gather3A_98 = tpu.vector_load_idx %arg7[%gather3A_96] : memref<50000xf32, #tpu.memory_space<vmem>>[vector<16xi32>], vector<16xf32>,
        %gather3A_99 = tpu.vector_load_idx %arg8[%gather3A_96] : memref<50000xf32, #tpu.memory_space<vmem>>[vector<16xi32>], vector<16xf32>,
        %mul3A_100 = arith.mulf %gather3A_97, %gather3A_98 : vector<16xf32>
        %add3A_101 = arith.addf %add3A_81, %mul3A_100 : vector<16xf32>
        %mul3A_102 = arith.mulf %gather3A_97, %gather3A_99 : vector<16xf32>
        %add3A_103 = arith.addf %add3A_83, %mul3A_102 : vector<16xf32>
        %broadcast_in_dim3A_104 = arith.constant 4 : i32
        %broadcast_in_dim3A_105 = vector.broadcast %broadcast_in_dim3A_104 : i32 to vector<16xi32>
        %gather3A_106 = tpu.vector_load_idx %arg9[%add3A_62, %broadcast_in_dim3A_105] : memref<256x32xi32, #tpu.memory_space<vmem>>[vector<16xi32>, vector<16xi32>], vector<16xi32>,
        %gather3A_107 = tpu.vector_load_idx %arg10[%add3A_62, %broadcast_in_dim3A_105] : memref<256x32xf32, #tpu.memory_space<vmem>>[vector<16xi32>, vector<16xi32>], vector<16xf32>,
        %gather3A_108 = tpu.vector_load_idx %arg7[%gather3A_106] : memref<50000xf32, #tpu.memory_space<vmem>>[vector<16xi32>], vector<16xf32>,
        %gather3A_109 = tpu.vector_load_idx %arg8[%gather3A_106] : memref<50000xf32, #tpu.memory_space<vmem>>[vector<16xi32>], vector<16xf32>,
        %mul3A_110 = arith.mulf %gather3A_107, %gather3A_108 : vector<16xf32>
        %add3A_111 = arith.addf %add3A_91, %mul3A_110 : vector<16xf32>
        %mul3A_112 = arith.mulf %gather3A_107, %gather3A_109 : vector<16xf32>
        %add3A_113 = arith.addf %add3A_93, %mul3A_112 : vector<16xf32>
        %broadcast_in_dim3A_114 = arith.constant 5 : i32
        %broadcast_in_dim3A_115 = vector.broadcast %broadcast_in_dim3A_114 : i32 to vector<16xi32>
        %gather3A_116 = tpu.vector_load_idx %arg9[%add3A_62, %broadcast_in_dim3A_115] : memref<256x32xi32, #tpu.memory_space<vmem>>[vector<16xi32>, vector<16xi32>], vector<16xi32>,
        %gather3A_117 = tpu.vector_load_idx %arg10[%add3A_62, %broadcast_in_dim3A_115] : memref<256x32xf32, #tpu.memory_space<vmem>>[vector<16xi32>, vector<16xi32>], vector<16xf32>,
        %gather3A_118 = tpu.vector_load_idx %arg7[%gather3A_116] : memref<50000xf32, #tpu.memory_space<vmem>>[vector<16xi32>], vector<16xf32>,
        %gather3A_119 = tpu.vector_load_idx %arg8[%gather3A_116] : memref<50000xf32, #tpu.memory_space<vmem>>[vector<16xi32>], vector<16xf32>,
        %mul3A_120 = arith.mulf %gather3A_117, %gather3A_118 : vector<16xf32>
        %add3A_121 = arith.addf %add3A_101, %mul3A_120 : vector<16xf32>
        %mul3A_122 = arith.mulf %gather3A_117, %gather3A_119 : vector<16xf32>
        %add3A_123 = arith.addf %add3A_103, %mul3A_122 : vector<16xf32>
        %broadcast_in_dim3A_124 = arith.constant 6 : i32
        %broadcast_in_dim3A_125 = vector.broadcast %broadcast_in_dim3A_124 : i32 to vector<16xi32>
        %gather3A_126 = tpu.vector_load_idx %arg9[%add3A_62, %broadcast_in_dim3A_125] : memref<256x32xi32, #tpu.memory_space<vmem>>[vector<16xi32>, vector<16xi32>], vector<16xi32>,
        %gather3A_127 = tpu.vector_load_idx %arg10[%add3A_62, %broadcast_in_dim3A_125] : memref<256x32xf32, #tpu.memory_space<vmem>>[vector<16xi32>, vector<16xi32>], vector<16xf32>,
        %gather3A_128 = tpu.vector_load_idx %arg7[%gather3A_126] : memref<50000xf32, #tpu.memory_space<vmem>>[vector<16xi32>], vector<16xf32>,
        %gather3A_129 = tpu.vector_load_idx %arg8[%gather3A_126] : memref<50000xf32, #tpu.memory_space<vmem>>[vector<16xi32>], vector<16xf32>,
        %mul3A_130 = arith.mulf %gather3A_127, %gather3A_128 : vector<16xf32>
        %add3A_131 = arith.addf %add3A_111, %mul3A_130 : vector<16xf32>
        %mul3A_132 = arith.mulf %gather3A_127, %gather3A_129 : vector<16xf32>
        %add3A_133 = arith.addf %add3A_113, %mul3A_132 : vector<16xf32>
        %broadcast_in_dim3A_134 = arith.constant 7 : i32
        %broadcast_in_dim3A_135 = vector.broadcast %broadcast_in_dim3A_134 : i32 to vector<16xi32>
        %gather3A_136 = tpu.vector_load_idx %arg9[%add3A_62, %broadcast_in_dim3A_135] : memref<256x32xi32, #tpu.memory_space<vmem>>[vector<16xi32>, vector<16xi32>], vector<16xi32>,
        %gather3A_137 = tpu.vector_load_idx %arg10[%add3A_62, %broadcast_in_dim3A_135] : memref<256x32xf32, #tpu.memory_space<vmem>>[vector<16xi32>, vector<16xi32>], vector<16xf32>,
        %gather3A_138 = tpu.vector_load_idx %arg7[%gather3A_136] : memref<50000xf32, #tpu.memory_space<vmem>>[vector<16xi32>], vector<16xf32>,
        %gather3A_139 = tpu.vector_load_idx %arg8[%gather3A_136] : memref<50000xf32, #tpu.memory_space<vmem>>[vector<16xi32>], vector<16xf32>,
        %mul3A_140 = arith.mulf %gather3A_137, %gather3A_138 : vector<16xf32>
        %add3A_141 = arith.addf %add3A_121, %mul3A_140 : vector<16xf32>
        %mul3A_142 = arith.mulf %gather3A_137, %gather3A_139 : vector<16xf32>
        %add3A_143 = arith.addf %add3A_123, %mul3A_142 : vector<16xf32>
        %broadcast_in_dim3A_144 = arith.constant 8 : i32
        %broadcast_in_dim3A_145 = vector.broadcast %broadcast_in_dim3A_144 : i32 to vector<16xi32>
        %gather3A_146 = tpu.vector_load_idx %arg9[%add3A_62, %broadcast_in_dim3A_145] : memref<256x32xi32, #tpu.memory_space<vmem>>[vector<16xi32>, vector<16xi32>], vector<16xi32>,
        %gather3A_147 = tpu.vector_load_idx %arg10[%add3A_62, %broadcast_in_dim3A_145] : memref<256x32xf32, #tpu.memory_space<vmem>>[vector<16xi32>, vector<16xi32>], vector<16xf32>,
        %gather3A_148 = tpu.vector_load_idx %arg7[%gather3A_146] : memref<50000xf32, #tpu.memory_space<vmem>>[vector<16xi32>], vector<16xf32>,
        %gather3A_149 = tpu.vector_load_idx %arg8[%gather3A_146] : memref<50000xf32, #tpu.memory_space<vmem>>[vector<16xi32>], vector<16xf32>,
        %mul3A_150 = arith.mulf %gather3A_147, %gather3A_148 : vector<16xf32>
        %add3A_151 = arith.addf %add3A_131, %mul3A_150 : vector<16xf32>
        %mul3A_152 = arith.mulf %gather3A_147, %gather3A_149 : vector<16xf32>
        %add3A_153 = arith.addf %add3A_133, %mul3A_152 : vector<16xf32>
        %broadcast_in_dim3A_154 = arith.constant 9 : i32
        %broadcast_in_dim3A_155 = vector.broadcast %broadcast_in_dim3A_154 : i32 to vector<16xi32>
        %gather3A_156 = tpu.vector_load_idx %arg9[%add3A_62, %broadcast_in_dim3A_155] : memref<256x32xi32, #tpu.memory_space<vmem>>[vector<16xi32>, vector<16xi32>], vector<16xi32>,
        %gather3A_157 = tpu.vector_load_idx %arg10[%add3A_62, %broadcast_in_dim3A_155] : memref<256x32xf32, #tpu.memory_space<vmem>>[vector<16xi32>, vector<16xi32>], vector<16xf32>,
        %gather3A_158 = tpu.vector_load_idx %arg7[%gather3A_156] : memref<50000xf32, #tpu.memory_space<vmem>>[vector<16xi32>], vector<16xf32>,
        %gather3A_159 = tpu.vector_load_idx %arg8[%gather3A_156] : memref<50000xf32, #tpu.memory_space<vmem>>[vector<16xi32>], vector<16xf32>,
        %mul3A_160 = arith.mulf %gather3A_157, %gather3A_158 : vector<16xf32>
        %add3A_161 = arith.addf %add3A_141, %mul3A_160 : vector<16xf32>
        %mul3A_162 = arith.mulf %gather3A_157, %gather3A_159 : vector<16xf32>
        %add3A_163 = arith.addf %add3A_143, %mul3A_162 : vector<16xf32>
        %broadcast_in_dim3A_164 = arith.constant 10 : i32
        %broadcast_in_dim3A_165 = vector.broadcast %broadcast_in_dim3A_164 : i32 to vector<16xi32>
        %gather3A_166 = tpu.vector_load_idx %arg9[%add3A_62, %broadcast_in_dim3A_165] : memref<256x32xi32, #tpu.memory_space<vmem>>[vector<16xi32>, vector<16xi32>], vector<16xi32>,
        %gather3A_167 = tpu.vector_load_idx %arg10[%add3A_62, %broadcast_in_dim3A_165] : memref<256x32xf32, #tpu.memory_space<vmem>>[vector<16xi32>, vector<16xi32>], vector<16xf32>,
        %gather3A_168 = tpu.vector_load_idx %arg7[%gather3A_166] : memref<50000xf32, #tpu.memory_space<vmem>>[vector<16xi32>], vector<16xf32>,
        %gather3A_169 = tpu.vector_load_idx %arg8[%gather3A_166] : memref<50000xf32, #tpu.memory_space<vmem>>[vector<16xi32>], vector<16xf32>,
        %mul3A_170 = arith.mulf %gather3A_167, %gather3A_168 : vector<16xf32>
        %add3A_171 = arith.addf %add3A_151, %mul3A_170 : vector<16xf32>
        %mul3A_172 = arith.mulf %gather3A_167, %gather3A_169 : vector<16xf32>
        %add3A_173 = arith.addf %add3A_153, %mul3A_172 : vector<16xf32>
        %broadcast_in_dim3A_174 = arith.constant 11 : i32
        %broadcast_in_dim3A_175 = vector.broadcast %broadcast_in_dim3A_174 : i32 to vector<16xi32>
        %gather3A_176 = tpu.vector_load_idx %arg9[%add3A_62, %broadcast_in_dim3A_175] : memref<256x32xi32, #tpu.memory_space<vmem>>[vector<16xi32>, vector<16xi32>], vector<16xi32>,
        %gather3A_177 = tpu.vector_load_idx %arg10[%add3A_62, %broadcast_in_dim3A_175] : memref<256x32xf32, #tpu.memory_space<vmem>>[vector<16xi32>, vector<16xi32>], vector<16xf32>,
        %gather3A_178 = tpu.vector_load_idx %arg7[%gather3A_176] : memref<50000xf32, #tpu.memory_space<vmem>>[vector<16xi32>], vector<16xf32>,
        %gather3A_179 = tpu.vector_load_idx %arg8[%gather3A_176] : memref<50000xf32, #tpu.memory_space<vmem>>[vector<16xi32>], vector<16xf32>,
        %mul3A_180 = arith.mulf %gather3A_177, %gather3A_178 : vector<16xf32>
        %add3A_181 = arith.addf %add3A_161, %mul3A_180 : vector<16xf32>
        %mul3A_182 = arith.mulf %gather3A_177, %gather3A_179 : vector<16xf32>
        %add3A_183 = arith.addf %add3A_163, %mul3A_182 : vector<16xf32>
        %broadcast_in_dim3A_184 = arith.constant 12 : i32
        %broadcast_in_dim3A_185 = vector.broadcast %broadcast_in_dim3A_184 : i32 to vector<16xi32>
        %gather3A_186 = tpu.vector_load_idx %arg9[%add3A_62, %broadcast_in_dim3A_185] : memref<256x32xi32, #tpu.memory_space<vmem>>[vector<16xi32>, vector<16xi32>], vector<16xi32>,
        %gather3A_187 = tpu.vector_load_idx %arg10[%add3A_62, %broadcast_in_dim3A_185] : memref<256x32xf32, #tpu.memory_space<vmem>>[vector<16xi32>, vector<16xi32>], vector<16xf32>,
        %gather3A_188 = tpu.vector_load_idx %arg7[%gather3A_186] : memref<50000xf32, #tpu.memory_space<vmem>>[vector<16xi32>], vector<16xf32>,
        %gather3A_189 = tpu.vector_load_idx %arg8[%gather3A_186] : memref<50000xf32, #tpu.memory_space<vmem>>[vector<16xi32>], vector<16xf32>,
        %mul3A_190 = arith.mulf %gather3A_187, %gather3A_188 : vector<16xf32>
        %add3A_191 = arith.addf %add3A_171, %mul3A_190 : vector<16xf32>
        %mul3A_192 = arith.mulf %gather3A_187, %gather3A_189 : vector<16xf32>
        %add3A_193 = arith.addf %add3A_173, %mul3A_192 : vector<16xf32>
        %broadcast_in_dim3A_194 = arith.constant 13 : i32
        %broadcast_in_dim3A_195 = vector.broadcast %broadcast_in_dim3A_194 : i32 to vector<16xi32>
        %gather3A_196 = tpu.vector_load_idx %arg9[%add3A_62, %broadcast_in_dim3A_195] : memref<256x32xi32, #tpu.memory_space<vmem>>[vector<16xi32>, vector<16xi32>], vector<16xi32>,
        %gather3A_197 = tpu.vector_load_idx %arg10[%add3A_62, %broadcast_in_dim3A_195] : memref<256x32xf32, #tpu.memory_space<vmem>>[vector<16xi32>, vector<16xi32>], vector<16xf32>,
        %gather3A_198 = tpu.vector_load_idx %arg7[%gather3A_196] : memref<50000xf32, #tpu.memory_space<vmem>>[vector<16xi32>], vector<16xf32>,
        %gather3A_199 = tpu.vector_load_idx %arg8[%gather3A_196] : memref<50000xf32, #tpu.memory_space<vmem>>[vector<16xi32>], vector<16xf32>,
        %mul3A_200 = arith.mulf %gather3A_197, %gather3A_198 : vector<16xf32>
        %add3A_201 = arith.addf %add3A_181, %mul3A_200 : vector<16xf32>
        %mul3A_202 = arith.mulf %gather3A_197, %gather3A_199 : vector<16xf32>
        %add3A_203 = arith.addf %add3A_183, %mul3A_202 : vector<16xf32>
        %broadcast_in_dim3A_204 = arith.constant 14 : i32
        %broadcast_in_dim3A_205 = vector.broadcast %broadcast_in_dim3A_204 : i32 to vector<16xi32>
        %gather3A_206 = tpu.vector_load_idx %arg9[%add3A_62, %broadcast_in_dim3A_205] : memref<256x32xi32, #tpu.memory_space<vmem>>[vector<16xi32>, vector<16xi32>], vector<16xi32>,
        %gather3A_207 = tpu.vector_load_idx %arg10[%add3A_62, %broadcast_in_dim3A_205] : memref<256x32xf32, #tpu.memory_space<vmem>>[vector<16xi32>, vector<16xi32>], vector<16xf32>,
        %gather3A_208 = tpu.vector_load_idx %arg7[%gather3A_206] : memref<50000xf32, #tpu.memory_space<vmem>>[vector<16xi32>], vector<16xf32>,
        %gather3A_209 = tpu.vector_load_idx %arg8[%gather3A_206] : memref<50000xf32, #tpu.memory_space<vmem>>[vector<16xi32>], vector<16xf32>,
        %mul3A_210 = arith.mulf %gather3A_207, %gather3A_208 : vector<16xf32>
        %add3A_211 = arith.addf %add3A_191, %mul3A_210 : vector<16xf32>
        %mul3A_212 = arith.mulf %gather3A_207, %gather3A_209 : vector<16xf32>
        %add3A_213 = arith.addf %add3A_193, %mul3A_212 : vector<16xf32>
        %broadcast_in_dim3A_214 = arith.constant 15 : i32
        %broadcast_in_dim3A_215 = vector.broadcast %broadcast_in_dim3A_214 : i32 to vector<16xi32>
        %gather3A_216 = tpu.vector_load_idx %arg9[%add3A_62, %broadcast_in_dim3A_215] : memref<256x32xi32, #tpu.memory_space<vmem>>[vector<16xi32>, vector<16xi32>], vector<16xi32>,
        %gather3A_217 = tpu.vector_load_idx %arg10[%add3A_62, %broadcast_in_dim3A_215] : memref<256x32xf32, #tpu.memory_space<vmem>>[vector<16xi32>, vector<16xi32>], vector<16xf32>,
        %gather3A_218 = tpu.vector_load_idx %arg7[%gather3A_216] : memref<50000xf32, #tpu.memory_space<vmem>>[vector<16xi32>], vector<16xf32>,
        %gather3A_219 = tpu.vector_load_idx %arg8[%gather3A_216] : memref<50000xf32, #tpu.memory_space<vmem>>[vector<16xi32>], vector<16xf32>,
        %mul3A_220 = arith.mulf %gather3A_217, %gather3A_218 : vector<16xf32>
        %add3A_221 = arith.addf %add3A_201, %mul3A_220 : vector<16xf32>
        %mul3A_222 = arith.mulf %gather3A_217, %gather3A_219 : vector<16xf32>
        %add3A_223 = arith.addf %add3A_203, %mul3A_222 : vector<16xf32>
        %broadcast_in_dim3A_224 = arith.constant 16 : i32
        %broadcast_in_dim3A_225 = vector.broadcast %broadcast_in_dim3A_224 : i32 to vector<16xi32>
        %gather3A_226 = tpu.vector_load_idx %arg9[%add3A_62, %broadcast_in_dim3A_225] : memref<256x32xi32, #tpu.memory_space<vmem>>[vector<16xi32>, vector<16xi32>], vector<16xi32>,
        %gather3A_227 = tpu.vector_load_idx %arg10[%add3A_62, %broadcast_in_dim3A_225] : memref<256x32xf32, #tpu.memory_space<vmem>>[vector<16xi32>, vector<16xi32>], vector<16xf32>,
        %gather3A_228 = tpu.vector_load_idx %arg7[%gather3A_226] : memref<50000xf32, #tpu.memory_space<vmem>>[vector<16xi32>], vector<16xf32>,
        %gather3A_229 = tpu.vector_load_idx %arg8[%gather3A_226] : memref<50000xf32, #tpu.memory_space<vmem>>[vector<16xi32>], vector<16xf32>,
        %mul3A_230 = arith.mulf %gather3A_227, %gather3A_228 : vector<16xf32>
        %add3A_231 = arith.addf %add3A_211, %mul3A_230 : vector<16xf32>
        %mul3A_232 = arith.mulf %gather3A_227, %gather3A_229 : vector<16xf32>
        %add3A_233 = arith.addf %add3A_213, %mul3A_232 : vector<16xf32>
        %broadcast_in_dim3A_234 = arith.constant 17 : i32
        %broadcast_in_dim3A_235 = vector.broadcast %broadcast_in_dim3A_234 : i32 to vector<16xi32>
        %gather3A_236 = tpu.vector_load_idx %arg9[%add3A_62, %broadcast_in_dim3A_235] : memref<256x32xi32, #tpu.memory_space<vmem>>[vector<16xi32>, vector<16xi32>], vector<16xi32>,
        %gather3A_237 = tpu.vector_load_idx %arg10[%add3A_62, %broadcast_in_dim3A_235] : memref<256x32xf32, #tpu.memory_space<vmem>>[vector<16xi32>, vector<16xi32>], vector<16xf32>,
        %gather3A_238 = tpu.vector_load_idx %arg7[%gather3A_236] : memref<50000xf32, #tpu.memory_space<vmem>>[vector<16xi32>], vector<16xf32>,
        %gather3A_239 = tpu.vector_load_idx %arg8[%gather3A_236] : memref<50000xf32, #tpu.memory_space<vmem>>[vector<16xi32>], vector<16xf32>,
        %mul3A_240 = arith.mulf %gather3A_237, %gather3A_238 : vector<16xf32>
        %add3A_241 = arith.addf %add3A_221, %mul3A_240 : vector<16xf32>
        %mul3A_242 = arith.mulf %gather3A_237, %gather3A_239 : vector<16xf32>
        %add3A_243 = arith.addf %add3A_223, %mul3A_242 : vector<16xf32>
        %broadcast_in_dim3A_244 = arith.constant 18 : i32
        %broadcast_in_dim3A_245 = vector.broadcast %broadcast_in_dim3A_244 : i32 to vector<16xi32>
        %gather3A_246 = tpu.vector_load_idx %arg9[%add3A_62, %broadcast_in_dim3A_245] : memref<256x32xi32, #tpu.memory_space<vmem>>[vector<16xi32>, vector<16xi32>], vector<16xi32>,
        %gather3A_247 = tpu.vector_load_idx %arg10[%add3A_62, %broadcast_in_dim3A_245] : memref<256x32xf32, #tpu.memory_space<vmem>>[vector<16xi32>, vector<16xi32>], vector<16xf32>,
        %gather3A_248 = tpu.vector_load_idx %arg7[%gather3A_246] : memref<50000xf32, #tpu.memory_space<vmem>>[vector<16xi32>], vector<16xf32>,
        %gather3A_249 = tpu.vector_load_idx %arg8[%gather3A_246] : memref<50000xf32, #tpu.memory_space<vmem>>[vector<16xi32>], vector<16xf32>,
        %mul3A_250 = arith.mulf %gather3A_247, %gather3A_248 : vector<16xf32>
        %add3A_251 = arith.addf %add3A_231, %mul3A_250 : vector<16xf32>
        %mul3A_252 = arith.mulf %gather3A_247, %gather3A_249 : vector<16xf32>
        %add3A_253 = arith.addf %add3A_233, %mul3A_252 : vector<16xf32>
        %broadcast_in_dim3A_254 = arith.constant 19 : i32
        %broadcast_in_dim3A_255 = vector.broadcast %broadcast_in_dim3A_254 : i32 to vector<16xi32>
        %gather3A_256 = tpu.vector_load_idx %arg9[%add3A_62, %broadcast_in_dim3A_255] : memref<256x32xi32, #tpu.memory_space<vmem>>[vector<16xi32>, vector<16xi32>], vector<16xi32>,
        %gather3A_257 = tpu.vector_load_idx %arg10[%add3A_62, %broadcast_in_dim3A_255] : memref<256x32xf32, #tpu.memory_space<vmem>>[vector<16xi32>, vector<16xi32>], vector<16xf32>,
        %gather3A_258 = tpu.vector_load_idx %arg7[%gather3A_256] : memref<50000xf32, #tpu.memory_space<vmem>>[vector<16xi32>], vector<16xf32>,
        %gather3A_259 = tpu.vector_load_idx %arg8[%gather3A_256] : memref<50000xf32, #tpu.memory_space<vmem>>[vector<16xi32>], vector<16xf32>,
        %mul3A_260 = arith.mulf %gather3A_257, %gather3A_258 : vector<16xf32>
        %add3A_261 = arith.addf %add3A_241, %mul3A_260 : vector<16xf32>
        %mul3A_262 = arith.mulf %gather3A_257, %gather3A_259 : vector<16xf32>
        %add3A_263 = arith.addf %add3A_243, %mul3A_262 : vector<16xf32>
        %broadcast_in_dim3A_264 = arith.constant 20 : i32
        %broadcast_in_dim3A_265 = vector.broadcast %broadcast_in_dim3A_264 : i32 to vector<16xi32>
        %gather3A_266 = tpu.vector_load_idx %arg9[%add3A_62, %broadcast_in_dim3A_265] : memref<256x32xi32, #tpu.memory_space<vmem>>[vector<16xi32>, vector<16xi32>], vector<16xi32>,
        %gather3A_267 = tpu.vector_load_idx %arg10[%add3A_62, %broadcast_in_dim3A_265] : memref<256x32xf32, #tpu.memory_space<vmem>>[vector<16xi32>, vector<16xi32>], vector<16xf32>,
        %gather3A_268 = tpu.vector_load_idx %arg7[%gather3A_266] : memref<50000xf32, #tpu.memory_space<vmem>>[vector<16xi32>], vector<16xf32>,
        %gather3A_269 = tpu.vector_load_idx %arg8[%gather3A_266] : memref<50000xf32, #tpu.memory_space<vmem>>[vector<16xi32>], vector<16xf32>,
        %mul3A_270 = arith.mulf %gather3A_267, %gather3A_268 : vector<16xf32>
        %add3A_271 = arith.addf %add3A_251, %mul3A_270 : vector<16xf32>
        %mul3A_272 = arith.mulf %gather3A_267, %gather3A_269 : vector<16xf32>
        %add3A_273 = arith.addf %add3A_253, %mul3A_272 : vector<16xf32>
        %broadcast_in_dim3A_274 = arith.constant 21 : i32
        %broadcast_in_dim3A_275 = vector.broadcast %broadcast_in_dim3A_274 : i32 to vector<16xi32>
        %gather3A_276 = tpu.vector_load_idx %arg9[%add3A_62, %broadcast_in_dim3A_275] : memref<256x32xi32, #tpu.memory_space<vmem>>[vector<16xi32>, vector<16xi32>], vector<16xi32>,
        %gather3A_277 = tpu.vector_load_idx %arg10[%add3A_62, %broadcast_in_dim3A_275] : memref<256x32xf32, #tpu.memory_space<vmem>>[vector<16xi32>, vector<16xi32>], vector<16xf32>,
        %gather3A_278 = tpu.vector_load_idx %arg7[%gather3A_276] : memref<50000xf32, #tpu.memory_space<vmem>>[vector<16xi32>], vector<16xf32>,
        %gather3A_279 = tpu.vector_load_idx %arg8[%gather3A_276] : memref<50000xf32, #tpu.memory_space<vmem>>[vector<16xi32>], vector<16xf32>,
        %mul3A_280 = arith.mulf %gather3A_277, %gather3A_278 : vector<16xf32>
        %add3A_281 = arith.addf %add3A_261, %mul3A_280 : vector<16xf32>
        %mul3A_282 = arith.mulf %gather3A_277, %gather3A_279 : vector<16xf32>
        %add3A_283 = arith.addf %add3A_263, %mul3A_282 : vector<16xf32>
        %broadcast_in_dim3A_284 = arith.constant 22 : i32
        %broadcast_in_dim3A_285 = vector.broadcast %broadcast_in_dim3A_284 : i32 to vector<16xi32>
        %gather3A_286 = tpu.vector_load_idx %arg9[%add3A_62, %broadcast_in_dim3A_285] : memref<256x32xi32, #tpu.memory_space<vmem>>[vector<16xi32>, vector<16xi32>], vector<16xi32>,
        %gather3A_287 = tpu.vector_load_idx %arg10[%add3A_62, %broadcast_in_dim3A_285] : memref<256x32xf32, #tpu.memory_space<vmem>>[vector<16xi32>, vector<16xi32>], vector<16xf32>,
        %gather3A_288 = tpu.vector_load_idx %arg7[%gather3A_286] : memref<50000xf32, #tpu.memory_space<vmem>>[vector<16xi32>], vector<16xf32>,
        %gather3A_289 = tpu.vector_load_idx %arg8[%gather3A_286] : memref<50000xf32, #tpu.memory_space<vmem>>[vector<16xi32>], vector<16xf32>,
        %mul3A_290 = arith.mulf %gather3A_287, %gather3A_288 : vector<16xf32>
        %add3A_291 = arith.addf %add3A_271, %mul3A_290 : vector<16xf32>
        %mul3A_292 = arith.mulf %gather3A_287, %gather3A_289 : vector<16xf32>
        %add3A_293 = arith.addf %add3A_273, %mul3A_292 : vector<16xf32>
        %broadcast_in_dim3A_294 = arith.constant 23 : i32
        %broadcast_in_dim3A_295 = vector.broadcast %broadcast_in_dim3A_294 : i32 to vector<16xi32>
        %gather3A_296 = tpu.vector_load_idx %arg9[%add3A_62, %broadcast_in_dim3A_295] : memref<256x32xi32, #tpu.memory_space<vmem>>[vector<16xi32>, vector<16xi32>], vector<16xi32>,
        %gather3A_297 = tpu.vector_load_idx %arg10[%add3A_62, %broadcast_in_dim3A_295] : memref<256x32xf32, #tpu.memory_space<vmem>>[vector<16xi32>, vector<16xi32>], vector<16xf32>,
        %gather3A_298 = tpu.vector_load_idx %arg7[%gather3A_296] : memref<50000xf32, #tpu.memory_space<vmem>>[vector<16xi32>], vector<16xf32>,
        %gather3A_299 = tpu.vector_load_idx %arg8[%gather3A_296] : memref<50000xf32, #tpu.memory_space<vmem>>[vector<16xi32>], vector<16xf32>,
        %mul3A_300 = arith.mulf %gather3A_297, %gather3A_298 : vector<16xf32>
        %add3A_301 = arith.addf %add3A_281, %mul3A_300 : vector<16xf32>
        %mul3A_302 = arith.mulf %gather3A_297, %gather3A_299 : vector<16xf32>
        %add3A_303 = arith.addf %add3A_283, %mul3A_302 : vector<16xf32>
        %broadcast_in_dim3A_304 = arith.constant 24 : i32
        %broadcast_in_dim3A_305 = vector.broadcast %broadcast_in_dim3A_304 : i32 to vector<16xi32>
        %gather3A_306 = tpu.vector_load_idx %arg9[%add3A_62, %broadcast_in_dim3A_305] : memref<256x32xi32, #tpu.memory_space<vmem>>[vector<16xi32>, vector<16xi32>], vector<16xi32>,
        %gather3A_307 = tpu.vector_load_idx %arg10[%add3A_62, %broadcast_in_dim3A_305] : memref<256x32xf32, #tpu.memory_space<vmem>>[vector<16xi32>, vector<16xi32>], vector<16xf32>,
        %gather3A_308 = tpu.vector_load_idx %arg7[%gather3A_306] : memref<50000xf32, #tpu.memory_space<vmem>>[vector<16xi32>], vector<16xf32>,
        %gather3A_309 = tpu.vector_load_idx %arg8[%gather3A_306] : memref<50000xf32, #tpu.memory_space<vmem>>[vector<16xi32>], vector<16xf32>,
        %mul3A_310 = arith.mulf %gather3A_307, %gather3A_308 : vector<16xf32>
        %add3A_311 = arith.addf %add3A_291, %mul3A_310 : vector<16xf32>
        %mul3A_312 = arith.mulf %gather3A_307, %gather3A_309 : vector<16xf32>
        %add3A_313 = arith.addf %add3A_293, %mul3A_312 : vector<16xf32>
        %broadcast_in_dim3A_314 = arith.constant 25 : i32
        %broadcast_in_dim3A_315 = vector.broadcast %broadcast_in_dim3A_314 : i32 to vector<16xi32>
        %gather3A_316 = tpu.vector_load_idx %arg9[%add3A_62, %broadcast_in_dim3A_315] : memref<256x32xi32, #tpu.memory_space<vmem>>[vector<16xi32>, vector<16xi32>], vector<16xi32>,
        %gather3A_317 = tpu.vector_load_idx %arg10[%add3A_62, %broadcast_in_dim3A_315] : memref<256x32xf32, #tpu.memory_space<vmem>>[vector<16xi32>, vector<16xi32>], vector<16xf32>,
        %gather3A_318 = tpu.vector_load_idx %arg7[%gather3A_316] : memref<50000xf32, #tpu.memory_space<vmem>>[vector<16xi32>], vector<16xf32>,
        %gather3A_319 = tpu.vector_load_idx %arg8[%gather3A_316] : memref<50000xf32, #tpu.memory_space<vmem>>[vector<16xi32>], vector<16xf32>,
        %mul3A_320 = arith.mulf %gather3A_317, %gather3A_318 : vector<16xf32>
        %add3A_321 = arith.addf %add3A_301, %mul3A_320 : vector<16xf32>
        %mul3A_322 = arith.mulf %gather3A_317, %gather3A_319 : vector<16xf32>
        %add3A_323 = arith.addf %add3A_303, %mul3A_322 : vector<16xf32>
        %broadcast_in_dim3A_324 = arith.constant 26 : i32
        %broadcast_in_dim3A_325 = vector.broadcast %broadcast_in_dim3A_324 : i32 to vector<16xi32>
        %gather3A_326 = tpu.vector_load_idx %arg9[%add3A_62, %broadcast_in_dim3A_325] : memref<256x32xi32, #tpu.memory_space<vmem>>[vector<16xi32>, vector<16xi32>], vector<16xi32>,
        %gather3A_327 = tpu.vector_load_idx %arg10[%add3A_62, %broadcast_in_dim3A_325] : memref<256x32xf32, #tpu.memory_space<vmem>>[vector<16xi32>, vector<16xi32>], vector<16xf32>,
        %gather3A_328 = tpu.vector_load_idx %arg7[%gather3A_326] : memref<50000xf32, #tpu.memory_space<vmem>>[vector<16xi32>], vector<16xf32>,
        %gather3A_329 = tpu.vector_load_idx %arg8[%gather3A_326] : memref<50000xf32, #tpu.memory_space<vmem>>[vector<16xi32>], vector<16xf32>,
        %mul3A_330 = arith.mulf %gather3A_327, %gather3A_328 : vector<16xf32>
        %add3A_331 = arith.addf %add3A_311, %mul3A_330 : vector<16xf32>
        %mul3A_332 = arith.mulf %gather3A_327, %gather3A_329 : vector<16xf32>
        %add3A_333 = arith.addf %add3A_313, %mul3A_332 : vector<16xf32>
        %broadcast_in_dim3A_334 = arith.constant 27 : i32
        %broadcast_in_dim3A_335 = vector.broadcast %broadcast_in_dim3A_334 : i32 to vector<16xi32>
        %gather3A_336 = tpu.vector_load_idx %arg9[%add3A_62, %broadcast_in_dim3A_335] : memref<256x32xi32, #tpu.memory_space<vmem>>[vector<16xi32>, vector<16xi32>], vector<16xi32>,
        %gather3A_337 = tpu.vector_load_idx %arg10[%add3A_62, %broadcast_in_dim3A_335] : memref<256x32xf32, #tpu.memory_space<vmem>>[vector<16xi32>, vector<16xi32>], vector<16xf32>,
        %gather3A_338 = tpu.vector_load_idx %arg7[%gather3A_336] : memref<50000xf32, #tpu.memory_space<vmem>>[vector<16xi32>], vector<16xf32>,
        %gather3A_339 = tpu.vector_load_idx %arg8[%gather3A_336] : memref<50000xf32, #tpu.memory_space<vmem>>[vector<16xi32>], vector<16xf32>,
        %mul3A_340 = arith.mulf %gather3A_337, %gather3A_338 : vector<16xf32>
        %add3A_341 = arith.addf %add3A_321, %mul3A_340 : vector<16xf32>
        %mul3A_342 = arith.mulf %gather3A_337, %gather3A_339 : vector<16xf32>
        %add3A_343 = arith.addf %add3A_323, %mul3A_342 : vector<16xf32>
        %broadcast_in_dim3A_344 = arith.constant 28 : i32
        %broadcast_in_dim3A_345 = vector.broadcast %broadcast_in_dim3A_344 : i32 to vector<16xi32>
        %gather3A_346 = tpu.vector_load_idx %arg9[%add3A_62, %broadcast_in_dim3A_345] : memref<256x32xi32, #tpu.memory_space<vmem>>[vector<16xi32>, vector<16xi32>], vector<16xi32>,
        %gather3A_347 = tpu.vector_load_idx %arg10[%add3A_62, %broadcast_in_dim3A_345] : memref<256x32xf32, #tpu.memory_space<vmem>>[vector<16xi32>, vector<16xi32>], vector<16xf32>,
        %gather3A_348 = tpu.vector_load_idx %arg7[%gather3A_346] : memref<50000xf32, #tpu.memory_space<vmem>>[vector<16xi32>], vector<16xf32>,
        %gather3A_349 = tpu.vector_load_idx %arg8[%gather3A_346] : memref<50000xf32, #tpu.memory_space<vmem>>[vector<16xi32>], vector<16xf32>,
        %mul3A_350 = arith.mulf %gather3A_347, %gather3A_348 : vector<16xf32>
        %add3A_351 = arith.addf %add3A_331, %mul3A_350 : vector<16xf32>
        %mul3A_352 = arith.mulf %gather3A_347, %gather3A_349 : vector<16xf32>
        %add3A_353 = arith.addf %add3A_333, %mul3A_352 : vector<16xf32>
        %broadcast_in_dim3A_354 = arith.constant 29 : i32
        %broadcast_in_dim3A_355 = vector.broadcast %broadcast_in_dim3A_354 : i32 to vector<16xi32>
        %gather3A_356 = tpu.vector_load_idx %arg9[%add3A_62, %broadcast_in_dim3A_355] : memref<256x32xi32, #tpu.memory_space<vmem>>[vector<16xi32>, vector<16xi32>], vector<16xi32>,
        %gather3A_357 = tpu.vector_load_idx %arg10[%add3A_62, %broadcast_in_dim3A_355] : memref<256x32xf32, #tpu.memory_space<vmem>>[vector<16xi32>, vector<16xi32>], vector<16xf32>,
        %gather3A_358 = tpu.vector_load_idx %arg7[%gather3A_356] : memref<50000xf32, #tpu.memory_space<vmem>>[vector<16xi32>], vector<16xf32>,
        %gather3A_359 = tpu.vector_load_idx %arg8[%gather3A_356] : memref<50000xf32, #tpu.memory_space<vmem>>[vector<16xi32>], vector<16xf32>,
        %mul3A_360 = arith.mulf %gather3A_357, %gather3A_358 : vector<16xf32>
        %add3A_361 = arith.addf %add3A_341, %mul3A_360 : vector<16xf32>
        %mul3A_362 = arith.mulf %gather3A_357, %gather3A_359 : vector<16xf32>
        %add3A_363 = arith.addf %add3A_343, %mul3A_362 : vector<16xf32>
        %broadcast_in_dim3A_364 = arith.constant 30 : i32
        %broadcast_in_dim3A_365 = vector.broadcast %broadcast_in_dim3A_364 : i32 to vector<16xi32>
        %gather3A_366 = tpu.vector_load_idx %arg9[%add3A_62, %broadcast_in_dim3A_365] : memref<256x32xi32, #tpu.memory_space<vmem>>[vector<16xi32>, vector<16xi32>], vector<16xi32>,
        %gather3A_367 = tpu.vector_load_idx %arg10[%add3A_62, %broadcast_in_dim3A_365] : memref<256x32xf32, #tpu.memory_space<vmem>>[vector<16xi32>, vector<16xi32>], vector<16xf32>,
        %gather3A_368 = tpu.vector_load_idx %arg7[%gather3A_366] : memref<50000xf32, #tpu.memory_space<vmem>>[vector<16xi32>], vector<16xf32>,
        %gather3A_369 = tpu.vector_load_idx %arg8[%gather3A_366] : memref<50000xf32, #tpu.memory_space<vmem>>[vector<16xi32>], vector<16xf32>,
        %mul3A_370 = arith.mulf %gather3A_367, %gather3A_368 : vector<16xf32>
        %add3A_371 = arith.addf %add3A_351, %mul3A_370 : vector<16xf32>
        %mul3A_372 = arith.mulf %gather3A_367, %gather3A_369 : vector<16xf32>
        %add3A_373 = arith.addf %add3A_353, %mul3A_372 : vector<16xf32>
        %broadcast_in_dim3A_374 = arith.constant 31 : i32
        %broadcast_in_dim3A_375 = vector.broadcast %broadcast_in_dim3A_374 : i32 to vector<16xi32>
        %gather3A_376 = tpu.vector_load_idx %arg9[%add3A_62, %broadcast_in_dim3A_375] : memref<256x32xi32, #tpu.memory_space<vmem>>[vector<16xi32>, vector<16xi32>], vector<16xi32>,
        %gather3A_377 = tpu.vector_load_idx %arg10[%add3A_62, %broadcast_in_dim3A_375] : memref<256x32xf32, #tpu.memory_space<vmem>>[vector<16xi32>, vector<16xi32>], vector<16xf32>,
        %gather3A_378 = tpu.vector_load_idx %arg7[%gather3A_376] : memref<50000xf32, #tpu.memory_space<vmem>>[vector<16xi32>], vector<16xf32>,
        %gather3A_379 = tpu.vector_load_idx %arg8[%gather3A_376] : memref<50000xf32, #tpu.memory_space<vmem>>[vector<16xi32>], vector<16xf32>,
        %mul3A_380 = arith.mulf %gather3A_377, %gather3A_378 : vector<16xf32>
        %add3A_381 = arith.addf %add3A_361, %mul3A_380 : vector<16xf32>
        %mul3A_382 = arith.mulf %gather3A_377, %gather3A_379 : vector<16xf32>
        %add3A_383 = arith.addf %add3A_363, %mul3A_382 : vector<16xf32>
        %add3A_384 = arith.constant 49920 : i32
        %add3A_385 = vector.broadcast %add3A_384 : i32 to vector<16xi32>
        %add3A_386 = arith.addi %add3A_385, %add3A_62 : vector<16xi32>
        %ne3A_387 = arith.constant 0 : i32
        %ne3A_388 = vector.broadcast %ne3A_387 : i32 to vector<16xi32>
        %ne3A_389 = arith.cmpi ne, %add3A_386, %ne3A_388 : vector<16xi32>
        %ne3A_390 = arith.cmpi ne, %add3A_386, %get3A_21 : vector<16xi32>
        %and3A_391 = arith.andi %ne3A_389, %ne3A_390 : vector<16xi1>
        %add3A_392 = arith.addf %add3A_371, %add3A_381 : vector<16xf32>
        %abs3A = math.absf %add3A_392 : vector<16xf32>
        %add3A_393 = arith.addf %add3A_373, %add3A_383 : vector<16xf32>
        %abs3A_394 = math.absf %add3A_393 : vector<16xf32>
        %add3A_395 = arith.addf %abs3A, %abs3A_394 : vector<16xf32>
        %jit3A_396 = arith.constant 0.000000e+00 : f32
        %broadcast_in_dim3A_397 = vector.broadcast %jit3A_396 : f32 to vector<16xf32>
        %select_n3A_398 = arith.select %and3A_391, %add3A_395, %broadcast_in_dim3A_397 : vector<16xi1>, vector<16xf32>
        %add3A_399 = arith.addf %scan3A_58, %select_n3A_398 : vector<16xf32>
        scf.yield %add3A_399 : vector<16xf32>
      }
      %scan3A_54 = arith.constant 5 : i32
      %swap3A_55 = arith.constant 0 : index
      %swap3A_56 = tpu.vector_load %arg12[%swap3A_55] {strides = array<i32>} : memref<16xf32, #tpu.memory_space<vmem>>, vector<16xf32>,
      tpu.vector_store %arg12[%swap3A_55], %scan3A_53 {strides = array<i32>} : memref<16xf32, #tpu.memory_space<vmem>>, vector<16xf32>,
    } else {
    }
    %ne3A_39 = arith.constant 3 : i32
    %ne3A_40 = arith.cmpi ne, %sub3A_19, %ne3A_39 : i32
    %convert_element_type3A_41 = arith.extui %ne3A_40 : i1 to i32
    %cond3A_42 = arith.constant 0 : i32
    %cond3A_43 = arith.cmpi ne, %convert_element_type3A_41, %cond3A_42 : i32
    scf.if %cond3A_43 {
      %broadcast_in_dim3A_48 = arith.constant 0.000000e+00 : f32
      %broadcast_in_dim3A_49 = vector.broadcast %broadcast_in_dim3A_48 : f32 to vector<16xf32>
      %swap3A_50 = arith.constant 0 : index
      %swap3A_51 = tpu.vector_load %arg12[%swap3A_50] {strides = array<i32>} : memref<16xf32, #tpu.memory_space<vmem>>, vector<16xf32>,
      tpu.vector_store %arg12[%swap3A_50], %broadcast_in_dim3A_49 {strides = array<i32>} : memref<16xf32, #tpu.memory_space<vmem>>, vector<16xf32>,
    } else {
    }
    %get3A_44 = arith.constant 0 : index
    %get3A_45 = tpu.vector_load %arg12[%get3A_44] {strides = array<i32>} : memref<16xf32, #tpu.memory_space<vmem>>, vector<16xf32>,
    %add3A_46 = arith.addf %get3A_45, %while3A_36 : vector<16xf32>
    %swap3A = arith.constant 0 : index
    %swap3A_47 = tpu.vector_load %arg12[%swap3A] {strides = array<i32>} : memref<16xf32, #tpu.memory_space<vmem>>, vector<16xf32>,
    tpu.vector_store %arg12[%swap3A], %add3A_46 {strides = array<i32>} : memref<16xf32, #tpu.memory_space<vmem>>, vector<16xf32>,
    "tpu.region"() ({
      %run_scoped3A_48 = tpu.sem_alloc : memref<!tpu.dma_semaphore, #tpu.memory_space<semaphore_mem>>
      %dma_start3A = arith.constant 0 : i32
      %dma_start3A_49 = tpu.memref_slice %arg6[%add3A, %dma_start3A] : memref<32x16xf32, #tpu.memory_space<hbm>> -> memref<1x16xf32, #tpu.memory_space<hbm>>
      %dma_start3A_50 = tpu.memref_squeeze %dma_start3A_49 : memref<1x16xf32, #tpu.memory_space<hbm>> -> memref<16xf32, #tpu.memory_space<hbm>>
      %dma_start3A_51 = arith.constant 0 : i32
      %dma_start3A_52 = tpu.memref_slice %arg6[%add3A, %dma_start3A_51] : memref<32x16xf32, #tpu.memory_space<hbm>> -> memref<1x16xf32, #tpu.memory_space<hbm>>
      %dma_start3A_53 = tpu.memref_squeeze %dma_start3A_52 : memref<1x16xf32, #tpu.memory_space<hbm>> -> memref<16xf32, #tpu.memory_space<hbm>>
      tpu.enqueue_dma source(%arg12 : memref<16xf32, #tpu.memory_space<vmem>>) target(%dma_start3A_53 : memref<16xf32, #tpu.memory_space<hbm>>) target_semaphore(%run_scoped3A_48 : memref<!tpu.dma_semaphore, #tpu.memory_space<semaphore_mem>>)
      %dma_wait3A = arith.constant 0 : i32
      %dma_wait3A_54 = tpu.memref_slice %arg6[%add3A, %dma_wait3A] : memref<32x16xf32, #tpu.memory_space<hbm>> -> memref<1x16xf32, #tpu.memory_space<hbm>>
      %dma_wait3A_55 = tpu.memref_squeeze %dma_wait3A_54 : memref<1x16xf32, #tpu.memory_space<hbm>> -> memref<16xf32, #tpu.memory_space<hbm>>
      %dma_wait3A_56 = arith.constant 0 : i32
      %dma_wait3A_57 = tpu.memref_slice %arg6[%add3A, %dma_wait3A_56] : memref<32x16xf32, #tpu.memory_space<hbm>> -> memref<1x16xf32, #tpu.memory_space<hbm>>
      %dma_wait3A_58 = tpu.memref_squeeze %dma_wait3A_57 : memref<1x16xf32, #tpu.memory_space<hbm>> -> memref<16xf32, #tpu.memory_space<hbm>>
      tpu.wait_dma2 semaphore(%run_scoped3A_48 : memref<!tpu.dma_semaphore, #tpu.memory_space<semaphore_mem>>) src(%arg12 : memref<16xf32, #tpu.memory_space<vmem>>) dst(%dma_wait3A_58 : memref<16xf32, #tpu.memory_space<hbm>>)
      tpu.yield
    }) : () -> ()
    return
  }
}

</mosaic_0001>

<sc_bundles>
// kernel: kernel.3.cloned.1.call-start
scs
__scs_entry_jumppad:
0x0: {  	(pc) =	sbr.rel $0x88, $3  }
0x1: {  	(tag) =	ssettag $0x0;
	lr =	simm.s32 $0x1  }
0x2: {  	[smem:$0x3F9D] =	sst lr;
	_ =	strace $0xD0000000  }
0x3: {  	_ = 	snop  }
0x4: {  	_ = 	snop  }
0x5: {  	_ = 	snop  }
0x6: {  	_ = 	snop  }
0x7: {  	_ = 	snop  }
__scs_overlays_trampoline_lowered:
0x8: {  	[smem:$0x3FAC] =	sst s0  }
0x9: {  	[smem:$0x3FAD] =	sst s1  }
0xa: {  	[smem:$0x3FAE] =	sst s2  }
0xb: {  	[smem:$0x3FAF] =	sst s3  }
0xc: {  	[smem:$0x3FB0] =	sst s4  }
0xd: {  	[smem:$0x3FB1] =	sst s5  }
0xe: {  	[smem:$0x3FB2] =	sst s6  }
0xf: {  	[smem:$0x3FB3] =	sst s7  }
0x10: {  	[smem:$0x3FB4] =	sst s8  }
0x11: {  	[smem:$0x3FB5] =	sst s9;
	s0 =	simm.s32 @!p0 $0x0  }
0x12: {  	s1 =	sld [smem:$0x3F9B];
	s0 =	simm.s32 @p0 $0x1  }
0x13: {  	[smem:$0x3FB6] =	sst s0;
	s0 =	simm.s32 @!p1 $0x0  }
0x14: {  	s2 =	sld [smem:$0x3F9A];
	s0 =	simm.s32 @p1 $0x1  }
0x15: {  	[smem:$0x3FB7] =	sst s0;
	s0 =	simm.s32 @!p2 $0x0  }
0x16: {  	s3 =	sld [smem:$0x3FDB];
	s0 =	simm.s32 @p2 $0x1  }
0x17: {  	s4 =	simm.s32 $0x1BF5;
	[smem:$0x3FB9] =	sst s0  }
0x18: {  	s0 =	sld [smem:$0x3F9C];
	_ =	swait.ge [sflag:s4], $0x0  }
0x19: {  	s7 =	sld [smem:$0x3F9D]  }
0x1a: {  	s8 =	sadd.s32 $0xFFFFE003, lr  }
0x1b: {  	s9 =	sadd.s32 $0xFFFFFEF7, lr;
	s5 =	simm.s32 $0xFFFFFFFF;
	p2 =	slt.u32 s8, $0xFFFFF086  }
0x1c: {  	p1 =	slt.u32 s9, $0xF7A;
	s5 =	simm.s32 @!p2 $0x0  }
0x1d: {  	s5 =	simm.s32 @p1 $0x1;
	p0 =	seq.s32 s7, s2  }
0x1e: {  	s7 =	smul.u32 @!p0 $0xF7A, s2;
	p2 =	seq.s32 @!p0 s5, $0x0  }
0x1f: {  	s9 =	smul.u32 $0xF7A, s1;
	s8 =	simm.s32 @!p0 $0x1BF5;
	p2 =	por !p2, p0  }
0x20: {  	[sflag:s8] =	ssyncset.s32 @!p0 $0xFFFFF086;
	s6 =	sadd.s32 @!p0 s3, s7;
	s7 =	simm.s32 @!p0 $0x108  }
0x21: {  	s3 =	sadd.s32 s3, s9;
	s6 =	sadd.s32 @!p0 $0x88, s6;
	s7 =	simm.s32 @p2 $0x1082  }
0x22: {  	[simem:s7], [sflag:s8] =	dma.local @!p0 [hbm:s6], $0xF7A  }
0x23: {  	s9 =	sor.u32 $0xD0000000, s2;
	s6 =	simm.s32 $0x108;
	_ =	swait.ge @!p0 [sflag:s8], $0x0  }
0x24: {  	s3 =	sadd.s32 $0x88, s3;
	s6 =	simm.s32 @!p1 $0x1082;
	[sflag:s4] =	ssyncset.s32 $0xFFFFF086  }
0x25: {  	[simem:s6], [sflag:s4] =	dma.local [hbm:s3], $0xF7A  }
0x26: {  	[smem:$0x3F9D] =	sst s1;
	(tag) =	ssettag s2;
	_ =	strace s9  }
0x27: {  	s1 =	sld [smem:$0x3FAD]  }
0x28: {  	s2 =	sld [smem:$0x3FAE]  }
0x29: {  	s4 =	sld [smem:$0x3FB0]  }
0x2a: {  	p0 =	seq.s32 s5, $0x0;
	s5 =	sld [smem:$0x3FB1]  }
0x2b: {  	s6 =	sld [smem:$0x3FB2]  }
0x2c: {  	s7 =	sld [smem:$0x3FB3]  }
0x2d: {  	s3 =	simm.s32 $0x108;
	s8 =	sld [smem:$0x3FB4]  }
0x2e: {  	s3 =	simm.s32 @!p0 $0x1082;
	s9 =	sld [smem:$0x3FB5]  }
0x2f: {  	lr =	sadd.s32 s0, s3;
	s0 =	sld [smem:$0x3FAC]  }
0x30: {  	s3 =	sld [smem:$0x3FAF]  }
0x31: {  	[smem:$0x3FB8] =	sst s10  }
0x32: {  	s10 =	sld [smem:$0x3FB6];
	_ =	sdelay $0x3  }
0x33: {  	p0 =	seq.s32 s10, $0x1;
	s10 =	sld [smem:$0x3FB8];
	_ =	sdelay $0x3  }
0x34: {  	[smem:$0x3FB8] =	sst s10  }
0x35: {  	s10 =	sld [smem:$0x3FB7];
	_ =	sdelay $0x3  }
0x36: {  	p1 =	seq.s32 s10, $0x1;
	s10 =	sld [smem:$0x3FB8];
	_ =	sdelay $0x3  }
0x37: {  	[smem:$0x3FB8] =	sst s10  }
0x38: {  	s10 =	sld [smem:$0x3FB9]  }
0x39: {  	_ = 	snop;
	(pc) =	sbr.ind lr, $3  }
0x3a: {  	_ = 	snop  }
0x3b: {  	_ = 	snop  }
0x3c: {  	p2 =	seq.s32 s10, $0x1;
	s10 =	sld [smem:$0x3FB8]  }
0x3d: {  	_ =	shalt  }
0x3e: {  	_ =	shalt  }
0x3f: {  	_ =	shalt  }
0x40: {  	_ =	shalt  }
0x41: {  	_ =	shalt  }
0x42: {  	_ =	shalt  }
0x43: {  	_ =	shalt  }
0x44: {  	_ =	shalt  }
0x45: {  	_ =	shalt  }
0x46: {  	_ =	shalt  }
0x47: {  	_ =	shalt  }
0x48: {  	_ =	shalt  }
0x49: {  	_ =	shalt  }
0x4a: {  	_ =	shalt  }
0x4b: {  	_ =	shalt  }
0x4c: {  	_ =	shalt  }
0x4d: {  	_ =	shalt  }
0x4e: {  	_ =	shalt  }
0x4f: {  	_ =	shalt  }
0x50: {  	_ =	shalt  }
0x51: {  	_ =	shalt  }
0x52: {  	_ =	shalt  }
0x53: {  	_ =	shalt  }
0x54: {  	_ =	shalt  }
0x55: {  	_ =	shalt  }
0x56: {  	_ =	shalt  }
0x57: {  	_ =	shalt  }
0x58: {  	_ =	shalt  }
0x59: {  	_ =	shalt  }
0x5a: {  	_ =	shalt  }
0x5b: {  	_ =	shalt  }
0x5c: {  	_ =	shalt  }
0x5d: {  	_ =	shalt  }
0x5e: {  	_ =	shalt  }
0x5f: {  	_ =	shalt  }
0x60: {  	_ =	shalt  }
0x61: {  	_ =	shalt  }
0x62: {  	_ =	shalt  }
0x63: {  	_ =	shalt  }
0x64: {  	_ =	shalt  }
0x65: {  	_ =	shalt  }
0x66: {  	_ =	shalt  }
0x67: {  	_ =	shalt  }
0x68: {  	_ =	shalt  }
0x69: {  	_ =	shalt  }
0x6a: {  	_ =	shalt  }
0x6b: {  	_ =	shalt  }
0x6c: {  	_ =	shalt  }
0x6d: {  	_ =	shalt  }
0x6e: {  	_ =	shalt  }
0x6f: {  	_ =	shalt  }
0x70: {  	_ =	shalt  }
0x71: {  	_ =	shalt  }
0x72: {  	_ =	shalt  }
0x73: {  	_ =	shalt  }
0x74: {  	_ =	shalt  }
0x75: {  	_ =	shalt  }
0x76: {  	_ =	shalt  }
0x77: {  	_ =	shalt  }
0x78: {  	_ =	shalt  }
0x79: {  	_ =	shalt  }
0x7a: {  	_ =	shalt  }
0x7b: {  	_ =	shalt  }
0x7c: {  	_ =	shalt  }
0x7d: {  	_ =	shalt  }
0x7e: {  	_ =	shalt  }
0x7f: {  	_ =	shalt  }
0x80: {  	_ =	shalt  }
0x81: {  	_ =	shalt  }
0x82: {  	_ =	shalt  }
0x83: {  	_ =	shalt  }
0x84: {  	_ =	shalt  }
0x85: {  	_ =	shalt  }
0x86: {  	_ =	shalt  }
0x87: {  	_ =	shalt  }
.Lfunc_end0:
.L_simem_size_0:
called_computation_lowered:
.L_overlay_start_0:
0x88: {  	s2 =	sld [smem:$0x3FD9]  }
0x89: {  	s3 =	sld [smem:$0x3FFE];
	_ =	sdelay $0x1  }
0x8a: {  	s1 =	srdreg.scid  }
0x8b: {  	s0 =	sand.u32 $0x1, s1  }
0x8c: {  	s17 =	sshll.u32 s0, $0xA;
	s2 =	sadd.s32 s3, s2  }
0x8d: {  	s2 =	sadd.s32 s2, s17  }
0x8e: {  	[smem:$0x3FC4] =	sst s2  }
0x8f: {  	_ = 	snop  }
0x90: {  	s2 =	sld [smem:$0x3FD0];
	(tm) =	ssettm $0x1  }
0x91: {  	s18 =	sld [smem:$0x3FFB];
	_ =	sdelay $0x3  }
0x92: {  	_ =	strace s18  }
0x93: {  	s3 =	sld [smem:$0x3FFC];
	_ =	sdelay $0x3  }
0x94: {  	_ =	strace s3  }
0x95: {  	s3 =	sld [smem:$0x3FFD];
	_ =	sdelay $0x3  }
0x96: {  	_ =	strace s3  }
0x97: {  	_ =	strace $0x8FFFFFFF  }
0x98: {  	s19 =	sld [smem:$0x3FDB];
	_ =	sdelay $0x1  }
0x99: {  	s4 =	simm.s32 $_scs_section_size  }
0x9a: {  	s5 =	simm.s32 $_size__tile_overlayer_lowered;
	s6 =	simm.s32 $_tile_overlayer_lowered  }
0x9b: {  	s22 =	simm.s32 $0x1BFF;
	s21 =	sshll.u32 s6, $0x1;
	s3 =	sadd.s32 s4, s19  }
0x9c: {  	s7 =	simm.s32 $0x0;
	s20 =	sshll.u32 s5, $0x1;
	s5 =	sadd.s32 s21, s3  }
0x9d: {  	[timem:s7], [sflag:s22] =	dma.local [hbm:s5], s20  }
0x9e: {  	_ =	swait.ge [sflag:s22], s20  }
0x9f: {  	s4 =	ssub.s32 $0x0, s20;
	[sflag:s22] =	ssyncset.done $0x0  }
0xa0: {  	[sflag:s22] =	ssyncadd.s32 s4;
	_ =	sdelay $0x1  }
0xa1: {  	s23 =	simm.s32 $0x1B8B  }
0xa2: {  	_ =	swait.ge [sflag:s23], $0x1  }
0xa3: {  	[sflag:s23] =	ssyncset.done $0x0  }
0xa4: {  	s25 =	simm.s32 $0x1B8E;
	s24 =	sld [smem:$0x3FFE];
	[sflag:s23] =	ssyncadd.s32 $0xFFFFFFFF  }
0xa5: {  	s26 =	simm.s32 $execute0_lowered;
	[smem:$0x3FD2] =	sst s25  }
0xa6: {  	s5 =	sshll.u32 s26, $0x1;
	_ =	strace $0x80000046;
	[dreg:$0x1] =	wrdreg $0xFFFFFFFF  }
0xa7: {  	s28 =	simm.s32 $_size_execute0_lowered;
	s3 =	sadd.s32 s3, s5;
	[dreg:$0x0] =	wrdreg $0x0  }
0xa8: {  	s5 =	sshll.u32 s28, $0x1;
	[dreg:$0x2] =	wrdreg s3  }
0xa9: {  	[dreg:$0x3] =	wrdreg s5  }
0xaa: {  	[dreg:$0x4] =	wrdreg $0xC0  }
0xab: {  	_ =	task [dreg:s7], $0x5FFFF  }
0xac: {  	[dreg:$0x1] =	wrdreg $0xFFFFFFFF  }
0xad: {  	[dreg:$0x0] =	wrdreg $0x60  }
0xae: {  	[dreg:$0x2] =	wrdreg s24  }
0xaf: {  	[dreg:$0x3] =	wrdreg s2  }
0xb0: {  	[dreg:$0x4] =	wrdreg $0x9  }
0xb1: {  	_ =	task.clear_ibuf [dreg:s7], $0x5FFFF;
	_ =	strace $0x90000046  }
0xb2: {  	s29 =	simm.s32 $0x9;
	_ =	strace $0x80000048  }
0xb3: {  	_ =	swait.ge [sflag:s29], $0x1  }
0xb4: {  	[sflag:s29] =	ssyncadd.s32 $0xFFFFFFFF  }
0xb5: {  	_ =	strace $0x90000048  }
0xb6: {  	_ =	sfence  }
0xb7: {  	s30 =	sld [smem:$0x0];
	_ =	sdelay $0x2  }
0xb8: {  	s31 =	sshll.u32 s1, $0xD;
	s1 =	sshrl.u32 s1, $0x2  }
0xb9: {  	s3 =	sand.u32 $0x4000, s31;
	s1 =	sadd.s32 s1, s30  }
0xba: {  	s0 =	sor.u32 s3, s0;
	s1 =	sshll.u32 s1, $0x11  }
0xbb: {  	s0 =	sor.u32 s1, s0  }
0xbc: {  	s0 =	sadd.s32 $0x8F2B, s0  }
0xbd: {  	[sflag:s0] =	ssyncadd.remote.s32 $0x1  }
0xbe: {  	_ =	sfence.sel $0xFFFF  }
0xbf: {  	[dreg:$0x0] =	wrdreg $0xFFFFFFFF;
	(pc) =	sbr.abs _section_cstart, $3  }
0xc0: {  	[dreg:$0x1] =	wrdreg $0xFFFFFFFF  }
0xc1: {  	_ =	task.clear_ibuf [dreg:s7], $0x2FFFF;
	_ =	strace $0x9FFFFFFF  }
0xc2: {  	(tm) =	ssettm $0x7FFFFFFF  }
0xc3: {  	_ =	shalt  }
tec
execute0_lowered:
.L_overlay_start_1:
0x0: {  	(tag) =	ssettag $0x1  }
0x1: {  	s11 =	rddreg [dreg:$0x0]  }
0x2: {  	s2 =	rddreg [dreg:$0x1]  }
0x3: {  	s0 =	stileid.u32;
	s1 =	rddreg [dreg:$0x2]  }
0x4: {  	s3 =	simm.s32 $0x0;
	s5 =	srdreg.scid;
	s15 =	simm.s32 $0x1  }
0x5: {  	s16 =	simm.s32 $0xC350;
	s17 =	simm.s32 $0x1C6A0;
	s18 =	simm.s32 $0x186A0  }
0x6: {  	s19 =	simm.s32 $0x1A6A0;
	s21 =	simm.s32 $0x0;
	s6 =	sshrl.u32 s0, $0x1  }
0x7: {  	[smem:$0x7FF] =	sst s3;
	s5 =	sand.u32 $0x1, s5;
	s7 =	sshll.u32 s0, $0x1  }
0x8: {  	s4 =	smul.u32 $0x186A0, s6;
	_ =	strace $0x80000047;
	s7 =	sor.u32 s5, s7  }
0x9: {  	s10 =	ssub.s32 $0x2, s5;
	s5 =	sadd.s32 $0x400, s11;
	s31 =	sshll.u32 s6, $0x2  }
0xa: {  	s6 =	smul.u32 $0x186A00, s6;
	s9 =	sshll.u32 s7, $0x1;
	s30 =	sshrl.u32 s10, $0x1  }
0xb: {  	s20 =	ssub.s32 s7, s31;
	s4 =	sshrl.u32 s4, $0x3;
	s13 =	sadd.s32 s9, s11  }
0xc: {  	s14 =	ssub.s32 s10, s30;
	p0 =	slt.s32 s20, $0x3;
	s9 =	simm.s32 $0x31  }
.Ltmp0:
0xd: {  	s12 =	sshrl.u32 s6, $0x3;
	s10 =	sshll.u32 s20, $0x8;
	(pc) =	sbr.rel .LBB2_1-.Ltmp0, $4  }
0xe: {  	v14 =	vlaneseq.u32;
	s8 =	sadd.s32 s4, s11;
	s4 =	sadd.s32 $0x61AC00, s11;
	s9 =	simm.s32 @!p0 $0x30  }
0xf: {  	v1 =	vmul.u32 $0x20, v14;
	s11 =	sadd.s32 $0x31000, s11;
	s13 =	sadd.s32 $0x49A00, s13;
	s14 =	smax.u32 s14, $0x1  }
0x10: {  	p0 =	sne.s32 s20, $0x3;
	s20 =	simm.s32 $0x1C6B0;
	s12 =	sadd.s32 s4, s12  }
0x11: {  	[tilespmem:$0x1FFF0] =	vst v1;
	s7 =	sadd.s32 $0x31200, s8;
	s8 =	sadd.s32 $0x32A6A, s8;
	s12 =	sadd.s32 $0x30C00, s12  }
.LBB2_9:
0x12: {  	s21 =	sadd.s32 $0x1, s21  }
0x13: {  	p1 =	sne.s32 s21, s14  }
.Ltmp1:
0x14: {  	[tilespmem:$0x1C6B0] =	vst v0;
	(pc) =	sbr.rel @!p1 .LBB2_10-.Ltmp1, $4  }
0x15: {  	[hbm4b:s13+s3] =	stream.linear.scatter [tilespmem:s20], [sflag:$0x1], $0x10, $0x38;
	[tilespmem:$0x1C6C0] =	vst v63  }
0x16: {  	_ =	swait.ge [sflag:s15], $0x10  }
0x17: {  	[sflag:s15] =	ssyncset.done $0x0  }
0x18: {  	[sflag:s15] =	ssyncadd.s32 $0xFFFFFFF0  }
.LBB2_1:
0x19: {  	[tilespmem:s3], [sflag:$0x1] =	stream.linear.gather [hbm4b:s7+s3], $0xC350, $0x38;
	[tilespmem:$0x1C6C0] =	vst v63  }
0x1a: {  	_ =	swait.ge [sflag:s15], $0xC350  }
0x1b: {  	[sflag:s15] =	ssyncset.done $0x0  }
0x1c: {  	[sflag:s15] =	ssyncadd.s32 $0xFFFF3CB0  }
0x1d: {  	[tilespmem:s16], [sflag:$0x1] =	stream.linear.gather [hbm4b:s8+s3], $0xC350, $0x38;
	[tilespmem:$0x1C6C0] =	vst v63  }
0x1e: {  	_ =	swait.ge [sflag:s15], $0xC350  }
0x1f: {  	[sflag:s15] =	ssyncset.done $0x0  }
0x20: {  	[sflag:s15] =	ssyncadd.s32 $0xFFFF3CB0  }
0x21: {  	[tilespmem:s17], [sflag:$0x1] =	stream.linear.gather [hbm4b:s2+s3], $0x10, $0x38;
	[tilespmem:$0x1C6C0] =	vst v63  }
0x22: {  	_ =	swait.ge [sflag:s15], $0x10  }
0x23: {  	[sflag:s15] =	ssyncset.done $0x0  }
0x24: {  	[sflag:s15] =	ssyncadd.s32 $0xFFFFFFF0  }
0x25: {  	v2 =	vld [tilespmem:$0x1C6A0];
	_ =	sdelay $0x4  }
0x26: {  	v0 =	vimm.f32 $0.0e+00;
	s22 =	simm.s32 $0x0;
	[tilespmem:$0x1FFE0] =	vst v2  }
.LBB2_2:
0x27: {  	s23 =	sshll.u32 s22, $0xA  }
0x28: {  	s25 =	sadd.s32 s10, s23  }
0x29: {  	s24 =	sshll.u32 s25, $0x5  }
0x2a: {  	s31 =	sshrl.u32 s24, $0x3  }
0x2b: {  	[tilespmem:$0x1FEE0] =	vst v0;
	s23 =	simm.s32 $0x0;
	s26 =	sadd.s32 s5, s31  }
0x2c: {  	[tilespmem:s18], [sflag:$0x1] =	stream.linear.gather [hbm4b:s26+s23], $0x2000, $0x38;
	[tilespmem:$0x1C6C0] =	vst v63  }
0x2d: {  	v0 =	vmov s23;
	s24 =	sadd.s32 s6, s24;
	_ =	swait.ge [sflag:s15], $0x2000  }
0x2e: {  	v0 =	vshll.u32 v0, $0x5;
	s24 =	sshrl.u32 s24, $0x3;
	[sflag:s15] =	ssyncset.done $0x0  }
0x2f: {  	v0 =	vor.u32 v1, v0;
	s24 =	sadd.s32 s4, s24;
	[sflag:s15] =	ssyncadd.s32 $0xFFFFE000  }
0x30: {  	[tilespmem:s19], [sflag:$0x1] =	stream.linear.gather [hbm4b:s24+s23], $0x2000, $0x38;
	[tilespmem:$0x1C6C0] =	vst v63  }
0x31: {  	v1 =	vor.u32 $0x1E, v0;
	_ =	swait.ge [sflag:s15], $0x2000  }
0x32: {  	v2 =	vor.u32 $0x1F, v0;
	[sflag:s15] =	ssyncset.done $0x0  }
0x33: {  	v3 =	vor.u32 $0x1C, v0;
	[sflag:s15] =	ssyncadd.s32 $0xFFFFE000  }
0x34: {  	v5 =	vor.u32 $0x1A, v0;
	v26 =	vld.idx.msk [tilespmem:v0+s19+$0x0], $0xffff  }
0x35: {  	v8 =	vor.u32 $0x18, v0;
	v31 =	vld.idx.msk [tilespmem:v0+s18+$0x0], $0xffff  }
0x36: {  	v10 =	vor.u32 $0x16, v0;
	v19 =	vld.idx.msk [tilespmem:v1+s19+$0x0], $0xffff  }
0x37: {  	v7 =	vld.idx.msk [tilespmem:v2+s19+$0x0], $0xffff  }
0x38: {  	v20 =	vld.idx.msk [tilespmem:v3+s19+$0x0], $0xffff  }
0x39: {  	v12 =	vor.u32 $0x14, v0;
	v29 =	vld.idx.msk [tilespmem:v5+s19+$0x0], $0xffff  }
0x3a: {  	v30 =	vld.idx.msk [tilespmem:v8+s19+$0x0], $0xffff  }
0x3b: {  	v23 =	vor.u32 $0x12, v0;
	v32 =	vld.idx.msk [tilespmem:v10+s19+$0x0], $0xffff  }
0x3c: {  	v49 =	vld.idx.msk [tilespmem:v1+s18+$0x0], $0xffff  }
0x3d: {  	v25 =	vor.u32 $0x10, v0;
	v1 =	vld.idx.msk [tilespmem:v2+s18+$0x0], $0xffff  }
0x3e: {  	v34 =	vld.idx.msk [tilespmem:v12+s19+$0x0], $0xffff  }
0x3f: {  	v28 =	vor.u32 $0xE, v0;
	v53 =	vld.idx.msk [tilespmem:v3+s18+$0x0], $0xffff  }
0x40: {  	v36 =	vld.idx.msk [tilespmem:v23+s19+$0x0], $0xffff  }
0x41: {  	v13 =	vor.u32 $0x15, v0;
	v5 =	vld.idx.msk [tilespmem:v5+s18+$0x0], $0xffff  }
0x42: {  	v37 =	vld.idx.msk [tilespmem:v25+s19+$0x0], $0xffff  }
0x43: {  	v52 =	vor.u32 $0x6, v0;
	v58 =	vld.idx.msk [tilespmem:v8+s18+$0x0], $0xffff  }
0x44: {  	v39 =	vld.idx.msk [tilespmem:v28+s19+$0x0], $0xffff  }
0x45: {  	v57 =	vor.u32 $0x4, v0;
	v15 =	vld.idx.msk [tilespmem:v12+s18+$0x0], $0xffff  }
0x46: {  	v59 =	vor.u32 $0x2, v0;
	v21 =	vld.idx.msk [tilespmem:v13+s18+$0x0], $0xffff  }
0x47: {  	v3 =	vld.idx.msk [tilespmem:v25+s18+$0x0], $0xffff  }
0x48: {  	v45 =	vld.idx.msk [tilespmem:v52+s19+$0x0], $0xffff  }
0x49: {  	v51 =	vld.idx.msk [tilespmem:v28+s18+$0x0], $0xffff  }
0x4a: {  	v4 =	vor.u32 $0x1D, v0;
	v47 =	vld.idx.msk [tilespmem:v57+s19+$0x0], $0xffff  }
0x4b: {  	v8 =	vor.u32 $0xC, v0;
	v48 =	vld.idx.msk [tilespmem:v59+s19+$0x0], $0xffff  }
0x4c: {  	v12 =	vor.u32 $0x8, v0;
	v61 =	vld.idx.msk [tilespmem:v52+s18+$0x0], $0xffff  }
0x4d: {  	[tilespmem:$0x1FF40] =	vst v1;
	v1 =	vld.idx.msk [tilespmem:v13+s19+$0x0], $0xffff  }
0x4e: {  	v62 =	vld.idx.msk [tilespmem:v59+s18+$0x0], $0xffff  }
0x4f: {  	v6 =	vor.u32 $0x1B, v0;
	[tilespmem:$0x1FEF0] =	vst v7;
	v7 =	vld.idx.msk [tilespmem:v4+s19+$0x0], $0xffff  }
0x50: {  	v41 =	vld.idx.msk [tilespmem:v8+s19+$0x0], $0xffff  }
0x51: {  	v43 =	vld.idx.msk [tilespmem:v12+s19+$0x0], $0xffff  }
0x52: {  	v2 =	vor.u32 $0x13, v0;
	[tilespmem:$0x1FF50] =	vst v1;
	v1 =	vld.idx.msk [tilespmem:v4+s18+$0x0], $0xffff  }
0x53: {  	v55 =	vld.idx.msk [tilespmem:v8+s18+$0x0], $0xffff  }
0x54: {  	v9 =	vor.u32 $0x19, v0;
	[tilespmem:$0x1FF00] =	vst v7;
	v7 =	vld.idx.msk [tilespmem:v6+s19+$0x0], $0xffff  }
0x55: {  	v56 =	vld.idx.msk [tilespmem:v12+s18+$0x0], $0xffff  }
0x56: {  	v13 =	vor.u32 $0x9, v0;
	v52 =	vld.idx.msk [tilespmem:v53+s3+$0x0], $0xffff  }
0x57: {  	[tilespmem:$0x1FF60] =	vst v1;
	v1 =	vld.idx.msk [tilespmem:v2+s19+$0x0], $0xffff  }
0x58: {  	v8 =	vor.u32 $0x1, v0;
	v53 =	vld.idx.msk [tilespmem:v53+s16+$0x0], $0xffff  }
0x59: {  	v11 =	vor.u32 $0x17, v0;
	[tilespmem:$0x1FF10] =	vst v7;
	v7 =	vld.idx.msk [tilespmem:v9+s19+$0x0], $0xffff  }
0x5a: {  	v12 =	vld.idx.msk [tilespmem:v58+s16+$0x0], $0xffff  }
0x5b: {  	v27 =	vld.idx.msk [tilespmem:v13+s19+$0x0], $0xffff  }
0x5c: {  	v4 =	vor.u32 $0x11, v0;
	[tilespmem:$0x1FF70] =	vst v1;
	v1 =	vld.idx.msk [tilespmem:v6+s18+$0x0], $0xffff  }
0x5d: {  	v50 =	vld.idx.msk [tilespmem:v8+s19+$0x0], $0xffff  }
0x5e: {  	[tilespmem:$0x1FF20] =	vst v7;
	v7 =	vld.idx.msk [tilespmem:v11+s19+$0x0], $0xffff  }
0x5f: {  	v46 =	vld.idx.msk [tilespmem:v13+s18+$0x0], $0xffff  }
0x60: {  	v60 =	vld.idx.msk [tilespmem:v8+s18+$0x0], $0xffff  }
0x61: {  	[tilespmem:$0x1FF80] =	vst v1;
	v1 =	vld.idx.msk [tilespmem:v4+s19+$0x0], $0xffff  }
0x62: {  	v8 =	vld.idx.msk [tilespmem:v31+s16+$0x0], $0xffff;
	v6 =	vor.u32 $0xF, v0  }
0x63: {  	[tilespmem:$0x1FF30] =	vst v7;
	v7 =	vld.idx.msk [tilespmem:v10+s18+$0x0], $0xffff;
	v10 =	vor.u32 $0xA, v0  }
0x64: {  	v25 =	vld.idx.msk [tilespmem:v4+s18+$0x0], $0xffff;
	v4 =	vor.u32 $0x5, v0  }
0x65: {  	v13 =	vld.idx.msk [tilespmem:v5+s16+$0x0], $0xffff  }
0x66: {  	[tilespmem:$0x1FF90] =	vst v1;
	v1 =	vld.idx.msk [tilespmem:v9+s18+$0x0], $0xffff  }
0x67: {  	v28 =	vld.idx.msk [tilespmem:v6+s18+$0x0], $0xffff  }
0x68: {  	v42 =	vld.idx.msk [tilespmem:v10+s19+$0x0], $0xffff  }
0x69: {  	v9 =	vor.u32 $0xD, v0;
	v38 =	vld.idx.msk [tilespmem:v4+s19+$0x0], $0xffff  }
0x6a: {  	v63 =	vld.idx.msk [tilespmem:v10+s18+$0x0], $0xffff  }
0x6b: {  	[tilespmem:$0x1FFA0] =	vst v1;
	v1 =	vld.idx.msk [tilespmem:v6+s19+$0x0], $0xffff  }
0x6c: {  	v10 =	vld.idx.msk [tilespmem:v58+s3+$0x0], $0xffff;
	v6 =	vor.u32 $0x3, v0  }
0x6d: {  	v58 =	vld.idx.msk [tilespmem:v15+s3+$0x0], $0xffff  }
0x6e: {  	v22 =	vld.idx.msk [tilespmem:v9+s19+$0x0], $0xffff  }
0x6f: {  	v35 =	vld.idx.msk [tilespmem:v9+s18+$0x0], $0xffff  }
0x70: {  	[tilespmem:$0x1FFB0] =	vst v1;
	v1 =	vld.idx.msk [tilespmem:v11+s18+$0x0], $0xffff  }
0x71: {  	v11 =	vor.u32 $0xB, v0;
	v44 =	vld.idx.msk [tilespmem:v6+s19+$0x0], $0xffff  }
0x72: {  	v59 =	vld.idx.msk [tilespmem:v6+s18+$0x0], $0xffff  }
0x73: {  	v6 =	vld.idx.msk [tilespmem:v31+s3+$0x0], $0xffff  }
0x74: {  	v31 =	vld.idx.msk [tilespmem:v49+s3+$0x0], $0xffff  }
0x75: {  	v49 =	vld.idx.msk [tilespmem:v49+s16+$0x0], $0xffff  }
0x76: {  	v24 =	vld.idx.msk [tilespmem:v11+s19+$0x0], $0xffff  }
0x77: {  	[tilespmem:$0x1FFC0] =	vst v1;
	v1 =	vld.idx.msk [tilespmem:v23+s18+$0x0], $0xffff  }
0x78: {  	v23 =	vld.idx.msk [tilespmem:v2+s18+$0x0], $0xffff  }
0x79: {  	v40 =	vld.idx.msk [tilespmem:v11+s18+$0x0], $0xffff  }
0x7a: {  	v2 =	vor.u32 $0x7, v0;
	v0 =	vld.idx.msk [tilespmem:v57+s18+$0x0], $0xffff  }
0x7b: {  	v57 =	vld.idx.msk [tilespmem:v4+s18+$0x0], $0xffff  }
0x7c: {  	v11 =	vld.idx.msk [tilespmem:v5+s3+$0x0], $0xffff  }
0x7d: {  	v5 =	vld.idx.msk [tilespmem:v7+s3+$0x0], $0xffff  }
0x7e: {  	v7 =	vld.idx.msk [tilespmem:v7+s16+$0x0], $0xffff  }
0x7f: {  	v4 =	vld.idx.msk [tilespmem:v15+s16+$0x0], $0xffff  }
0x80: {  	v33 =	vld.idx.msk [tilespmem:v2+s19+$0x0], $0xffff  }
0x81: {  	v54 =	vld.idx.msk [tilespmem:v2+s18+$0x0], $0xffff  }
0x82: {  	v9 =	vld.idx.msk [tilespmem:v1+s3+$0x0], $0xffff  }
0x83: {  	v2 =	vld.idx.msk [tilespmem:v1+s16+$0x0], $0xffff  }
0x84: {  	v14 =	vor.u32 s25, v14;
	v1 =	vld.idx.msk [tilespmem:v3+s3+$0x0], $0xffff  }
0x85: {  	s24 =	simm.s32 $0x10;
	[tilespmem:$0x1FFD0] =	vst v14;
	v3 =	vld.idx.msk [tilespmem:v3+s16+$0x0], $0xffff  }
.LBB2_3:
0x86: {  	v14 =	vld.idx.msk [tilespmem:v51+s3+$0x0], $0xffff  }
0x87: {  	v51 =	vld.idx.msk [tilespmem:v51+s16+$0x0], $0xffff  }
0x88: {  	v15 =	vld.idx.msk [tilespmem:v55+s3+$0x0], $0xffff  }
0x89: {  	v55 =	vld.idx.msk [tilespmem:v55+s16+$0x0], $0xffff  }
0x8a: {  	v16 =	vld.idx.msk [tilespmem:v63+s3+$0x0], $0xffff;
	v6 =	vmul.f32 v6, v26;
	v8 =	vmul.f32 v8, v26  }
0x8b: {  	v17 =	vld.idx.msk [tilespmem:v63+s16+$0x0], $0xffff;
	v26 =	vmul.f32 v31, v19;
	v19 =	vmul.f32 v49, v19  }
0x8c: {  	v18 =	vld.idx.msk [tilespmem:v56+s3+$0x0], $0xffff;
	v10 =	vmul.f32 v10, v30;
	v30 =	vmul.f32 v12, v30;
	v12 =	vmov s24  }
0x8d: {  	v5 =	vmul.f32 v5, v32;
	v32 =	vmul.f32 v7, v32;
	v7 =	vshll.u32 v12, $0x5;
	v12 =	vld.idx.msk [tilespmem:v0+s16+$0x0], $0xffff  }
0x8e: {  	[tilespmem:$0x1FED0] =	vst v19;
	v19 =	vld.idx.msk [tilespmem:v56+s16+$0x0], $0xffff  }
0x8f: {  	v49 =	vmul.f32 v52, v20;
	v56 =	vmul.f32 v53, v20;
	v20 =	vld.idx.msk [tilespmem:v0+s3+$0x0], $0xffff  }
0x90: {  	v0 =	vld [tilespmem:$0x1FFF0]  }
0x91: {  	v11 =	vmul.f32 v11, v29;
	v29 =	vmul.f32 v13, v29;
	v13 =	vld.idx.msk [tilespmem:v61+s16+$0x0], $0xffff  }
0x92: {  	[tilespmem:$0x1FEC0] =	vst v26;
	v26 =	vld.idx.msk [tilespmem:v61+s3+$0x0], $0xffff  }
0x93: {  	v63 =	vmul.f32 v9, v36;
	v61 =	vmul.f32 v4, v34;
	v4 =	vld.idx.msk [tilespmem:v62+s3+$0x0], $0xffff  }
0x94: {  	v9 =	vmul.f32 v14, v39;
	v14 =	vmul.f32 v51, v39;
	v51 =	vld.idx.msk [tilespmem:v60+s16+$0x0], $0xffff  }
0x95: {  	v31 =	vor.u32 v0, v7;
	v0 =	vmul.f32 v2, v36;
	v2 =	vld.idx.msk [tilespmem:v62+s16+$0x0], $0xffff  }
0x96: {  	v7 =	vld.idx.msk [tilespmem:v60+s3+$0x0], $0xffff  }
0x97: {  	v60 =	vld.idx.msk [tilespmem:v59+s3+$0x0], $0xffff  }
0x98: {  	v6 =	vadd.f32 $0.0e+00, v6;
	v59 =	vld.idx.msk [tilespmem:v59+s16+$0x0], $0xffff;
	v4 =	vmul.f32 v4, v48  }
0x99: {  	v16 =	vmul.f32 v16, v42;
	v13 =	vmul.f32 v13, v45;
	v62 =	vld.idx.msk [tilespmem:v57+s3+$0x0], $0xffff  }
0x9a: {  	v26 =	vmul.f32 v26, v45;
	v20 =	vmul.f32 v20, v47;
	v45 =	vld.idx.msk [tilespmem:v57+s16+$0x0], $0xffff;
	v4 =	vadd.f32 v4, v6  }
0x9b: {  	v8 =	vadd.f32 $0.0e+00, v8;
	v12 =	vmul.f32 v12, v47;
	v47 =	vld.idx.msk [tilespmem:v54+s3+$0x0], $0xffff;
	v7 =	vmul.f32 v7, v50  }
0x9c: {  	v4 =	vadd.f32 v20, v4;
	v20 =	vld.idx.msk [tilespmem:v35+s3+$0x0], $0xffff;
	v2 =	vmul.f32 v2, v48;
	v48 =	vmul.f32 v51, v50  }
0x9d: {  	v18 =	vmul.f32 v18, v43;
	v50 =	vld.idx.msk [tilespmem:v54+s16+$0x0], $0xffff;
	v57 =	vmul.f32 v60, v44;
	v7 =	vadd.f32 $0.0e+00, v7  }
0x9e: {  	v54 =	vld.idx.msk [tilespmem:v46+s3+$0x0], $0xffff;
	v60 =	vmul.f32 v59, v44;
	v4 =	vadd.f32 v26, v4;
	v48 =	vadd.f32 $0.0e+00, v48  }
0x9f: {  	v46 =	vld.idx.msk [tilespmem:v46+s16+$0x0], $0xffff;
	v6 =	vmul.f32 v62, v38;
	v2 =	vadd.f32 v2, v8;
	v7 =	vadd.f32 v57, v7  }
0xa0: {  	v8 =	vld.idx.msk [tilespmem:v40+s3+$0x0], $0xffff;
	v4 =	vadd.f32 v18, v4;
	v44 =	vadd.f32 v60, v48;
	v57 =	vmul.f32 v45, v38  }
0xa1: {  	v59 =	vld.idx.msk [tilespmem:v40+s16+$0x0], $0xffff;
	v2 =	vadd.f32 v12, v2;
	v12 =	vmul.f32 v47, v33;
	v6 =	vadd.f32 v6, v7  }
0xa2: {  	v62 =	vld.idx.msk [tilespmem:v35+s16+$0x0], $0xffff;
	v60 =	vmul.f32 v50, v33;
	v4 =	vadd.f32 v16, v4;
	v7 =	vadd.f32 v57, v44  }
0xa3: {  	v26 =	vld.idx.msk [tilespmem:v28+s3+$0x0], $0xffff;
	v2 =	vadd.f32 v13, v2;
	v13 =	vmul.f32 v54, v27;
	v6 =	vadd.f32 v12, v6  }
0xa4: {  	v16 =	vmul.f32 v20, v22;
	v20 =	vld [tilespmem:$0x1FFB0];
	v7 =	vadd.f32 v60, v7;
	v12 =	vmul.f32 v46, v27  }
0xa5: {  	v19 =	vmul.f32 v19, v43;
	v8 =	vmul.f32 v8, v24;
	v27 =	vld.idx.msk [tilespmem:v28+s16+$0x0], $0xffff;
	v6 =	vadd.f32 v13, v6  }
0xa6: {  	v15 =	vmul.f32 v15, v41;
	v7 =	vadd.f32 v12, v7;
	v12 =	vmul.f32 v59, v24  }
0xa7: {  	v17 =	vmul.f32 v17, v42;
	v2 =	vadd.f32 v19, v2;
	v6 =	vadd.f32 v8, v6  }
0xa8: {  	v4 =	vadd.f32 v15, v4;
	v13 =	vld.idx.msk [tilespmem:v25+s16+$0x0], $0xffff;
	v7 =	vadd.f32 v12, v7;
	v8 =	vmul.f32 v62, v22  }
0xa9: {  	v2 =	vadd.f32 v17, v2;
	v17 =	vld.idx.msk [tilespmem:v23+s3+$0x0], $0xffff;
	v15 =	vmul.f32 v26, v20;
	v6 =	vadd.f32 v16, v6  }
0xaa: {  	v55 =	vmul.f32 v55, v41;
	v7 =	vadd.f32 v8, v7;
	v8 =	vmul.f32 v27, v20;
	v20 =	vld [tilespmem:$0x1FF90]  }
0xab: {  	v6 =	vadd.f32 v15, v6;
	v15 =	vld [tilespmem:$0x1FF70]  }
0xac: {  	v2 =	vadd.f32 v55, v2  }
0xad: {  	v12 =	vld.idx.msk [tilespmem:v23+s16+$0x0], $0xffff  }
0xae: {  	v3 =	vmul.f32 v3, v37;
	v18 =	vld.idx.msk [tilespmem:v25+s3+$0x0], $0xffff;
	v2 =	vadd.f32 v14, v2  }
0xaf: {  	v1 =	vmul.f32 v1, v37;
	v4 =	vadd.f32 v9, v4;
	v7 =	vadd.f32 v8, v7  }
0xb0: {  	v2 =	vadd.f32 v3, v2;
	v8 =	vmul.f32 v13, v20;
	v3 =	vmul.f32 v17, v15;
	v17 =	vld [tilespmem:$0x1FFA0]  }
0xb1: {  	v16 =	vld.idx.msk [tilespmem:v21+s16+$0x0], $0xffff  }
0xb2: {  	v1 =	vadd.f32 v1, v4;
	v7 =	vadd.f32 v8, v7;
	v8 =	vmul.f32 v12, v15;
	v15 =	vld [tilespmem:$0x1FF50]  }
0xb3: {  	v9 =	vmul.f32 v18, v20;
	v18 =	vld [tilespmem:$0x1FFC0]  }
0xb4: {  	v58 =	vmul.f32 v58, v34;
	v19 =	vld.idx.msk [tilespmem:v21+s3+$0x0], $0xffff;
	v1 =	vadd.f32 v63, v1  }
0xb5: {  	v26 =	vld.idx.msk [tilespmem:v31+s19+$0x0], $0xffff;
	v6 =	vadd.f32 v9, v6  }
0xb6: {  	v1 =	vadd.f32 v58, v1;
	v58 =	vld.idx.msk [tilespmem:v31+s18+$0x0], $0xffff  }
0xb7: {  	v3 =	vadd.f32 v3, v6;
	v6 =	vadd.f32 v8, v7;
	v7 =	vmul.f32 v16, v15;
	v16 =	vld [tilespmem:$0x1FF30]  }
0xb8: {  	v36 =	vor.u32 $0x1C, v31;
	v4 =	vld.idx.msk [tilespmem:v17+s3+$0x0], $0xffff  }
0xb9: {  	v9 =	vld.idx.msk [tilespmem:v17+s16+$0x0], $0xffff  }
0xba: {  	v41 =	vor.u32 $0x16, v31;
	v1 =	vadd.f32 v5, v1;
	v17 =	vld [tilespmem:$0x1FF80]  }
0xbb: {  	v0 =	vadd.f32 v0, v2;
	v13 =	vld.idx.msk [tilespmem:v18+s16+$0x0], $0xffff  }
0xbc: {  	v1 =	vadd.f32 v10, v1;
	v14 =	vld.idx.msk [tilespmem:v18+s3+$0x0], $0xffff  }
0xbd: {  	v20 =	vld.idx.msk [tilespmem:v36+s19+$0x0], $0xffff;
	v0 =	vadd.f32 v61, v0  }
0xbe: {  	v1 =	vadd.f32 v11, v1;
	v11 =	vld [tilespmem:$0x1FF00];
	v2 =	vmul.f32 v19, v15  }
0xbf: {  	v0 =	vadd.f32 v32, v0;
	v32 =	vld.idx.msk [tilespmem:v41+s19+$0x0], $0xffff  }
0xc0: {  	v2 =	vadd.f32 v2, v3;
	v3 =	vadd.f32 v7, v6;
	v6 =	vmul.f32 v13, v16;
	v13 =	vld [tilespmem:$0x1FF20]  }
0xc1: {  	v53 =	vor.u32 $0x1E, v31;
	v14 =	vmul.f32 v14, v16;
	v16 =	vld [tilespmem:$0x1FF40]  }
0xc2: {  	v39 =	vor.u32 $0x18, v31;
	v12 =	vld.idx.msk [tilespmem:v17+s3+$0x0], $0xffff  }
0xc3: {  	v8 =	vld.idx.msk [tilespmem:v17+s16+$0x0], $0xffff  }
0xc4: {  	v37 =	vor.u32 $0x1A, v31;
	v17 =	vld [tilespmem:$0x1FF60]  }
0xc5: {  	v3 =	vadd.f32 v6, v3;
	v4 =	vmul.f32 v4, v13;
	v6 =	vmul.f32 v9, v13;
	v13 =	vld [tilespmem:$0x1FF10]  }
0xc6: {  	v1 =	vadd.f32 v49, v1;
	v49 =	vld.idx.msk [tilespmem:v53+s18+$0x0], $0xffff  }
0xc7: {  	v52 =	vor.u32 $0x1D, v31;
	v0 =	vadd.f32 v30, v0;
	v30 =	vld.idx.msk [tilespmem:v39+s19+$0x0], $0xffff  }
0xc8: {  	v19 =	vld.idx.msk [tilespmem:v53+s19+$0x0], $0xffff;
	v2 =	vadd.f32 v14, v2  }
0xc9: {  	v34 =	vor.u32 $0x1F, v31;
	v0 =	vadd.f32 v29, v0;
	v29 =	vld.idx.msk [tilespmem:v37+s19+$0x0], $0xffff  }
0xca: {  	v42 =	vor.u32 $0x19, v31;
	v2 =	vadd.f32 v4, v2;
	v5 =	vld.idx.msk [tilespmem:v16+s3+$0x0], $0xffff;
	v10 =	vmul.f32 v12, v13  }
0xcb: {  	v9 =	vld.idx.msk [tilespmem:v16+s16+$0x0], $0xffff  }
0xcc: {  	v43 =	vor.u32 $0x1B, v31;
	v2 =	vadd.f32 v10, v2;
	v10 =	vld.idx.msk [tilespmem:v52+s19+$0x0], $0xffff  }
0xcd: {  	v7 =	vld.idx.msk [tilespmem:v17+s16+$0x0], $0xffff  }
0xce: {  	v4 =	vmul.f32 v8, v13;
	v8 =	vld.idx.msk [tilespmem:v34+s19+$0x0], $0xffff  }
0xcf: {  	v16 =	vor.u32 $0x8, v31;
	v13 =	vld.idx.msk [tilespmem:v42+s18+$0x0], $0xffff  }
0xd0: {  	v3 =	vadd.f32 v6, v3;
	v15 =	vld.idx.msk [tilespmem:v17+s3+$0x0], $0xffff;
	v17 =	vor.u32 $0x6, v31  }
0xd1: {  	[tilespmem:$0x1FF00] =	vst v10;
	v10 =	vld.idx.msk [tilespmem:v43+s18+$0x0], $0xffff  }
0xd2: {  	v3 =	vadd.f32 v4, v3;
	v4 =	vmul.f32 v7, v11;
	v7 =	vld [tilespmem:$0x1FEF0]  }
0xd3: {  	v12 =	vld.idx.msk [tilespmem:v39+s18+$0x0], $0xffff  }
0xd4: {  	v0 =	vadd.f32 v56, v0;
	v56 =	vld.idx.msk [tilespmem:v16+s18+$0x0], $0xffff;
	[tilespmem:$0x1FFA0] =	vst v13;
	v13 =	vor.u32 $0xD, v31  }
0xd5: {  	v45 =	vld.idx.msk [tilespmem:v17+s19+$0x0], $0xffff  }
0xd6: {  	v61 =	vld.idx.msk [tilespmem:v17+s18+$0x0], $0xffff;
	[tilespmem:$0x1FF80] =	vst v10;
	v10 =	vor.u32 $0xF, v31  }
0xd7: {  	v3 =	vadd.f32 v4, v3;
	v4 =	vmul.f32 v9, v7;
	v9 =	vld.idx.msk [tilespmem:v37+s18+$0x0], $0xffff  }
0xd8: {  	v5 =	vmul.f32 v5, v7;
	v7 =	vld [tilespmem:$0x1FEC0]  }
0xd9: {  	v6 =	vmul.f32 v15, v11;
	v15 =	vor.u32 $0xA, v31;
	v22 =	vld.idx.msk [tilespmem:v13+s19+$0x0], $0xffff  }
0xda: {  	v35 =	vld.idx.msk [tilespmem:v13+s18+$0x0], $0xffff  }
0xdb: {  	v14 =	vld.idx.msk [tilespmem:v10+s19+$0x0], $0xffff  }
0xdc: {  	v28 =	vld.idx.msk [tilespmem:v10+s18+$0x0], $0xffff;
	v10 =	vor.u32 $0x3, v31  }
0xdd: {  	v1 =	vadd.f32 v7, v1;
	v7 =	vld [tilespmem:$0x1FED0]  }
0xde: {  	v63 =	vld.idx.msk [tilespmem:v15+s18+$0x0], $0xffff  }
0xdf: {  	v2 =	vadd.f32 v6, v2;
	v6 =	vor.u32 $0x17, v31;
	v13 =	vld.idx.msk [tilespmem:v9+s16+$0x0], $0xffff  }
0xe0: {  	[tilespmem:$0x1FFB0] =	vst v14;
	v14 =	vld.idx.msk [tilespmem:v41+s18+$0x0], $0xffff  }
0xe1: {  	v44 =	vld.idx.msk [tilespmem:v10+s19+$0x0], $0xffff  }
0xe2: {  	v3 =	vadd.f32 v4, v3;
	v59 =	vld.idx.msk [tilespmem:v10+s18+$0x0], $0xffff;
	v0 =	vadd.f32 v7, v0  }
0xe3: {  	v7 =	vld.idx.msk [tilespmem:v43+s19+$0x0], $0xffff  }
0xe4: {  	v0 =	vadd.f32 v3, v0;
	v3 =	vld.idx.msk [tilespmem:v6+s19+$0x0], $0xffff  }
0xe5: {  	v6 =	vld.idx.msk [tilespmem:v6+s18+$0x0], $0xffff  }
0xe6: {  	v10 =	vld.idx.msk [tilespmem:v12+s3+$0x0], $0xffff  }
0xe7: {  	v12 =	vld.idx.msk [tilespmem:v12+s16+$0x0], $0xffff  }
0xe8: {  	[tilespmem:$0x1FF10] =	vst v7;
	v7 =	vadd.f32 v5, v2;
	v5 =	vld.idx.msk [tilespmem:v42+s19+$0x0], $0xffff;
	v2 =	vmov v8  }
0xe9: {  	v43 =	vld.idx.msk [tilespmem:v16+s19+$0x0], $0xffff;
	[tilespmem:$0x1FEF0] =	vst v2;
	v2 =	vor.u32 $0x15, v31  }
0xea: {  	v42 =	vld.idx.msk [tilespmem:v15+s19+$0x0], $0xffff;
	[tilespmem:$0x1FFC0] =	vst v6;
	v6 =	vor.u32 $0xB, v31  }
0xeb: {  	v1 =	vadd.f32 v7, v1;
	v7 =	vld.idx.msk [tilespmem:v52+s18+$0x0], $0xffff  }
0xec: {  	[tilespmem:$0x1FF30] =	vst v3;
	v3 =	vld [tilespmem:$0x1FFD0]  }
0xed: {  	[tilespmem:$0x1FF20] =	vst v5;
	v5 =	vld [tilespmem:$0x1FFE0]  }
0xee: {  	v21 =	vld.idx.msk [tilespmem:v2+s18+$0x0], $0xffff  }
0xef: {  	v4 =	vor.u32 $0x14, v31;
	v24 =	vld.idx.msk [tilespmem:v6+s19+$0x0], $0xffff  }
0xf0: {  	[tilespmem:$0x1FF60] =	vst v7;
	v7 =	vor.u32 $0x11, v31;
	v40 =	vld.idx.msk [tilespmem:v6+s18+$0x0], $0xffff  }
0xf1: {  	v3 =	vor.u32 s23, v3;
	v6 =	vld.idx.msk [tilespmem:v58+s3+$0x0], $0xffff  }
0xf2: {  	vm0 =	vne.s32 v3, $0x0;
	vm1 =	vne.s32 v3, v5;
	v3 =	vld.idx.msk [tilespmem:v34+s18+$0x0], $0xffff  }
0xf3: {  	v5 =	vld.idx.msk [tilespmem:v2+s19+$0x0], $0xffff  }
0xf4: {  	v34 =	vld.idx.msk [tilespmem:v4+s19+$0x0], $0xffff;
	v2 =	vor.u32 $0x9, v31  }
0xf5: {  	v11 =	vld.idx.msk [tilespmem:v7+s19+$0x0], $0xffff  }
0xf6: {  	v25 =	vld.idx.msk [tilespmem:v7+s18+$0x0], $0xffff;
	v7 =	vor.u32 $0x5, v31  }
0xf7: {  	v4 =	vld.idx.msk [tilespmem:v4+s18+$0x0], $0xffff  }
0xf8: {  	[tilespmem:$0x1FF50] =	vst v5;
	v5 =	vld [tilespmem:$0x1FEE0]  }
0xf9: {  	[tilespmem:$0x1FF40] =	vst v3;
	v3 =	vor.u32 $0x13, v31;
	v27 =	vld.idx.msk [tilespmem:v2+s19+$0x0], $0xffff  }
0xfa: {  	v0 =	vand.u32 $0x7FFFFFFF, v0;
	v1 =	vand.u32 $0x7FFFFFFF, v1;
	v46 =	vld.idx.msk [tilespmem:v2+s18+$0x0], $0xffff  }
0xfb: {  	v0 =	vadd.f32 v0, v1;
	v38 =	vld.idx.msk [tilespmem:v7+s19+$0x0], $0xffff  }
0xfc: {  	v1 =	vor.u32 $0x12, v31;
	vm0 =	vmand vm0, vm1;
	v57 =	vld.idx.msk [tilespmem:v7+s18+$0x0], $0xffff  }
0xfd: {  	v0 =	vnsel vm0, $0x0, v0;
	[tilespmem:$0x1FF90] =	vst v11;
	v11 =	vor.u32 $0xC, v31;
	v7 =	vld.idx.msk [tilespmem:v14+s16+$0x0], $0xffff  }
0xfe: {  	v5 =	vadd.f32 v0, v5;
	v8 =	vld.idx.msk [tilespmem:v3+s19+$0x0], $0xffff  }
0xff: {  	v23 =	vld.idx.msk [tilespmem:v3+s18+$0x0], $0xffff  }
0x100: {  	v0 =	vor.u32 $0x10, v31;
	[tilespmem:$0x1FEE0] =	vst v5;
	v5 =	vld.idx.msk [tilespmem:v36+s18+$0x0], $0xffff  }
0x101: {  	v36 =	vld.idx.msk [tilespmem:v1+s19+$0x0], $0xffff  }
0x102: {  	v3 =	vor.u32 $0x7, v31;
	v41 =	vld.idx.msk [tilespmem:v11+s19+$0x0], $0xffff  }
0x103: {  	v1 =	vld.idx.msk [tilespmem:v1+s18+$0x0], $0xffff  }
0x104: {  	v55 =	vld.idx.msk [tilespmem:v11+s18+$0x0], $0xffff;
	v11 =	vor.u32 $0x1, v31  }
0x105: {  	v37 =	vld.idx.msk [tilespmem:v0+s19+$0x0], $0xffff  }
0x106: {  	v18 =	vld.idx.msk [tilespmem:v0+s18+$0x0], $0xffff  }
0x107: {  	[tilespmem:$0x1FF70] =	vst v8;
	v8 =	vor.u32 $0xE, v31;
	v33 =	vld.idx.msk [tilespmem:v3+s19+$0x0], $0xffff  }
0x108: {  	v54 =	vld.idx.msk [tilespmem:v3+s18+$0x0], $0xffff  }
0x109: {  	v0 =	vor.u32 $0x4, v31;
	v50 =	vld.idx.msk [tilespmem:v11+s19+$0x0], $0xffff  }
0x10a: {  	v60 =	vld.idx.msk [tilespmem:v11+s18+$0x0], $0xffff  }
0x10b: {  	v11 =	vld.idx.msk [tilespmem:v9+s3+$0x0], $0xffff  }
0x10c: {  	v39 =	vld.idx.msk [tilespmem:v8+s19+$0x0], $0xffff  }
0x10d: {  	v51 =	vld.idx.msk [tilespmem:v8+s18+$0x0], $0xffff  }
0x10e: {  	v47 =	vld.idx.msk [tilespmem:v0+s19+$0x0], $0xffff  }
0x10f: {  	v0 =	vld.idx.msk [tilespmem:v0+s18+$0x0], $0xffff  }
0x110: {  	v8 =	vor.u32 $0x2, v31;
	v31 =	vld.idx.msk [tilespmem:v49+s3+$0x0], $0xffff  }
0x111: {  	v49 =	vld.idx.msk [tilespmem:v49+s16+$0x0], $0xffff  }
0x112: {  	v52 =	vld.idx.msk [tilespmem:v5+s3+$0x0], $0xffff  }
0x113: {  	v53 =	vld.idx.msk [tilespmem:v5+s16+$0x0], $0xffff  }
0x114: {  	v5 =	vld.idx.msk [tilespmem:v14+s3+$0x0], $0xffff  }
0x115: {  	v9 =	vld.idx.msk [tilespmem:v1+s3+$0x0], $0xffff  }
0x116: {  	v2 =	vld.idx.msk [tilespmem:v1+s16+$0x0], $0xffff  }
0x117: {  	v1 =	vld.idx.msk [tilespmem:v18+s3+$0x0], $0xffff  }
0x118: {  	p1 =	sne.s32 s24, $0xF0;
	v3 =	vld.idx.msk [tilespmem:v18+s16+$0x0], $0xffff  }
.Ltmp2:
0x119: {  	v48 =	vld.idx.msk [tilespmem:v8+s19+$0x0], $0xffff;
	(pc) =	sbr.rel @p1 .LBB2_3-.Ltmp2, $4  }
0x11a: {  	v62 =	vld.idx.msk [tilespmem:v8+s18+$0x0], $0xffff  }
0x11b: {  	v8 =	vld.idx.msk [tilespmem:v58+s16+$0x0], $0xffff  }
0x11c: {  	v58 =	vld.idx.msk [tilespmem:v4+s3+$0x0], $0xffff  }
0x11d: {  	s23 =	smov.u32 s24;
	s24 =	sadd.s32 $0x10, s24;
	v4 =	vld.idx.msk [tilespmem:v4+s16+$0x0], $0xffff  }
0x11e: {  	_ =	sdelay $0x3  }
0x11f: {  	v14 =	vld.idx.msk [tilespmem:v51+s3+$0x0], $0xffff  }
0x120: {  	v15 =	vld.idx.msk [tilespmem:v51+s16+$0x0], $0xffff  }
0x121: {  	v16 =	vld.idx.msk [tilespmem:v55+s3+$0x0], $0xffff  }
0x122: {  	v17 =	vld.idx.msk [tilespmem:v55+s16+$0x0], $0xffff  }
0x123: {  	v18 =	vld.idx.msk [tilespmem:v63+s3+$0x0], $0xffff  }
0x124: {  	v55 =	vmov v19;
	v19 =	vld.idx.msk [tilespmem:v63+s16+$0x0], $0xffff  }
0x125: {  	v63 =	vmov v20;
	v20 =	vld.idx.msk [tilespmem:v56+s3+$0x0], $0xffff  }
0x126: {  	v51 =	vmul.f32 v10, v30;
	v10 =	vld.idx.msk [tilespmem:v61+s3+$0x0], $0xffff  }
0x127: {  	v30 =	vmul.f32 v12, v30;
	v12 =	vld.idx.msk [tilespmem:v61+s16+$0x0], $0xffff  }
0x128: {  	v61 =	vld.idx.msk [tilespmem:v0+s3+$0x0], $0xffff  }
0x129: {  	v6 =	vmul.f32 v6, v26;
	v0 =	vld.idx.msk [tilespmem:v0+s16+$0x0], $0xffff  }
0x12a: {  	v1 =	vmul.f32 v1, v37;
	v3 =	vmul.f32 v3, v37;
	v37 =	vld.idx.msk [tilespmem:v60+s3+$0x0], $0xffff  }
0x12b: {  	v9 =	vmul.f32 v9, v36;
	v2 =	vmul.f32 v2, v36;
	v36 =	vld.idx.msk [tilespmem:v62+s16+$0x0], $0xffff  }
0x12c: {  	v8 =	vmul.f32 v8, v26;
	v26 =	vmul.f32 v11, v29;
	v11 =	vld.idx.msk [tilespmem:v56+s16+$0x0], $0xffff  }
0x12d: {  	v5 =	vmul.f32 v5, v32;
	v7 =	vmul.f32 v7, v32;
	v56 =	vld.idx.msk [tilespmem:v60+s16+$0x0], $0xffff  }
0x12e: {  	v29 =	vmul.f32 v13, v29;
	v60 =	vld.idx.msk [tilespmem:v59+s16+$0x0], $0xffff;
	v13 =	vmul.f32 v58, v34  }
0x12f: {  	v4 =	vmul.f32 v4, v34;
	v34 =	vld.idx.msk [tilespmem:v62+s3+$0x0], $0xffff;
	v14 =	vmul.f32 v14, v39  }
0x130: {  	v15 =	vmul.f32 v15, v39;
	v32 =	vmul.f32 v61, v47;
	v61 =	vld.idx.msk [tilespmem:v57+s3+$0x0], $0xffff  }
0x131: {  	v62 =	vld.idx.msk [tilespmem:v57+s16+$0x0], $0xffff;
	v16 =	vmul.f32 v16, v41;
	v18 =	vmul.f32 v18, v42  }
0x132: {  	v0 =	vmul.f32 v0, v47;
	v47 =	vld.idx.msk [tilespmem:v54+s3+$0x0], $0xffff;
	v39 =	vmul.f32 v56, v50  }
0x133: {  	v6 =	vadd.f32 $0.0e+00, v6;
	v19 =	vmul.f32 v19, v42;
	v10 =	vmul.f32 v10, v45;
	v54 =	vld.idx.msk [tilespmem:v54+s16+$0x0], $0xffff  }
0x134: {  	v58 =	vld.idx.msk [tilespmem:v59+s3+$0x0], $0xffff;
	v42 =	vmul.f32 v60, v44;
	v34 =	vmul.f32 v34, v48;
	v56 =	vadd.f32 $0.0e+00, v39  }
0x135: {  	v59 =	vld.idx.msk [tilespmem:v46+s16+$0x0], $0xffff;
	v8 =	vadd.f32 $0.0e+00, v8;
	v36 =	vmul.f32 v36, v48;
	v60 =	vmul.f32 v61, v38  }
0x136: {  	v57 =	vld.idx.msk [tilespmem:v46+s3+$0x0], $0xffff;
	v61 =	vmul.f32 v62, v38;
	v6 =	vadd.f32 v34, v6;
	v34 =	vadd.f32 v42, v56  }
0x137: {  	v12 =	vmul.f32 v12, v45;
	v37 =	vmul.f32 v37, v50;
	v45 =	vld.idx.msk [tilespmem:v40+s16+$0x0], $0xffff;
	v8 =	vadd.f32 v36, v8  }
0x138: {  	v46 =	vmul.f32 v47, v33;
	v47 =	vmul.f32 v54, v33;
	v34 =	vadd.f32 v61, v34  }
0x139: {  	v17 =	vmul.f32 v17, v41;
	v37 =	vadd.f32 $0.0e+00, v37;
	v41 =	vmul.f32 v58, v44;
	v62 =	vld.idx.msk [tilespmem:v40+s3+$0x0], $0xffff  }
0x13a: {  	v0 =	vadd.f32 v0, v8;
	v54 =	vmul.f32 v59, v27;
	v33 =	vadd.f32 v47, v34  }
0x13b: {  	v58 =	vadd.f32 v41, v37;
	v50 =	vmul.f32 v57, v27  }
0x13c: {  	v59 =	vmul.f32 v45, v24;
	v0 =	vadd.f32 v12, v0;
	v12 =	vld.idx.msk [tilespmem:v35+s16+$0x0], $0xffff;
	v27 =	vadd.f32 v54, v33  }
0x13d: {  	v57 =	vld.idx.msk [tilespmem:v28+s16+$0x0], $0xffff  }
0x13e: {  	v44 =	vadd.f32 v60, v58;
	v58 =	vmul.f32 v62, v24;
	v24 =	vadd.f32 v59, v27;
	v27 =	vld [tilespmem:$0x1FFB0]  }
0x13f: {  	v61 =	vld.idx.msk [tilespmem:v25+s16+$0x0], $0xffff  }
0x140: {  	v11 =	vmul.f32 v11, v43;
	v6 =	vadd.f32 v32, v6;
	v32 =	vld [tilespmem:$0x1FF90]  }
0x141: {  	v12 =	vmul.f32 v12, v22  }
0x142: {  	v20 =	vmul.f32 v20, v43;
	v0 =	vadd.f32 v11, v0  }
0x143: {  	v48 =	vld.idx.msk [tilespmem:v35+s3+$0x0], $0xffff;
	v6 =	vadd.f32 v10, v6;
	v12 =	vadd.f32 v12, v24;
	v11 =	vmul.f32 v57, v27  }
0x144: {  	v56 =	vld.idx.msk [tilespmem:v28+s3+$0x0], $0xffff;
	v8 =	vadd.f32 v46, v44  }
0x145: {  	v60 =	vld.idx.msk [tilespmem:v25+s3+$0x0], $0xffff;
	v6 =	vadd.f32 v20, v6;
	v11 =	vadd.f32 v11, v12;
	v12 =	vmul.f32 v61, v32  }
0x146: {  	v34 =	vld [tilespmem:$0x1FFC0];
	v8 =	vadd.f32 v50, v8  }
0x147: {  	v6 =	vadd.f32 v18, v6;
	v11 =	vadd.f32 v12, v11;
	v12 =	vld [tilespmem:$0x1FFA0]  }
0x148: {  	v37 =	vld [tilespmem:$0x1FF70];
	v10 =	vmul.f32 v48, v22;
	v0 =	vadd.f32 v19, v0;
	v8 =	vadd.f32 v58, v8  }
0x149: {  	v62 =	vld.idx.msk [tilespmem:v23+s3+$0x0], $0xffff;
	v6 =	vadd.f32 v16, v6  }
0x14a: {  	v39 =	vld [tilespmem:$0x1FF50];
	v0 =	vadd.f32 v17, v0;
	v8 =	vadd.f32 v10, v8;
	v28 =	vmul.f32 v56, v27  }
0x14b: {  	v6 =	vadd.f32 v14, v6;
	v14 =	vld.idx.msk [tilespmem:v21+s3+$0x0], $0xffff  }
0x14c: {  	v33 =	vmul.f32 v60, v32;
	v0 =	vadd.f32 v15, v0;
	v8 =	vadd.f32 v28, v8;
	_ =	sdelay $0x1  }
0x14d: {  	v16 =	vmul.f32 v62, v37;
	v0 =	vadd.f32 v3, v0;
	v35 =	vld.idx.msk [tilespmem:v34+s3+$0x0], $0xffff;
	v3 =	vadd.f32 v33, v8  }
0x14e: {  	v38 =	vld.idx.msk [tilespmem:v12+s3+$0x0], $0xffff  }
0x14f: {  	v0 =	vadd.f32 v2, v0;
	v2 =	vadd.f32 v16, v3;
	v3 =	vld.idx.msk [tilespmem:v12+s16+$0x0], $0xffff;
	v12 =	vmul.f32 v14, v39  }
0x150: {  	v36 =	vld.idx.msk [tilespmem:v34+s16+$0x0], $0xffff  }
0x151: {  	v2 =	vadd.f32 v12, v2;
	v12 =	vld [tilespmem:$0x1FF30];
	_ =	sdelay $0x1  }
0x152: {  	v43 =	vld [tilespmem:$0x1FF20]  }
0x153: {  	v14 =	vld [tilespmem:$0x1FF80]  }
0x154: {  	v25 =	vld.idx.msk [tilespmem:v23+s16+$0x0], $0xffff  }
0x155: {  	v1 =	vadd.f32 v1, v6;
	v6 =	vmul.f32 v35, v12;
	v8 =	vmul.f32 v36, v12;
	v12 =	vld [tilespmem:$0x1FF60]  }
0x156: {  	v15 =	vld.idx.msk [tilespmem:v21+s16+$0x0], $0xffff  }
0x157: {  	v47 =	vld [tilespmem:$0x1FF40]  }
0x158: {  	v50 =	vld [tilespmem:$0x1FF10]  }
0x159: {  	v10 =	vmul.f32 v25, v37;
	v62 =	vld [tilespmem:$0x1FEF0];
	v1 =	vadd.f32 v9, v1  }
0x15a: {  	v52 =	vmul.f32 v52, v63;
	v57 =	vld [tilespmem:$0x1FF00]  }
0x15b: {  	v40 =	vmul.f32 v15, v39;
	v1 =	vadd.f32 v13, v1;
	v10 =	vadd.f32 v10, v11;
	v13 =	vld.idx.msk [tilespmem:v14+s3+$0x0], $0xffff  }
0x15c: {  	v60 =	vmul.f32 v31, v55;
	v56 =	vmul.f32 v53, v63;
	v41 =	vld.idx.msk [tilespmem:v14+s16+$0x0], $0xffff  }
0x15d: {  	v0 =	vadd.f32 v4, v0;
	v61 =	vmul.f32 v49, v55;
	v10 =	vadd.f32 v40, v10;
	v42 =	vld.idx.msk [tilespmem:v12+s3+$0x0], $0xffff  }
0x15e: {  	v1 =	vadd.f32 v5, v1;
	v44 =	vmul.f32 v38, v43;
	v2 =	vadd.f32 v6, v2;
	v46 =	vld.idx.msk [tilespmem:v12+s16+$0x0], $0xffff  }
0x15f: {  	v48 =	vld.idx.msk [tilespmem:v47+s3+$0x0], $0xffff;
	v0 =	vadd.f32 v7, v0;
	v3 =	vmul.f32 v3, v43;
	v45 =	vadd.f32 v8, v10  }
0x160: {  	v54 =	vld.idx.msk [tilespmem:v47+s16+$0x0], $0xffff;
	v1 =	vadd.f32 v51, v1;
	v2 =	vadd.f32 v44, v2;
	v51 =	vmul.f32 v13, v50  }
0x161: {  	v0 =	vadd.f32 v30, v0;
	v3 =	vadd.f32 v3, v45;
	v4 =	vmul.f32 v41, v50  }
0x162: {  	v1 =	vadd.f32 v26, v1;
	v2 =	vadd.f32 v51, v2;
	v58 =	vmul.f32 v42, v57  }
0x163: {  	v0 =	vadd.f32 v29, v0;
	v3 =	vadd.f32 v4, v3;
	v59 =	vmul.f32 v46, v57  }
0x164: {  	v63 =	vmul.f32 v48, v62;
	v1 =	vadd.f32 v52, v1;
	v2 =	vadd.f32 v58, v2  }
0x165: {  	v5 =	vmul.f32 v54, v62;
	v0 =	vadd.f32 v56, v0;
	v3 =	vadd.f32 v59, v3  }
0x166: {  	v1 =	vadd.f32 v60, v1;
	v2 =	vadd.f32 v63, v2  }
0x167: {  	v0 =	vadd.f32 v61, v0;
	v3 =	vadd.f32 v5, v3  }
0x168: {  	v1 =	vadd.f32 v2, v1;
	v2 =	vld [tilespmem:$0x1FFD0]  }
0x169: {  	v0 =	vadd.f32 v3, v0;
	v3 =	vld [tilespmem:$0x1FFE0];
	_ =	sdelay $0x3  }
0x16a: {  	s22 =	sadd.s32 $0x1, s22;
	v2 =	vor.u32 s23, v2  }
0x16b: {  	p1 =	sne.s32 s22, s9;
	vm0 =	vne.s32 v2, $0x0;
	vm1 =	vne.s32 v2, v3;
	v2 =	vld [tilespmem:$0x1FEE0]  }
.Ltmp3:
0x16c: {  	v1 =	vand.u32 $0x7FFFFFFF, v1;
	v0 =	vand.u32 $0x7FFFFFFF, v0;
	(pc) =	sbr.rel @p1 .LBB2_2-.Ltmp3, $4  }
0x16d: {  	v0 =	vadd.f32 v0, v1  }
0x16e: {  	vm0 =	vmand vm0, vm1  }
0x16f: {  	v0 =	vnsel vm0, $0x0, v0  }
0x170: {  	v14 =	vlaneseq.u32;
	v1 =	vld [tilespmem:$0x1FFF0];
	v0 =	vadd.f32 v0, v2  }
.Ltmp4:
0x171: {  	(pc) =	sbr.rel @p0 .LBB2_9-.Ltmp4, $1  }
0x172: {  	_ =	sdelay $0x3  }
0x173: {  	[tilespmem:$0x1FEE0] =	vst v0;
	s22 =	simm.s32 $0x0  }
0x174: {  	[tilespmem:s18], [sflag:$0x1] =	stream.linear.gather [hbm4b:s11+s22], $0xA00, $0x38;
	[tilespmem:$0x1C6C0] =	vst v63  }
0x175: {  	v0 =	vmov s22;
	_ =	swait.ge [sflag:s15], $0xA00  }
0x176: {  	v0 =	vshll.u32 v0, $0x5;
	[sflag:s15] =	ssyncset.done $0x0  }
0x177: {  	v0 =	vor.u32 v1, v0;
	[sflag:s15] =	ssyncadd.s32 $0xFFFFF600  }
0x178: {  	[tilespmem:s19], [sflag:$0x1] =	stream.linear.gather [hbm4b:s12+s22], $0xA00, $0x38;
	[tilespmem:$0x1C6C0] =	vst v63  }
0x179: {  	v1 =	vor.u32 $0x1E, v0;
	_ =	swait.ge [sflag:s15], $0xA00  }
0x17a: {  	v5 =	vor.u32 $0x1A, v0;
	[sflag:s15] =	ssyncset.done $0x0  }
0x17b: {  	v8 =	vor.u32 $0x18, v0;
	[sflag:s15] =	ssyncadd.s32 $0xFFFFF600  }
0x17c: {  	v10 =	vor.u32 $0x16, v0;
	v26 =	vld.idx.msk [tilespmem:v0+s19+$0x0], $0xffff  }
0x17d: {  	v50 =	vld.idx.msk [tilespmem:v0+s18+$0x0], $0xffff  }
0x17e: {  	v2 =	vor.u32 $0x1F, v0;
	v6 =	vld.idx.msk [tilespmem:v1+s19+$0x0], $0xffff  }
0x17f: {  	v12 =	vor.u32 $0x14, v0;
	v30 =	vld.idx.msk [tilespmem:v5+s19+$0x0], $0xffff  }
0x180: {  	v3 =	vor.u32 $0x1C, v0;
	v31 =	vld.idx.msk [tilespmem:v8+s19+$0x0], $0xffff  }
0x181: {  	v14 =	vor.u32 $0x12, v0;
	v34 =	vld.idx.msk [tilespmem:v10+s19+$0x0], $0xffff  }
0x182: {  	v52 =	vld.idx.msk [tilespmem:v1+s18+$0x0], $0xffff  }
0x183: {  	v25 =	vor.u32 $0x10, v0;
	v1 =	vld.idx.msk [tilespmem:v2+s18+$0x0], $0xffff  }
0x184: {  	v35 =	vld.idx.msk [tilespmem:v12+s19+$0x0], $0xffff  }
0x185: {  	v28 =	vor.u32 $0xE, v0;
	v53 =	vld.idx.msk [tilespmem:v3+s18+$0x0], $0xffff  }
0x186: {  	v37 =	vld.idx.msk [tilespmem:v14+s19+$0x0], $0xffff  }
0x187: {  	v13 =	vor.u32 $0x15, v0;
	v5 =	vld.idx.msk [tilespmem:v5+s18+$0x0], $0xffff  }
0x188: {  	v32 =	vor.u32 $0xA, v0;
	v38 =	vld.idx.msk [tilespmem:v25+s19+$0x0], $0xffff  }
0x189: {  	v58 =	vld.idx.msk [tilespmem:v8+s18+$0x0], $0xffff  }
0x18a: {  	v57 =	vor.u32 $0x4, v0;
	v40 =	vld.idx.msk [tilespmem:v28+s19+$0x0], $0xffff  }
0x18b: {  	v59 =	vor.u32 $0x5, v0;
	v10 =	vld.idx.msk [tilespmem:v10+s18+$0x0], $0xffff  }
0x18c: {  	v21 =	vld.idx.msk [tilespmem:v13+s18+$0x0], $0xffff  }
0x18d: {  	v43 =	vld.idx.msk [tilespmem:v32+s19+$0x0], $0xffff  }
0x18e: {  	v8 =	vor.u32 $0xC, v0;
	v55 =	vld.idx.msk [tilespmem:v28+s18+$0x0], $0xffff  }
0x18f: {  	v48 =	vld.idx.msk [tilespmem:v57+s19+$0x0], $0xffff  }
0x190: {  	v28 =	vor.u32 $0x2, v0;
	v39 =	vld.idx.msk [tilespmem:v59+s19+$0x0], $0xffff  }
0x191: {  	[tilespmem:$0x1FDC0] =	vst v6;
	v6 =	vld.idx.msk [tilespmem:v2+s19+$0x0], $0xffff  }
0x192: {  	[tilespmem:$0x1FE30] =	vst v1;
	v1 =	vld.idx.msk [tilespmem:v13+s19+$0x0], $0xffff  }
0x193: {  	v4 =	vor.u32 $0x1D, v0;
	v42 =	vld.idx.msk [tilespmem:v8+s19+$0x0], $0xffff  }
0x194: {  	v2 =	vor.u32 $0x13, v0;
	v56 =	vld.idx.msk [tilespmem:v8+s18+$0x0], $0xffff  }
0x195: {  	v13 =	vor.u32 $0x9, v0;
	v49 =	vld.idx.msk [tilespmem:v28+s19+$0x0], $0xffff  }
0x196: {  	v62 =	vld.idx.msk [tilespmem:v28+s18+$0x0], $0xffff  }
0x197: {  	v8 =	vor.u32 $0x1, v0;
	[tilespmem:$0x1FDD0] =	vst v6;
	v6 =	vld.idx.msk [tilespmem:v3+s19+$0x0], $0xffff  }
0x198: {  	[tilespmem:$0x1FE40] =	vst v1;
	v1 =	vld.idx.msk [tilespmem:v4+s18+$0x0], $0xffff  }
0x199: {  	v23 =	vld.idx.msk [tilespmem:v2+s18+$0x0], $0xffff  }
0x19a: {  	v27 =	vld.idx.msk [tilespmem:v13+s19+$0x0], $0xffff  }
0x19b: {  	v3 =	vld.idx.msk [tilespmem:v25+s18+$0x0], $0xffff  }
0x19c: {  	v51 =	vld.idx.msk [tilespmem:v8+s19+$0x0], $0xffff  }
0x19d: {  	v7 =	vor.u32 $0x1B, v0;
	[tilespmem:$0x1FE50] =	vst v1;
	v1 =	vld.idx.msk [tilespmem:v2+s19+$0x0], $0xffff  }
0x19e: {  	v47 =	vld.idx.msk [tilespmem:v13+s18+$0x0], $0xffff  }
0x19f: {  	[tilespmem:$0x1FDE0] =	vst v6;
	v6 =	vld.idx.msk [tilespmem:v4+s19+$0x0], $0xffff  }
0x1a0: {  	v60 =	vld.idx.msk [tilespmem:v8+s18+$0x0], $0xffff;
	v4 =	vor.u32 $0x11, v0  }
0x1a1: {  	v13 =	vld.idx.msk [tilespmem:v5+s3+$0x0], $0xffff;
	v2 =	vor.u32 $0x7, v0  }
0x1a2: {  	[tilespmem:$0x1FE60] =	vst v1;
	v1 =	vld.idx.msk [tilespmem:v7+s18+$0x0], $0xffff  }
0x1a3: {  	v8 =	vld.idx.msk [tilespmem:v5+s16+$0x0], $0xffff  }
0x1a4: {  	v9 =	vor.u32 $0x19, v0;
	[tilespmem:$0x1FDF0] =	vst v6;
	v6 =	vld.idx.msk [tilespmem:v7+s19+$0x0], $0xffff  }
0x1a5: {  	v7 =	vor.u32 $0xF, v0;
	v25 =	vld.idx.msk [tilespmem:v4+s18+$0x0], $0xffff  }
0x1a6: {  	v33 =	vld.idx.msk [tilespmem:v2+s19+$0x0], $0xffff  }
0x1a7: {  	[tilespmem:$0x1FE70] =	vst v1;
	v1 =	vld.idx.msk [tilespmem:v4+s19+$0x0], $0xffff  }
0x1a8: {  	v54 =	vld.idx.msk [tilespmem:v2+s18+$0x0], $0xffff  }
0x1a9: {  	v11 =	vor.u32 $0x17, v0;
	[tilespmem:$0x1FE00] =	vst v6;
	v6 =	vld.idx.msk [tilespmem:v9+s19+$0x0], $0xffff  }
0x1aa: {  	v20 =	vld.idx.msk [tilespmem:v7+s19+$0x0], $0xffff  }
0x1ab: {  	v29 =	vld.idx.msk [tilespmem:v7+s18+$0x0], $0xffff;
	v7 =	vor.u32 $0x3, v0  }
0x1ac: {  	[tilespmem:$0x1FE80] =	vst v1;
	v1 =	vld.idx.msk [tilespmem:v9+s18+$0x0], $0xffff  }
0x1ad: {  	v4 =	vld.idx.msk [tilespmem:v32+s18+$0x0], $0xffff;
	v9 =	vor.u32 $0xD, v0  }
0x1ae: {  	[tilespmem:$0x1FE10] =	vst v6;
	v6 =	vld.idx.msk [tilespmem:v11+s19+$0x0], $0xffff  }
0x1af: {  	v32 =	vld.idx.msk [tilespmem:v52+s3+$0x0], $0xffff  }
0x1b0: {  	v45 =	vld.idx.msk [tilespmem:v7+s19+$0x0], $0xffff  }
0x1b1: {  	[tilespmem:$0x1FE90] =	vst v1;
	v1 =	vld.idx.msk [tilespmem:v11+s18+$0x0], $0xffff;
	v11 =	vor.u32 $0xB, v0  }
0x1b2: {  	v22 =	vld.idx.msk [tilespmem:v9+s19+$0x0], $0xffff  }
0x1b3: {  	[tilespmem:$0x1FE20] =	vst v6;
	v6 =	vld.idx.msk [tilespmem:v12+s18+$0x0], $0xffff;
	v12 =	vor.u32 $0x8, v0  }
0x1b4: {  	v36 =	vld.idx.msk [tilespmem:v9+s18+$0x0], $0xffff  }
0x1b5: {  	v9 =	vld.idx.msk [tilespmem:v50+s3+$0x0], $0xffff  }
0x1b6: {  	v24 =	vld.idx.msk [tilespmem:v11+s19+$0x0], $0xffff  }
0x1b7: {  	[tilespmem:$0x1FEA0] =	vst v1;
	v1 =	vld.idx.msk [tilespmem:v14+s18+$0x0], $0xffff  }
0x1b8: {  	v44 =	vld.idx.msk [tilespmem:v12+s19+$0x0], $0xffff  }
0x1b9: {  	v41 =	vld.idx.msk [tilespmem:v11+s18+$0x0], $0xffff  }
0x1ba: {  	v63 =	vld.idx.msk [tilespmem:v12+s18+$0x0], $0xffff  }
0x1bb: {  	v14 =	vor.u32 $0x6, v0;
	v0 =	vld.idx.msk [tilespmem:v57+s18+$0x0], $0xffff  }
0x1bc: {  	v57 =	vld.idx.msk [tilespmem:v59+s18+$0x0], $0xffff  }
0x1bd: {  	v59 =	vld.idx.msk [tilespmem:v7+s18+$0x0], $0xffff  }
0x1be: {  	v11 =	vld.idx.msk [tilespmem:v50+s16+$0x0], $0xffff  }
0x1bf: {  	v50 =	vld.idx.msk [tilespmem:v52+s16+$0x0], $0xffff  }
0x1c0: {  	v52 =	vld.idx.msk [tilespmem:v53+s3+$0x0], $0xffff  }
0x1c1: {  	v53 =	vld.idx.msk [tilespmem:v53+s16+$0x0], $0xffff  }
0x1c2: {  	v12 =	vld.idx.msk [tilespmem:v58+s3+$0x0], $0xffff  }
0x1c3: {  	v7 =	vld.idx.msk [tilespmem:v10+s3+$0x0], $0xffff  }
0x1c4: {  	v10 =	vld.idx.msk [tilespmem:v10+s16+$0x0], $0xffff  }
0x1c5: {  	v46 =	vld.idx.msk [tilespmem:v14+s19+$0x0], $0xffff  }
0x1c6: {  	v61 =	vld.idx.msk [tilespmem:v14+s18+$0x0], $0xffff  }
0x1c7: {  	v14 =	vld.idx.msk [tilespmem:v58+s16+$0x0], $0xffff  }
0x1c8: {  	v58 =	vld.idx.msk [tilespmem:v6+s3+$0x0], $0xffff  }
0x1c9: {  	v6 =	vld.idx.msk [tilespmem:v6+s16+$0x0], $0xffff  }
0x1ca: {  	v5 =	vld.idx.msk [tilespmem:v1+s3+$0x0], $0xffff  }
0x1cb: {  	v2 =	vld.idx.msk [tilespmem:v1+s16+$0x0], $0xffff  }
0x1cc: {  	v15 =	vimm.f32 $0.0e+00;
	v1 =	vld.idx.msk [tilespmem:v3+s3+$0x0], $0xffff  }
0x1cd: {  	s23 =	simm.s32 $0x10;
	[tilespmem:$0x1FEB0] =	vst v15;
	v3 =	vld.idx.msk [tilespmem:v3+s16+$0x0], $0xffff  }
.LBB2_7:
0x1ce: {  	v28 =	vld.idx.msk [tilespmem:v55+s3+$0x0], $0xffff  }
0x1cf: {  	v18 =	vld [tilespmem:$0x1FDC0]  }
0x1d0: {  	v55 =	vld.idx.msk [tilespmem:v55+s16+$0x0], $0xffff  }
0x1d1: {  	v15 =	vld.idx.msk [tilespmem:v56+s3+$0x0], $0xffff  }
0x1d2: {  	v56 =	vld.idx.msk [tilespmem:v56+s16+$0x0], $0xffff  }
0x1d3: {  	v16 =	vld.idx.msk [tilespmem:v4+s3+$0x0], $0xffff  }
0x1d4: {  	v4 =	vld.idx.msk [tilespmem:v4+s16+$0x0], $0xffff;
	v19 =	vmul.f32 v32, v18  }
0x1d5: {  	v17 =	vld.idx.msk [tilespmem:v63+s3+$0x0], $0xffff  }
0x1d6: {  	v9 =	vmul.f32 v9, v26;
	v18 =	vmul.f32 v50, v18;
	[tilespmem:$0x1FDA0] =	vst v19;
	v19 =	vld [tilespmem:$0x1FDE0]  }
0x1d7: {  	v13 =	vmul.f32 v13, v30;
	v30 =	vmul.f32 v8, v30;
	v8 =	vld.idx.msk [tilespmem:v61+s16+$0x0], $0xffff  }
0x1d8: {  	v11 =	vmul.f32 v11, v26;
	v12 =	vmul.f32 v12, v31;
	[tilespmem:$0x1FDB0] =	vst v18;
	v18 =	vld.idx.msk [tilespmem:v63+s16+$0x0], $0xffff  }
0x1d9: {  	v31 =	vmul.f32 v14, v31;
	v14 =	vmov s23;
	v63 =	vmul.f32 v2, v37;
	v2 =	vld.idx.msk [tilespmem:v62+s16+$0x0], $0xffff  }
0x1da: {  	v7 =	vmul.f32 v7, v34;
	v34 =	vmul.f32 v10, v34;
	v10 =	vshll.u32 v14, $0x5;
	v14 =	vld.idx.msk [tilespmem:v0+s16+$0x0], $0xffff  }
0x1db: {  	v26 =	vmul.f32 v52, v19;
	v50 =	vmul.f32 v53, v19;
	v19 =	vld.idx.msk [tilespmem:v61+s3+$0x0], $0xffff  }
0x1dc: {  	v61 =	vmul.f32 v6, v35;
	v6 =	vld.idx.msk [tilespmem:v62+s3+$0x0], $0xffff  }
0x1dd: {  	[tilespmem:$0x1FD90] =	vst v26;
	v26 =	vld.idx.msk [tilespmem:v0+s3+$0x0], $0xffff  }
0x1de: {  	v11 =	vadd.f32 $0.0e+00, v11;
	v2 =	vmul.f32 v2, v49;
	v0 =	vld [tilespmem:$0x1FFF0]  }
0x1df: {  	v62 =	vld.idx.msk [tilespmem:v57+s3+$0x0], $0xffff  }
0x1e0: {  	v2 =	vadd.f32 v2, v11;
	v11 =	vld.idx.msk [tilespmem:v41+s3+$0x0], $0xffff  }
0x1e1: {  	v8 =	vmul.f32 v8, v46;
	v19 =	vmul.f32 v19, v46;
	v46 =	vld.idx.msk [tilespmem:v57+s16+$0x0], $0xffff  }
0x1e2: {  	v14 =	vmul.f32 v14, v48;
	v57 =	vld.idx.msk [tilespmem:v47+s3+$0x0], $0xffff  }
0x1e3: {  	v32 =	vor.u32 v0, v10;
	v0 =	vmul.f32 v5, v37;
	v5 =	vld.idx.msk [tilespmem:v60+s3+$0x0], $0xffff  }
0x1e4: {  	v2 =	vadd.f32 v14, v2;
	v10 =	vmul.f32 v28, v40;
	v28 =	vmul.f32 v55, v40;
	v55 =	vld.idx.msk [tilespmem:v60+s16+$0x0], $0xffff  }
0x1e5: {  	v9 =	vadd.f32 $0.0e+00, v9;
	v6 =	vmul.f32 v6, v49;
	v60 =	vld.idx.msk [tilespmem:v59+s3+$0x0], $0xffff  }
0x1e6: {  	v18 =	vmul.f32 v18, v44;
	v2 =	vadd.f32 v8, v2;
	v59 =	vld.idx.msk [tilespmem:v59+s16+$0x0], $0xffff  }
0x1e7: {  	v26 =	vmul.f32 v26, v48;
	v48 =	vld.idx.msk [tilespmem:v54+s3+$0x0], $0xffff;
	v6 =	vadd.f32 v6, v9  }
0x1e8: {  	v2 =	vadd.f32 v18, v2;
	v18 =	vld.idx.msk [tilespmem:v21+s3+$0x0], $0xffff  }
0x1e9: {  	v6 =	vadd.f32 v26, v6;
	v26 =	vld.idx.msk [tilespmem:v36+s3+$0x0], $0xffff  }
0x1ea: {  	v9 =	vmul.f32 v62, v39;
	v62 =	vmul.f32 v46, v39;
	v46 =	vld.idx.msk [tilespmem:v41+s16+$0x0], $0xffff  }
0x1eb: {  	v8 =	vmul.f32 v57, v27;
	v57 =	vld [tilespmem:$0x1FE90];
	v5 =	vmul.f32 v5, v51  }
0x1ec: {  	v15 =	vmul.f32 v15, v42;
	v6 =	vadd.f32 v19, v6;
	v19 =	vld.idx.msk [tilespmem:v29+s3+$0x0], $0xffff;
	v49 =	vmul.f32 v55, v51  }
0x1ed: {  	v17 =	vmul.f32 v17, v44;
	v51 =	vld.idx.msk [tilespmem:v54+s16+$0x0], $0xffff;
	v54 =	vmul.f32 v60, v45;
	v5 =	vadd.f32 $0.0e+00, v5  }
0x1ee: {  	v4 =	vmul.f32 v4, v43;
	v59 =	vmul.f32 v59, v45;
	v60 =	vld.idx.msk [tilespmem:v47+s16+$0x0], $0xffff;
	v49 =	vadd.f32 $0.0e+00, v49  }
0x1ef: {  	v16 =	vmul.f32 v16, v43;
	v55 =	vld.idx.msk [tilespmem:v23+s3+$0x0], $0xffff;
	v6 =	vadd.f32 v17, v6;
	v5 =	vadd.f32 v54, v5  }
0x1f0: {  	v2 =	vadd.f32 v4, v2;
	v4 =	vmul.f32 v26, v22;
	v26 =	vld.idx.msk [tilespmem:v32+s19+$0x0], $0xffff;
	v45 =	vadd.f32 v59, v49  }
0x1f1: {  	v14 =	vmul.f32 v48, v33;
	v6 =	vadd.f32 v16, v6;
	v54 =	vld.idx.msk [tilespmem:v25+s3+$0x0], $0xffff;
	v5 =	vadd.f32 v9, v5  }
0x1f2: {  	v1 =	vmul.f32 v1, v38;
	v59 =	vld [tilespmem:$0x1FE70];
	v49 =	vmul.f32 v51, v33;
	v9 =	vadd.f32 v62, v45  }
0x1f3: {  	v56 =	vmul.f32 v56, v42;
	v51 =	vld.idx.msk [tilespmem:v36+s16+$0x0], $0xffff;
	v6 =	vadd.f32 v15, v6;
	v5 =	vadd.f32 v14, v5  }
0x1f4: {  	v15 =	vmul.f32 v19, v20;
	v19 =	vld [tilespmem:$0x1FE80];
	v9 =	vadd.f32 v49, v9;
	v14 =	vmul.f32 v60, v27  }
0x1f5: {  	v11 =	vmul.f32 v11, v24;
	v2 =	vadd.f32 v56, v2;
	v27 =	vld.idx.msk [tilespmem:v29+s16+$0x0], $0xffff;
	v5 =	vadd.f32 v8, v5  }
0x1f6: {  	v62 =	vld [tilespmem:$0x1FE30];
	v6 =	vadd.f32 v10, v6;
	v8 =	vadd.f32 v14, v9;
	v9 =	vmul.f32 v46, v24  }
0x1f7: {  	v3 =	vmul.f32 v3, v38;
	v2 =	vadd.f32 v28, v2;
	v60 =	vld [tilespmem:$0x1FE20];
	v5 =	vadd.f32 v11, v5  }
0x1f8: {  	v1 =	vadd.f32 v1, v6;
	v14 =	vld.idx.msk [tilespmem:v25+s16+$0x0], $0xffff;
	v8 =	vadd.f32 v9, v8;
	v9 =	vmul.f32 v51, v22  }
0x1f9: {  	v2 =	vadd.f32 v3, v2;
	v11 =	vld.idx.msk [tilespmem:v23+s16+$0x0], $0xffff;
	v4 =	vadd.f32 v4, v5  }
0x1fa: {  	v0 =	vadd.f32 v0, v1;
	v5 =	vadd.f32 v9, v8;
	v8 =	vmul.f32 v27, v20;
	v20 =	vld [tilespmem:$0x1FEA0]  }
0x1fb: {  	v1 =	vadd.f32 v63, v2;
	v4 =	vadd.f32 v15, v4;
	v15 =	vld [tilespmem:$0x1FE60]  }
0x1fc: {  	v58 =	vmul.f32 v58, v35;
	v6 =	vld.idx.msk [tilespmem:v57+s3+$0x0], $0xffff  }
0x1fd: {  	v42 =	vor.u32 $0x16, v32;
	v1 =	vadd.f32 v61, v1;
	v61 =	vld [tilespmem:$0x1FE50]  }
0x1fe: {  	v0 =	vadd.f32 v58, v0;
	v58 =	vld.idx.msk [tilespmem:v32+s18+$0x0], $0xffff;
	v5 =	vadd.f32 v8, v5;
	v8 =	vmul.f32 v14, v19  }
0x1ff: {  	v10 =	vmul.f32 v54, v19;
	v9 =	vld.idx.msk [tilespmem:v21+s16+$0x0], $0xffff  }
0x200: {  	v5 =	vadd.f32 v8, v5;
	v3 =	vmul.f32 v55, v15;
	v8 =	vmul.f32 v11, v15;
	v15 =	vld [tilespmem:$0x1FE40]  }
0x201: {  	v0 =	vadd.f32 v7, v0;
	v7 =	vld.idx.msk [tilespmem:v62+s3+$0x0], $0xffff  }
0x202: {  	v4 =	vadd.f32 v10, v4;
	v14 =	vld.idx.msk [tilespmem:v20+s16+$0x0], $0xffff  }
0x203: {  	v40 =	vor.u32 $0x18, v32;
	v1 =	vadd.f32 v34, v1;
	v34 =	vld.idx.msk [tilespmem:v42+s19+$0x0], $0xffff  }
0x204: {  	v0 =	vadd.f32 v12, v0;
	v12 =	vld [tilespmem:$0x1FE00];
	v3 =	vadd.f32 v3, v4  }
0x205: {  	v10 =	vld.idx.msk [tilespmem:v57+s16+$0x0], $0xffff;
	v4 =	vadd.f32 v8, v5;
	v2 =	vmul.f32 v18, v15;
	v5 =	vmul.f32 v9, v15  }
0x206: {  	v11 =	vld.idx.msk [tilespmem:v59+s3+$0x0], $0xffff  }
0x207: {  	v2 =	vadd.f32 v2, v3;
	v3 =	vadd.f32 v5, v4;
	v4 =	vmul.f32 v14, v60;
	v14 =	vld [tilespmem:$0x1FE10]  }
0x208: {  	v38 =	vor.u32 $0x1A, v32;
	v1 =	vadd.f32 v31, v1;
	v31 =	vld.idx.msk [tilespmem:v40+s19+$0x0], $0xffff  }
0x209: {  	v53 =	vor.u32 $0x1E, v32;
	v56 =	vld.idx.msk [tilespmem:v20+s3+$0x0], $0xffff  }
0x20a: {  	v8 =	vld.idx.msk [tilespmem:v59+s16+$0x0], $0xffff  }
0x20b: {  	v37 =	vor.u32 $0x1C, v32;
	v1 =	vadd.f32 v30, v1;
	v5 =	vld.idx.msk [tilespmem:v61+s16+$0x0], $0xffff  }
0x20c: {  	v3 =	vadd.f32 v4, v3;
	v4 =	vmul.f32 v10, v14;
	v10 =	vmul.f32 v11, v12;
	v11 =	vld [tilespmem:$0x1FDF0]  }
0x20d: {  	v43 =	vor.u32 $0x19, v32;
	v30 =	vld.idx.msk [tilespmem:v38+s19+$0x0], $0xffff  }
0x20e: {  	v1 =	vadd.f32 v50, v1;
	v50 =	vld.idx.msk [tilespmem:v53+s18+$0x0], $0xffff;
	v18 =	vor.u32 $0x6, v32;
	v9 =	vmul.f32 v56, v60  }
0x20f: {  	v15 =	vld.idx.msk [tilespmem:v61+s3+$0x0], $0xffff;
	v3 =	vadd.f32 v4, v3;
	v4 =	vmul.f32 v8, v12  }
0x210: {  	v2 =	vadd.f32 v9, v2;
	v9 =	vld.idx.msk [tilespmem:v62+s16+$0x0], $0xffff  }
0x211: {  	v6 =	vmul.f32 v6, v14;
	v3 =	vadd.f32 v4, v3;
	v4 =	vmul.f32 v5, v11;
	v5 =	vld.idx.msk [tilespmem:v37+s19+$0x0], $0xffff  }
0x212: {  	v12 =	vld.idx.msk [tilespmem:v43+s18+$0x0], $0xffff  }
0x213: {  	v46 =	vld.idx.msk [tilespmem:v18+s19+$0x0], $0xffff;
	v2 =	vadd.f32 v6, v2  }
0x214: {  	v35 =	vor.u32 $0x1F, v32;
	v6 =	vld.idx.msk [tilespmem:v53+s19+$0x0], $0xffff  }
0x215: {  	v2 =	vadd.f32 v10, v2;
	v10 =	vld [tilespmem:$0x1FDD0]  }
0x216: {  	v52 =	vor.u32 $0x1D, v32;
	[tilespmem:$0x1FDE0] =	vst v5;
	v5 =	vld [tilespmem:$0x1FD90]  }
0x217: {  	v61 =	vld.idx.msk [tilespmem:v18+s18+$0x0], $0xffff;
	[tilespmem:$0x1FE90] =	vst v12;
	v12 =	vor.u32 $0xD, v32  }
0x218: {  	v44 =	vor.u32 $0x1B, v32;
	v14 =	vld.idx.msk [tilespmem:v40+s18+$0x0], $0xffff  }
0x219: {  	v0 =	vadd.f32 v13, v0;
	v8 =	vld.idx.msk [tilespmem:v35+s19+$0x0], $0xffff;
	[tilespmem:$0x1FDC0] =	vst v6;
	v6 =	vmul.f32 v15, v11  }
0x21a: {  	v3 =	vadd.f32 v4, v3;
	v15 =	vld.idx.msk [tilespmem:v42+s18+$0x0], $0xffff;
	v4 =	vmul.f32 v9, v10;
	v9 =	vor.u32 $0xE, v32  }
0x21b: {  	v0 =	vadd.f32 v5, v0;
	v5 =	vmul.f32 v7, v10;
	v7 =	vld.idx.msk [tilespmem:v52+s19+$0x0], $0xffff  }
0x21c: {  	v22 =	vld.idx.msk [tilespmem:v12+s19+$0x0], $0xffff  }
0x21d: {  	v10 =	vld.idx.msk [tilespmem:v44+s18+$0x0], $0xffff  }
0x21e: {  	v36 =	vld.idx.msk [tilespmem:v12+s18+$0x0], $0xffff  }
0x21f: {  	v3 =	vadd.f32 v4, v3;
	v4 =	vor.u32 $0x14, v32;
	v40 =	vld.idx.msk [tilespmem:v9+s19+$0x0], $0xffff  }
0x220: {  	[tilespmem:$0x1FDF0] =	vst v7;
	v7 =	vld [tilespmem:$0x1FDA0]  }
0x221: {  	v55 =	vld.idx.msk [tilespmem:v9+s18+$0x0], $0xffff;
	v9 =	vor.u32 $0x2, v32  }
0x222: {  	v12 =	vld.idx.msk [tilespmem:v14+s3+$0x0], $0xffff;
	[tilespmem:$0x1FE70] =	vst v10;
	v10 =	vor.u32 $0xF, v32  }
0x223: {  	v14 =	vld.idx.msk [tilespmem:v14+s16+$0x0], $0xffff  }
0x224: {  	v16 =	vld.idx.msk [tilespmem:v4+s18+$0x0], $0xffff  }
0x225: {  	v0 =	vadd.f32 v7, v0;
	v7 =	vld [tilespmem:$0x1FDB0]  }
0x226: {  	v49 =	vld.idx.msk [tilespmem:v9+s19+$0x0], $0xffff  }
0x227: {  	v63 =	vor.u32 $0x8, v32;
	v20 =	vld.idx.msk [tilespmem:v10+s19+$0x0], $0xffff  }
0x228: {  	v29 =	vld.idx.msk [tilespmem:v10+s18+$0x0], $0xffff;
	v10 =	vor.u32 $0x3, v32  }
0x229: {  	v62 =	vld.idx.msk [tilespmem:v9+s18+$0x0], $0xffff  }
0x22a: {  	v1 =	vadd.f32 v7, v1;
	v7 =	vld.idx.msk [tilespmem:v44+s19+$0x0], $0xffff  }
0x22b: {  	v9 =	vld.idx.msk [tilespmem:v58+s3+$0x0], $0xffff  }
0x22c: {  	v44 =	vld.idx.msk [tilespmem:v63+s19+$0x0], $0xffff  }
0x22d: {  	v2 =	vadd.f32 v6, v2;
	v6 =	vor.u32 $0x17, v32;
	v45 =	vld.idx.msk [tilespmem:v10+s19+$0x0], $0xffff  }
0x22e: {  	v63 =	vld.idx.msk [tilespmem:v63+s18+$0x0], $0xffff  }
0x22f: {  	v59 =	vld.idx.msk [tilespmem:v10+s18+$0x0], $0xffff;
	[tilespmem:$0x1FE00] =	vst v7;
	v7 =	vadd.f32 v5, v2  }
0x230: {  	v5 =	vld.idx.msk [tilespmem:v43+s19+$0x0], $0xffff  }
0x231: {  	v13 =	vor.u32 $0xA, v32;
	v0 =	vadd.f32 v7, v0;
	v7 =	vld.idx.msk [tilespmem:v52+s18+$0x0], $0xffff  }
0x232: {  	v1 =	vadd.f32 v3, v1;
	v3 =	vld.idx.msk [tilespmem:v6+s19+$0x0], $0xffff  }
0x233: {  	v6 =	vld.idx.msk [tilespmem:v6+s18+$0x0], $0xffff;
	v2 =	vmov v8  }
0x234: {  	v10 =	vld.idx.msk [tilespmem:v15+s16+$0x0], $0xffff;
	[tilespmem:$0x1FDD0] =	vst v2;
	v2 =	vor.u32 $0x15, v32  }
0x235: {  	[tilespmem:$0x1FE10] =	vst v5;
	v5 =	vld.idx.msk [tilespmem:v35+s18+$0x0], $0xffff  }
0x236: {  	v43 =	vld.idx.msk [tilespmem:v13+s19+$0x0], $0xffff;
	[tilespmem:$0x1FE50] =	vst v7;
	v7 =	vor.u32 $0x11, v32  }
0x237: {  	v35 =	vld.idx.msk [tilespmem:v4+s19+$0x0], $0xffff  }
0x238: {  	[tilespmem:$0x1FEA0] =	vst v6;
	v6 =	vor.u32 $0xB, v32;
	v4 =	vld.idx.msk [tilespmem:v13+s18+$0x0], $0xffff  }
0x239: {  	v21 =	vld.idx.msk [tilespmem:v2+s18+$0x0], $0xffff  }
0x23a: {  	[tilespmem:$0x1FE30] =	vst v5;
	v5 =	vld [tilespmem:$0x1FFE0]  }
0x23b: {  	v11 =	vld.idx.msk [tilespmem:v7+s19+$0x0], $0xffff  }
0x23c: {  	[tilespmem:$0x1FE20] =	vst v3;
	v3 =	vlaneseq.u32;
	v25 =	vld.idx.msk [tilespmem:v7+s18+$0x0], $0xffff;
	v7 =	vor.u32 $0x5, v32  }
0x23d: {  	v28 =	vor.u32 $0xC300, v3;
	v24 =	vld.idx.msk [tilespmem:v6+s19+$0x0], $0xffff  }
0x23e: {  	v3 =	vor.u32 s22, v28;
	v41 =	vld.idx.msk [tilespmem:v6+s18+$0x0], $0xffff  }
0x23f: {  	vm0 =	veq.s32 v3, v5;
	v5 =	vld.idx.msk [tilespmem:v2+s19+$0x0], $0xffff  }
0x240: {  	v6 =	vld.idx.msk [tilespmem:v16+s16+$0x0], $0xffff;
	v3 =	vor.u32 $0x13, v32  }
0x241: {  	v39 =	vld.idx.msk [tilespmem:v7+s19+$0x0], $0xffff  }
0x242: {  	v2 =	vor.u32 $0x9, v32;
	v57 =	vld.idx.msk [tilespmem:v7+s18+$0x0], $0xffff  }
0x243: {  	[tilespmem:$0x1FE80] =	vst v11;
	v7 =	vld.idx.msk [tilespmem:v15+s3+$0x0], $0xffff  }
0x244: {  	v11 =	vor.u32 $0xC, v32;
	[tilespmem:$0x1FE40] =	vst v5;
	v5 =	vld [tilespmem:$0x1FEB0]  }
0x245: {  	v8 =	vld.idx.msk [tilespmem:v3+s19+$0x0], $0xffff  }
0x246: {  	v23 =	vld.idx.msk [tilespmem:v3+s18+$0x0], $0xffff  }
0x247: {  	v3 =	vor.u32 $0x7, v32;
	v27 =	vld.idx.msk [tilespmem:v2+s19+$0x0], $0xffff  }
0x248: {  	v1 =	vand.u32 $0x7FFFFFFF, v1;
	v0 =	vand.u32 $0x7FFFFFFF, v0;
	v47 =	vld.idx.msk [tilespmem:v2+s18+$0x0], $0xffff  }
0x249: {  	v0 =	vadd.f32 v1, v0;
	v42 =	vld.idx.msk [tilespmem:v11+s19+$0x0], $0xffff  }
0x24a: {  	v1 =	vor.u32 $0x12, v32;
	v56 =	vld.idx.msk [tilespmem:v11+s18+$0x0], $0xffff  }
0x24b: {  	v0 =	vsel vm0, $0x0, v0;
	[tilespmem:$0x1FE60] =	vst v8;
	v8 =	vld.idx.msk [tilespmem:v38+s18+$0x0], $0xffff  }
0x24c: {  	v11 =	vor.u32 $0x1, v32;
	v5 =	vadd.f32 v0, v5;
	v33 =	vld.idx.msk [tilespmem:v3+s19+$0x0], $0xffff  }
0x24d: {  	v54 =	vld.idx.msk [tilespmem:v3+s18+$0x0], $0xffff  }
0x24e: {  	[tilespmem:$0x1FEB0] =	vst v5;
	v5 =	vld.idx.msk [tilespmem:v37+s18+$0x0], $0xffff  }
0x24f: {  	v37 =	vld.idx.msk [tilespmem:v1+s19+$0x0], $0xffff  }
0x250: {  	v0 =	vor.u32 $0x10, v32;
	v1 =	vld.idx.msk [tilespmem:v1+s18+$0x0], $0xffff  }
0x251: {  	v51 =	vld.idx.msk [tilespmem:v11+s19+$0x0], $0xffff  }
0x252: {  	v60 =	vld.idx.msk [tilespmem:v11+s18+$0x0], $0xffff  }
0x253: {  	v11 =	vld.idx.msk [tilespmem:v58+s16+$0x0], $0xffff  }
0x254: {  	v58 =	vld.idx.msk [tilespmem:v16+s3+$0x0], $0xffff  }
0x255: {  	v38 =	vld.idx.msk [tilespmem:v0+s19+$0x0], $0xffff  }
0x256: {  	v19 =	vld.idx.msk [tilespmem:v0+s18+$0x0], $0xffff;
	v0 =	vor.u32 $0x4, v32  }
0x257: {  	v32 =	vld.idx.msk [tilespmem:v50+s3+$0x0], $0xffff  }
0x258: {  	v50 =	vld.idx.msk [tilespmem:v50+s16+$0x0], $0xffff  }
0x259: {  	v13 =	vld.idx.msk [tilespmem:v8+s3+$0x0], $0xffff  }
0x25a: {  	v8 =	vld.idx.msk [tilespmem:v8+s16+$0x0], $0xffff  }
0x25b: {  	v48 =	vld.idx.msk [tilespmem:v0+s19+$0x0], $0xffff  }
0x25c: {  	v0 =	vld.idx.msk [tilespmem:v0+s18+$0x0], $0xffff  }
0x25d: {  	p1 =	sne.s32 s23, $0x40;
	v52 =	vld.idx.msk [tilespmem:v5+s3+$0x0], $0xffff  }
.Ltmp5:
0x25e: {  	v53 =	vld.idx.msk [tilespmem:v5+s16+$0x0], $0xffff;
	(pc) =	sbr.rel @p1 .LBB2_7-.Ltmp5, $4  }
0x25f: {  	v5 =	vld.idx.msk [tilespmem:v1+s3+$0x0], $0xffff  }
0x260: {  	v2 =	vld.idx.msk [tilespmem:v1+s16+$0x0], $0xffff  }
0x261: {  	v1 =	vld.idx.msk [tilespmem:v19+s3+$0x0], $0xffff  }
0x262: {  	s22 =	smov.u32 s23;
	s23 =	sadd.s32 $0x10, s23;
	v3 =	vld.idx.msk [tilespmem:v19+s16+$0x0], $0xffff  }
0x263: {  	_ =	sdelay $0x3  }
0x264: {  	v15 =	vld.idx.msk [tilespmem:v55+s3+$0x0], $0xffff  }
0x265: {  	v16 =	vld.idx.msk [tilespmem:v55+s16+$0x0], $0xffff  }
0x266: {  	v17 =	vld.idx.msk [tilespmem:v56+s3+$0x0], $0xffff  }
0x267: {  	v18 =	vld.idx.msk [tilespmem:v56+s16+$0x0], $0xffff  }
0x268: {  	v19 =	vld.idx.msk [tilespmem:v4+s3+$0x0], $0xffff  }
0x269: {  	v4 =	vld.idx.msk [tilespmem:v4+s16+$0x0], $0xffff  }
0x26a: {  	v9 =	vmul.f32 v9, v26;
	v11 =	vmul.f32 v11, v26;
	v56 =	vld.idx.msk [tilespmem:v63+s3+$0x0], $0xffff  }
0x26b: {  	v26 =	vmul.f32 v13, v30;
	v30 =	vmul.f32 v8, v30;
	v8 =	vld.idx.msk [tilespmem:v63+s16+$0x0], $0xffff  }
0x26c: {  	v55 =	vmul.f32 v12, v31;
	v12 =	vld.idx.msk [tilespmem:v61+s3+$0x0], $0xffff  }
0x26d: {  	v13 =	vld.idx.msk [tilespmem:v61+s16+$0x0], $0xffff  }
0x26e: {  	v31 =	vmul.f32 v14, v31;
	v63 =	vld.idx.msk [tilespmem:v0+s3+$0x0], $0xffff  }
0x26f: {  	v7 =	vmul.f32 v7, v34;
	v10 =	vmul.f32 v10, v34;
	v0 =	vld.idx.msk [tilespmem:v0+s16+$0x0], $0xffff  }
0x270: {  	v14 =	vmul.f32 v58, v35;
	v6 =	vmul.f32 v6, v35;
	v35 =	vld.idx.msk [tilespmem:v62+s3+$0x0], $0xffff  }
0x271: {  	v58 =	vld.idx.msk [tilespmem:v60+s3+$0x0], $0xffff;
	v5 =	vmul.f32 v5, v37;
	v2 =	vmul.f32 v2, v37  }
0x272: {  	v60 =	vld.idx.msk [tilespmem:v60+s16+$0x0], $0xffff;
	v1 =	vmul.f32 v1, v38;
	v3 =	vmul.f32 v3, v38  }
0x273: {  	v37 =	vld.idx.msk [tilespmem:v62+s16+$0x0], $0xffff;
	v15 =	vmul.f32 v15, v40;
	v16 =	vmul.f32 v16, v40  }
0x274: {  	v62 =	vld.idx.msk [tilespmem:v59+s16+$0x0], $0xffff;
	v17 =	vmul.f32 v17, v42;
	v18 =	vmul.f32 v18, v42  }
0x275: {  	v61 =	vld.idx.msk [tilespmem:v59+s3+$0x0], $0xffff;
	v19 =	vmul.f32 v19, v43;
	v4 =	vmul.f32 v4, v43  }
0x276: {  	v42 =	vmul.f32 v56, v44;
	v8 =	vmul.f32 v8, v44;
	v56 =	vld.idx.msk [tilespmem:v57+s16+$0x0], $0xffff  }
0x277: {  	v9 =	vadd.f32 $0.0e+00, v9;
	v34 =	vmul.f32 v63, v48;
	v63 =	vld.idx.msk [tilespmem:v57+s3+$0x0], $0xffff;
	v40 =	vmul.f32 v60, v51  }
0x278: {  	v11 =	vadd.f32 $0.0e+00, v11;
	v38 =	vmul.f32 v58, v51;
	v58 =	vld.idx.msk [tilespmem:v54+s16+$0x0], $0xffff;
	v37 =	vmul.f32 v37, v49  }
0x279: {  	v35 =	vmul.f32 v35, v49;
	v57 =	vld.idx.msk [tilespmem:v54+s3+$0x0], $0xffff;
	v44 =	vmul.f32 v62, v45;
	v59 =	vadd.f32 $0.0e+00, v40  }
0x27a: {  	v13 =	vmul.f32 v13, v46;
	v0 =	vmul.f32 v0, v48;
	v62 =	vld.idx.msk [tilespmem:v47+s16+$0x0], $0xffff;
	v11 =	vadd.f32 v37, v11  }
0x27b: {  	v60 =	vld.idx.msk [tilespmem:v47+s3+$0x0], $0xffff;
	v9 =	vadd.f32 v35, v9;
	v35 =	vadd.f32 v44, v59;
	v44 =	vmul.f32 v56, v39  }
0x27c: {  	v43 =	vmul.f32 v61, v45;
	v38 =	vadd.f32 $0.0e+00, v38;
	v47 =	vld.idx.msk [tilespmem:v41+s16+$0x0], $0xffff;
	v0 =	vadd.f32 v0, v11  }
0x27d: {  	v45 =	vld.idx.msk [tilespmem:v41+s3+$0x0], $0xffff;
	v49 =	vmul.f32 v58, v33;
	v35 =	vadd.f32 v44, v35  }
0x27e: {  	v61 =	vadd.f32 v43, v38;
	v63 =	vmul.f32 v63, v39;
	v0 =	vadd.f32 v13, v0;
	v13 =	vld.idx.msk [tilespmem:v36+s16+$0x0], $0xffff  }
0x27f: {  	v37 =	vld [tilespmem:$0x1FE60];
	v48 =	vmul.f32 v57, v33;
	v54 =	vmul.f32 v62, v27;
	v33 =	vadd.f32 v49, v35  }
0x280: {  	v12 =	vmul.f32 v12, v46;
	v9 =	vadd.f32 v34, v9;
	v51 =	vmul.f32 v60, v27;
	v58 =	vld.idx.msk [tilespmem:v29+s16+$0x0], $0xffff  }
0x281: {  	v56 =	vld.idx.msk [tilespmem:v29+s3+$0x0], $0xffff;
	v46 =	vadd.f32 v63, v61;
	v60 =	vmul.f32 v47, v24;
	v27 =	vadd.f32 v54, v33  }
0x282: {  	v9 =	vadd.f32 v12, v9;
	v12 =	vld.idx.msk [tilespmem:v36+s3+$0x0], $0xffff;
	v59 =	vmul.f32 v45, v24  }
0x283: {  	v29 =	vld.idx.msk [tilespmem:v21+s16+$0x0], $0xffff;
	v11 =	vadd.f32 v48, v46;
	v24 =	vadd.f32 v60, v27;
	v13 =	vmul.f32 v13, v22  }
0x284: {  	v61 =	vld.idx.msk [tilespmem:v25+s3+$0x0], $0xffff  }
0x285: {  	v63 =	vld.idx.msk [tilespmem:v25+s16+$0x0], $0xffff;
	v57 =	vadd.f32 v51, v11;
	v11 =	vmul.f32 v58, v20;
	v13 =	vadd.f32 v13, v24  }
0x286: {  	v25 =	vld.idx.msk [tilespmem:v23+s3+$0x0], $0xffff;
	v0 =	vadd.f32 v8, v0  }
0x287: {  	v12 =	vmul.f32 v12, v22;
	v62 =	vadd.f32 v59, v57;
	v11 =	vadd.f32 v11, v13;
	v13 =	vld [tilespmem:$0x1FEA0]  }
0x288: {  	v9 =	vadd.f32 v42, v9;
	v33 =	vld [tilespmem:$0x1FE80]  }
0x289: {  	v0 =	vadd.f32 v4, v0;
	v4 =	vadd.f32 v12, v62;
	v12 =	vld.idx.msk [tilespmem:v23+s16+$0x0], $0xffff  }
0x28a: {  	v44 =	vld [tilespmem:$0x1FE10]  }
0x28b: {  	v42 =	vld [tilespmem:$0x1FE50];
	v9 =	vadd.f32 v19, v9;
	v0 =	vadd.f32 v18, v0  }
0x28c: {  	v46 =	vld [tilespmem:$0x1FE30];
	v27 =	vmul.f32 v56, v20  }
0x28d: {  	v9 =	vadd.f32 v17, v9;
	v56 =	vld [tilespmem:$0x1FDF0];
	v0 =	vadd.f32 v16, v0  }
0x28e: {  	v34 =	vmul.f32 v61, v33;
	v4 =	vadd.f32 v27, v4;
	v38 =	vmul.f32 v12, v37;
	v12 =	vld [tilespmem:$0x1FE90]  }
0x28f: {  	v9 =	vadd.f32 v15, v9;
	v35 =	vld.idx.msk [tilespmem:v13+s3+$0x0], $0xffff  }
0x290: {  	v0 =	vadd.f32 v3, v0;
	v3 =	vadd.f32 v34, v4;
	v36 =	vld.idx.msk [tilespmem:v13+s16+$0x0], $0xffff;
	v13 =	vmul.f32 v25, v37  }
0x291: {  	v15 =	vld.idx.msk [tilespmem:v21+s3+$0x0], $0xffff;
	v1 =	vadd.f32 v1, v9  }
0x292: {  	v0 =	vadd.f32 v2, v0;
	v2 =	vadd.f32 v13, v3;
	v13 =	vld [tilespmem:$0x1FE40]  }
0x293: {  	v59 =	vld [tilespmem:$0x1FDC0];
	v1 =	vadd.f32 v5, v1  }
0x294: {  	v43 =	vld.idx.msk [tilespmem:v42+s3+$0x0], $0xffff  }
0x295: {  	v1 =	vadd.f32 v14, v1;
	v14 =	vld [tilespmem:$0x1FE70]  }
0x296: {  	v39 =	vld.idx.msk [tilespmem:v12+s3+$0x0], $0xffff  }
0x297: {  	v3 =	vld.idx.msk [tilespmem:v12+s16+$0x0], $0xffff;
	v12 =	vmul.f32 v15, v13  }
0x298: {  	v45 =	vld.idx.msk [tilespmem:v42+s16+$0x0], $0xffff  }
0x299: {  	v8 =	vmul.f32 v63, v33;
	v2 =	vadd.f32 v12, v2;
	v12 =	vld [tilespmem:$0x1FE20]  }
0x29a: {  	v61 =	vld [tilespmem:$0x1FDD0]  }
0x29b: {  	v47 =	vld.idx.msk [tilespmem:v46+s3+$0x0], $0xffff;
	v8 =	vadd.f32 v8, v11  }
0x29c: {  	v48 =	vld [tilespmem:$0x1FE00];
	v60 =	vmul.f32 v32, v59  }
0x29d: {  	v57 =	vmul.f32 v43, v56;
	v8 =	vadd.f32 v38, v8;
	v40 =	vmul.f32 v29, v13;
	v13 =	vld.idx.msk [tilespmem:v14+s3+$0x0], $0xffff  }
0x29e: {  	v58 =	vmul.f32 v45, v56;
	v0 =	vadd.f32 v6, v0;
	v41 =	vld.idx.msk [tilespmem:v14+s16+$0x0], $0xffff;
	v9 =	vmul.f32 v35, v12  }
0x29f: {  	v1 =	vadd.f32 v7, v1;
	v8 =	vadd.f32 v40, v8;
	v4 =	vmul.f32 v36, v12;
	v12 =	vld [tilespmem:$0x1FDE0]  }
0x2a0: {  	v62 =	vmul.f32 v47, v61;
	v5 =	vmul.f32 v39, v44;
	v2 =	vadd.f32 v9, v2  }
0x2a1: {  	v54 =	vld.idx.msk [tilespmem:v46+s16+$0x0], $0xffff;
	v0 =	vadd.f32 v10, v0;
	v3 =	vmul.f32 v3, v44;
	v4 =	vadd.f32 v4, v8  }
0x2a2: {  	v1 =	vadd.f32 v55, v1;
	v49 =	vmul.f32 v13, v48;
	v2 =	vadd.f32 v5, v2  }
0x2a3: {  	v0 =	vadd.f32 v31, v0;
	v51 =	vmul.f32 v41, v48;
	v3 =	vadd.f32 v3, v4  }
0x2a4: {  	v1 =	vadd.f32 v26, v1;
	v52 =	vmul.f32 v52, v12;
	v2 =	vadd.f32 v49, v2  }
0x2a5: {  	v0 =	vadd.f32 v30, v0;
	v55 =	vmul.f32 v53, v12;
	v3 =	vadd.f32 v51, v3  }
0x2a6: {  	v63 =	vmul.f32 v54, v61;
	v1 =	vadd.f32 v52, v1;
	v2 =	vadd.f32 v57, v2  }
0x2a7: {  	v8 =	vmul.f32 v50, v59;
	v0 =	vadd.f32 v55, v0;
	v3 =	vadd.f32 v58, v3  }
0x2a8: {  	v1 =	vadd.f32 v60, v1;
	v2 =	vadd.f32 v62, v2  }
0x2a9: {  	v0 =	vadd.f32 v8, v0;
	v3 =	vadd.f32 v63, v3  }
0x2aa: {  	v1 =	vadd.f32 v2, v1;
	v2 =	vld [tilespmem:$0x1FFE0]  }
0x2ab: {  	v0 =	vadd.f32 v3, v0;
	_ =	sdelay $0x1  }
0x2ac: {  	v1 =	vand.u32 $0x7FFFFFFF, v1;
	v0 =	vand.u32 $0x7FFFFFFF, v0  }
0x2ad: {  	v0 =	vadd.f32 v0, v1;
	v1 =	vor.u32 s22, v28  }
0x2ae: {  	vm0 =	veq.s32 v1, v2;
	v1 =	vld [tilespmem:$0x1FEB0];
	_ =	sdelay $0x3  }
0x2af: {  	v0 =	vsel vm0, $0x0, v0  }
0x2b0: {  	v0 =	vadd.f32 v0, v1;
	v1 =	vld [tilespmem:$0x1FEE0]  }
.Ltmp6:
0x2b1: {  	_ = 	snop;
	(pc) =	sbr.rel .LBB2_9-.Ltmp6, $2  }
0x2b2: {  	_ =	sdelay $0x2  }
0x2b3: {  	v14 =	vlaneseq.u32;
	v0 =	vadd.f32 v0, v1;
	v1 =	vld [tilespmem:$0x1FFF0]  }
.LBB2_10:
0x2b4: {  	_ =	sfence.sel $0x180000  }
0x2b5: {  	[bflag:$0x0] =	sbarrier.arrive $0xFFFF  }
0x2b6: {  	p0 =	sne.s32 s0, $0x0;
	_ =	strace $0x90000047  }
0x2b7: {  	s0 =	sadd.s32 @!p0 $0x100000, s1;
	[bflag:$0x2] =	sbarrier.arrive $0xFFFF  }
0x2b8: {  	[sflag:s0] =	ssyncadd.tile.s32 @!p0 $0x1;
	_ =	shalt  }
.Lfunc_end2:
_tile_overlayer_lowered:
.L_overlay_start_2:
0x2b9: {  	(tag) =	ssettag $0x2  }
0x2ba: {  	s0 =	rddreg [dreg:$0x0];
	s2 =	stileid.u32  }
0x2bb: {  	s1 =	rddreg [dreg:$0x1];
	p0 =	sne.s32 s2, $0x0  }
0x2bc: {  	s3 =	rddreg [dreg:$0x2];
	[bflag:$0x3] =	sbarrier.arrive $0xFFFF;
	s2 =	simm.s32 @!p0 $0x1C01  }
0x2bd: {  	[timem:s3], [sflag:s2] =	dma.local @!p0 [hbm:s0], s1  }
0x2be: {  	s0 =	simm.s32 @!p0 $0x1  }
0x2bf: {  	_ =	swait.ge @!p0 [sflag:s0], s1  }
0x2c0: {  	s1 =	ssub.s32 @!p0 $0x0, s1;
	[sflag:s0] =	ssyncset.done @!p0 $0x0  }
0x2c1: {  	[sflag:s0] =	ssyncadd.s32 @!p0 s1  }
0x2c2: {  	[bflag:$0x3] =	sbarrier.arrive $0xFFFF  }
0x2c3: {  	_ =	shalt  }

</sc_bundles>
